<compile_context>
chip_gen: v7x
topology: tpu7x:2x2x1
jax: 0.10.2.dev20260603
libtpu: 0.0.44.dev20260713+nightly
codegen_flags: <defaults>
</compile_context>

<pallas_src>
import functools

import jax
import jax.numpy as jnp
from jax import lax
from jax.experimental import pallas as pl
from jax.experimental.pallas import tpu as pltpu
from jax.experimental.pallas import tpu_sc as plsc

N = 10000
NP = 10240
D_IN = 128
D_HID = 128
D_LAT = 64
E = 320000

NC = 2
NS = 16
LANES = 16
GRP = 128
G = 80
E_PAD = NC * NS * G * GRP
STRIPE = NP // NS

_MESH = plsc.VectorSubcoreMesh(
    core_axis_name="c", subcore_axis_name="s", num_cores=NC, num_subcores=NS
)


def _slab_copy(ei3, tail3, row, wid, p, rpt, pr, dstref):
    @pl.when(wid < NC * NS - 1)
    def _():
        pltpu.sync_copy(ei3.at[row, pl.ds(wid * rpt + p * pr, pr), :], dstref)

    @pl.when(wid == NC * NS - 1)
    def _():
        pltpu.sync_copy(tail3.at[row, pl.ds(p * pr, pr), :], dstref)


def _deg_body(ei3_hbm, tail3_hbm, out_hbm, shared, idx_v, ones_v, zero_v):
    c = lax.axis_index("c")
    s = lax.axis_index("s")
    wid = c * NS + s

    @pl.loop(0, STRIPE // LANES)
    def _(k):
        zero_v[pl.ds(k * LANES, LANES)] = jnp.zeros((LANES,), jnp.float32)

    @pl.loop(0, GRP // LANES)
    def _(k):
        ones_v[pl.ds(k * LANES, LANES)] = jnp.ones((LANES,), jnp.float32)

    pltpu.sync_copy(zero_v, shared.at[pl.ds(s * STRIPE, STRIPE)])
    _slab_copy(ei3_hbm, tail3_hbm, 1, wid, 0, G, G, idx_v)
    plsc.subcore_barrier()

    @pl.loop(0, G)
    def _(j):
        pltpu.sync_copy(ones_v, shared.at[idx_v.at[j]], add=True)

    plsc.subcore_barrier()
    pltpu.sync_copy(
        shared.at[pl.ds(s * STRIPE, STRIPE)],
        out_hbm.at[c, pl.ds(s * STRIPE, STRIPE)],
    )


_deg_kernel = functools.partial(
    pl.kernel,
    out_type=jax.ShapeDtypeStruct((NC, NP), jnp.float32),
    mesh=_MESH,
    scratch_types=[
        pltpu.VMEM_SHARED((NP,), jnp.float32),
        pltpu.VMEM((G, GRP), jnp.int32),
        pltpu.VMEM((GRP,), jnp.float32),
        pltpu.VMEM((STRIPE,), jnp.float32),
    ],
)(_deg_body)


def _make_agg(D, tc_tiling, phases, nbuf, grp, gtot, lookahead=2):
    assert NC * NS * gtot * grp == E_PAD
    GP = gtot // phases
    L = lookahead
    assert GP % nbuf == 0 and 2 <= L < nbuf

    RPT = (E_PAD // (NC * NS)) // grp
    PR = RPT // phases

    def body(g_hbm, ei3_hbm, tail3_hbm, out_hbm, shared, srcv, dstv, *rest):
        bufs = rest[:nbuf]
        gsems = rest[nbuf:2 * nbuf]
        ssems = rest[2 * nbuf:3 * nbuf]
        c = lax.axis_index("c")
        s = lax.axis_index("s")
        wid = c * NS + s

        def gather(j, u):
            pltpu.async_copy(g_hbm.at[srcv.at[j]], bufs[u], gsems[u])

        def gather_wait(u):
            pltpu.make_async_copy(g_hbm.at[srcv.at[0]], bufs[u], gsems[u]).wait()

        def scat(j, u):
            pltpu.async_copy(bufs[u], shared.at[dstv.at[j]], ssems[u], add=True)

        def scat_wait(u):
            pltpu.make_async_copy(bufs[u], shared.at[dstv.at[0]], ssems[u]).wait()

        pltpu.sync_copy(
            g_hbm.at[pl.ds(s * STRIPE, STRIPE), :],
            shared.at[pl.ds(s * STRIPE, STRIPE), :],
        )
        plsc.subcore_barrier()

        @pl.loop(0, phases)
        def _(p):
            _slab_copy(ei3_hbm, tail3_hbm, 0, wid, p, RPT, PR, srcv)
            _slab_copy(ei3_hbm, tail3_hbm, 1, wid, p, RPT, PR, dstv)
            for l in range(L):
                gather(l, l)

            @pl.loop(0, GP // nbuf)
            def _(k):
                jb = nbuf * k
                for u in range(nbuf):
                    j = jb + u
                    gather_wait(u)
                    scat(j, u)
                    nu = (u + L) % nbuf
                    nj = j + L

                    @pl.when(nj < GP)
                    def _():
                        @pl.when(nj - nbuf >= 0)
                        def _():
                            scat_wait(nu)

                        gather(nj, nu)

            for u in range(nbuf):
                scat_wait(u)

        plsc.subcore_barrier()
        pltpu.sync_copy(
            shared.at[pl.ds(s * STRIPE, STRIPE), :],
            out_hbm.at[c, pl.ds(s * STRIPE, STRIPE), :],
        )

    return functools.partial(
        pl.kernel,
        out_type=jax.ShapeDtypeStruct((NC, NP, D), jnp.float32),
        mesh=_MESH,
        scratch_types=[
            pltpu.VMEM_SHARED((NP, D), jnp.float32),
            pltpu.VMEM((GP, grp), jnp.int32),
            pltpu.VMEM((GP, grp), jnp.int32),
        ]
        + [pltpu.VMEM((grp, D), jnp.float32)] * nbuf
        + [pltpu.SemaphoreType.DMA] * (2 * nbuf),
        compiler_params=pltpu.CompilerParams(use_tc_tiling_on_sc=tc_tiling),
    )(body)


_agg_hid = _make_agg(D_HID, False, 2, 8, 32, 320, lookahead=6)
_agg_lat = _make_agg(D_LAT, False, 1, 8, 128, 80, lookahead=6)


_R = 1024


def _k1a_body(x_ref, w_ref, h_ref):
    h_ref[...] = jnp.dot(x_ref[...], w_ref[...], preferred_element_type=jnp.float32)


def _k1b_body(h_ref, deg_ref, g_ref, dinv_ref):
    deg = deg_ref[0] + deg_ref[1] + 1.0
    dinv = lax.rsqrt(deg)[:, None]
    g_ref[...] = h_ref[...] * dinv
    dinv_ref[...] = dinv


def _k3_body(acc_ref, g1_ref, dinv_ref, b1_ref, w2_ref, g2_ref):
    dinv = dinv_ref[...]
    agg = acc_ref[0] + acc_ref[1] - g1_ref[...]
    h = jnp.maximum(agg * dinv + b1_ref[...], 0.0)
    g2_ref[...] = (
        jnp.dot(h, w2_ref[...], preferred_element_type=jnp.float32) * dinv
    )


def _k5_body(acc_ref, g2_ref, dinv_ref, b2_ref, out_ref):
    dinv = dinv_ref[...]
    agg = acc_ref[0] + acc_ref[1] - g2_ref[...]
    out_ref[...] = agg * dinv + b2_ref[...]


def _tc_matmul(x, W1):
    return pl.pallas_call(
        _k1a_body,
        grid=(N // _R5,),
        in_specs=[
            pl.BlockSpec((_R5, D_IN), lambda i: (i, 0)),
            pl.BlockSpec((D_IN, D_HID), lambda i: (0, 0)),
        ],
        out_specs=pl.BlockSpec((_R5, D_HID), lambda i: (i, 0)),
        out_shape=jax.ShapeDtypeStruct((NP, D_HID), jnp.float32),
    )(x, W1)


def _tc_scale(h1, degs):
    return pl.pallas_call(
        _k1b_body,
        grid=(NP // _R,),
        in_specs=[
            pl.BlockSpec((_R, D_HID), lambda i: (i, 0)),
            pl.BlockSpec((NC, _R), lambda i: (0, i)),
        ],
        out_specs=[
            pl.BlockSpec((_R, D_HID), lambda i: (i, 0)),
            pl.BlockSpec((_R, 1), lambda i: (i, 0)),
        ],
        out_shape=[
            jax.ShapeDtypeStruct((NP, D_HID), jnp.float32),
            jax.ShapeDtypeStruct((NP, 1), jnp.float32),
        ],
    )(h1, degs)


def _tc_mid(acc1, g1, dinv, b1r, W2):
    return pl.pallas_call(
        _k3_body,
        grid=(NP // _R,),
        in_specs=[
            pl.BlockSpec((NC, _R, D_HID), lambda i: (0, i, 0)),
            pl.BlockSpec((_R, D_HID), lambda i: (i, 0)),
            pl.BlockSpec((_R, 1), lambda i: (i, 0)),
            pl.BlockSpec((1, D_HID), lambda i: (0, 0)),
            pl.BlockSpec((D_HID, D_LAT), lambda i: (0, 0)),
        ],
        out_specs=pl.BlockSpec((_R, D_LAT), lambda i: (i, 0)),
        out_shape=jax.ShapeDtypeStruct((NP, D_LAT), jnp.float32),
    )(acc1, g1, dinv, b1r, W2)


_R5 = 1000


def _tc_final(acc2, g2, dinv, b2r):
    return pl.pallas_call(
        _k5_body,
        grid=(N // _R5,),
        in_specs=[
            pl.BlockSpec((NC, _R5, D_LAT), lambda i: (0, i, 0)),
            pl.BlockSpec((_R5, D_LAT), lambda i: (i, 0)),
            pl.BlockSpec((_R5, 1), lambda i: (i, 0)),
            pl.BlockSpec((1, D_LAT), lambda i: (0, 0)),
        ],
        out_specs=pl.BlockSpec((_R5, D_LAT), lambda i: (i, 0)),
        out_shape=jax.ShapeDtypeStruct((N, D_LAT), jnp.float32),
    )(acc2, g2, dinv, b2r)


def kernel(x, edge_index, W1, b1, W2, b2):
    ei = edge_index.astype(jnp.int32)
    epw = E_PAD // (NC * NS)
    pad_idx = N + (jnp.arange(E_PAD - E, dtype=jnp.int32) % (NP - N))
    tail = jnp.concatenate(
        [ei[:, (NC * NS - 1) * epw:], jnp.stack([pad_idx, pad_idx])], axis=1
    )
    ei3a = ei.reshape(2, E // 32, 32)
    ei3b = ei.reshape(2, E // 128, 128)
    tail3a = tail.reshape(2, epw // 32, 32)
    tail3b = tail.reshape(2, epw // 128, 128)

    h1 = _tc_matmul(x, W1)
    degs = _deg_kernel(ei3b, tail3b)
    g1, dinv = _tc_scale(h1, degs)
    acc1 = _agg_hid(g1, ei3a, tail3a)
    g2 = _tc_mid(acc1, g1, dinv, b1.reshape(1, D_HID), W2)
    acc2 = _agg_lat(g2, ei3b, tail3b)
    return _tc_final(acc2, g2, dinv, b2.reshape(1, D_LAT))

# --- scband reference (transcript-rebuilt; emitter-appended) ---
"""Pipeline reference for scband-gcnencoder-52853867545095 (READ-ONLY COPY).

The authoritative reference and input builder live on the scoring server;
editing this copy changes nothing except your own understanding.
"""

import jax, jax.numpy as jnp
import numpy as np

N_NODES = 10000
D_IN = 128
D_HID = 128
D_LAT = 64
N_EDGES = 320000


def _gcn_conv(x, edge_index, W, b, num_nodes):
    # PyG GCNConv: add self-loops, symmetric normalization D^-1/2 (A+I) D^-1/2 X W + b
    src = edge_index[0]
    dst = edge_index[1]
    loop = jnp.arange(num_nodes, dtype=edge_index.dtype)
    src = jnp.concatenate([src, loop])
    dst = jnp.concatenate([dst, loop])
    ones = jnp.ones(src.shape[0], dtype=x.dtype)
    deg = jnp.zeros((num_nodes,), dtype=x.dtype).at[dst].add(ones)
    deg_inv_sqrt = jnp.where(deg > 0, 1.0 / jnp.sqrt(deg), 0.0)
    norm = deg_inv_sqrt[src] * deg_inv_sqrt[dst]
    h = x @ W  # linear transform first (standard GCNConv)
    msg = h[src] * norm[:, None]
    out = jnp.zeros((num_nodes, W.shape[1]), dtype=x.dtype).at[dst].add(msg)
    return out + b


def setup_inputs(seed: int = 0) -> dict:
    key = jax.random.key(seed)
    k_x, k_e, k_w1, k_b1, k_w2, k_b2 = jax.random.split(key, 6)
    x = jax.random.normal(k_x, (N_NODES, D_IN), dtype=jnp.float32)
    edge_index = jax.random.randint(k_e, (2, N_EDGES), 0, N_NODES, dtype=jnp.int64)
    # Glorot-style init for GCNConv weights
    W1 = jax.random.normal(k_w1, (D_IN, D_HID), dtype=jnp.float32) * (1.0 / np.sqrt(D_IN))
    b1 = jnp.zeros((D_HID,), dtype=jnp.float32)
    W2 = jax.random.normal(k_w2, (D_HID, D_LAT), dtype=jnp.float32) * (1.0 / np.sqrt(D_HID))
    b2 = jnp.zeros((D_LAT,), dtype=jnp.float32)
    return {"x": x, "edge_index": edge_index, "W1": W1, "b1": b1, "W2": W2, "b2": b2}


def reference(x, edge_index, W1, b1, W2, b2):
    h = _gcn_conv(x, edge_index, W1, b1, N_NODES)
    h = jax.nn.relu(h)
    # F.dropout(training=self.training) -> identity in eval mode
    out = _gcn_conv(h, edge_index, W2, b2, N_NODES)
    return out

if __name__ == "__main__":
    import jax
    _d = setup_inputs()
    print(jax.jit(kernel)(*tuple(_d.values())))

</pallas_src>

<mosaic_0001>
#map = affine_map<(d0, d1) -> (0, 0)>
#map1 = affine_map<(d0, d1) -> (0, 0, 0)>
module attributes {stable_mosaic.version = 14 : i64} {
  func.func @body(%arg0: i32, %arg1: i32, %arg2: memref<10240x128xf32, #tpu.memory_space<hbm>>, %arg3: memref<2x10000x32xi32, #tpu.memory_space<hbm>>, %arg4: memref<2x320x32xi32, #tpu.memory_space<hbm>>, %arg5: memref<2x10240x128xf32, #tpu.memory_space<hbm>>, %arg6: memref<10240x128xf32, #tpu.memory_space<vmem_shared>>, %arg7: memref<160x32xi32, #tpu.memory_space<vmem>>, %arg8: memref<160x32xi32, #tpu.memory_space<vmem>>, %arg9: memref<32x128xf32, #tpu.memory_space<vmem>>, %arg10: memref<32x128xf32, #tpu.memory_space<vmem>>, %arg11: memref<32x128xf32, #tpu.memory_space<vmem>>, %arg12: memref<32x128xf32, #tpu.memory_space<vmem>>, %arg13: memref<32x128xf32, #tpu.memory_space<vmem>>, %arg14: memref<32x128xf32, #tpu.memory_space<vmem>>, %arg15: memref<32x128xf32, #tpu.memory_space<vmem>>, %arg16: memref<32x128xf32, #tpu.memory_space<vmem>>, %arg17: memref<!tpu.dma_semaphore, #tpu.memory_space<semaphore_mem>>, %arg18: memref<!tpu.dma_semaphore, #tpu.memory_space<semaphore_mem>>, %arg19: memref<!tpu.dma_semaphore, #tpu.memory_space<semaphore_mem>>, %arg20: memref<!tpu.dma_semaphore, #tpu.memory_space<semaphore_mem>>, %arg21: memref<!tpu.dma_semaphore, #tpu.memory_space<semaphore_mem>>, %arg22: memref<!tpu.dma_semaphore, #tpu.memory_space<semaphore_mem>>, %arg23: memref<!tpu.dma_semaphore, #tpu.memory_space<semaphore_mem>>, %arg24: memref<!tpu.dma_semaphore, #tpu.memory_space<semaphore_mem>>, %arg25: memref<!tpu.dma_semaphore, #tpu.memory_space<semaphore_mem>>, %arg26: memref<!tpu.dma_semaphore, #tpu.memory_space<semaphore_mem>>, %arg27: memref<!tpu.dma_semaphore, #tpu.memory_space<semaphore_mem>>, %arg28: memref<!tpu.dma_semaphore, #tpu.memory_space<semaphore_mem>>, %arg29: memref<!tpu.dma_semaphore, #tpu.memory_space<semaphore_mem>>, %arg30: memref<!tpu.dma_semaphore, #tpu.memory_space<semaphore_mem>>, %arg31: memref<!tpu.dma_semaphore, #tpu.memory_space<semaphore_mem>>, %arg32: memref<!tpu.dma_semaphore, #tpu.memory_space<semaphore_mem>>) attributes {dimension_semantics = [#tpu.dimension_semantics<core_parallel>, #tpu.dimension_semantics<subcore_parallel>], iteration_bounds = array<i64: 2, 16>, scalar_prefetch = 0 : i64, scratch_operands = 27 : i64, tpu.core_type = #tpu.core_type<sc_vector_subcore>, window_params = [{transform_indices = #map}, {transform_indices = #map1}, {transform_indices = #map1}, {transform_indices = #map1}]} {
    %mul3A = arith.constant 16 : i32
    %mul3A_0 = arith.muli %arg0, %mul3A : i32
    %add3A = arith.addi %mul3A_0, %arg1 : i32
    %mul3A_1 = arith.constant 640 : i32
    %mul3A_2 = arith.muli %arg1, %mul3A_1 : i32
    %mul3A_3 = arith.constant 640 : i32
    %mul3A_4 = arith.muli %arg1, %mul3A_3 : i32
    "tpu.region"() ({
      %run_scoped3A = tpu.sem_alloc : memref<!tpu.dma_semaphore, #tpu.memory_space<semaphore_mem>>
      %dma_start3A = arith.constant 0 : i32
      %dma_start3A_14 = tpu.memref_slice %arg6[%mul3A_4, %dma_start3A] : memref<10240x128xf32, #tpu.memory_space<vmem_shared>> -> memref<640x128xf32, #tpu.memory_space<vmem_shared>>
      %dma_start3A_15 = arith.constant 0 : i32
      %dma_start3A_16 = tpu.memref_slice %arg2[%mul3A_2, %dma_start3A_15] : memref<10240x128xf32, #tpu.memory_space<hbm>> -> memref<640x128xf32, #tpu.memory_space<hbm>>
      tpu.enqueue_dma source(%dma_start3A_16 : memref<640x128xf32, #tpu.memory_space<hbm>>) target(%dma_start3A_14 : memref<640x128xf32, #tpu.memory_space<vmem_shared>>) target_semaphore(%run_scoped3A : memref<!tpu.dma_semaphore, #tpu.memory_space<semaphore_mem>>)
      %dma_wait3A = arith.constant 0 : i32
      %dma_wait3A_17 = tpu.memref_slice %arg6[%mul3A_4, %dma_wait3A] : memref<10240x128xf32, #tpu.memory_space<vmem_shared>> -> memref<640x128xf32, #tpu.memory_space<vmem_shared>>
      %dma_wait3A_18 = arith.constant 0 : i32
      %dma_wait3A_19 = tpu.memref_slice %arg2[%mul3A_2, %dma_wait3A_18] : memref<10240x128xf32, #tpu.memory_space<hbm>> -> memref<640x128xf32, #tpu.memory_space<hbm>>
      tpu.wait_dma2 semaphore(%run_scoped3A : memref<!tpu.dma_semaphore, #tpu.memory_space<semaphore_mem>>) src(%dma_wait3A_19 : memref<640x128xf32, #tpu.memory_space<hbm>>) dst(%dma_wait3A_17 : memref<640x128xf32, #tpu.memory_space<vmem_shared>>)
      tpu.yield
    }) : () -> ()
    %barrier3A = arith.constant 0 : index
    tpu.barrier barrier_id(%barrier3A)
    %scan3A = arith.constant 0 : i32
    %scan3A_5 = arith.constant 2 : i32
    %scan3A_6 = arith.addi %scan3A, %scan3A_5 : i32
    %scan3A_7 = arith.constant 1 : i32
    scf.for %scan3A_14 = %scan3A to %scan3A_6 step %scan3A_7  : i32 {
      %mul3A_15 = arith.constant 1 : i32
      %mul3A_16 = arith.muli %scan3A_14, %mul3A_15 : i32
      %add3A_17 = arith.constant 0 : i32
      %add3A_18 = arith.addi %add3A_17, %mul3A_16 : i32
      %lt3A = arith.constant 31 : i32
      %lt3A_19 = arith.cmpi slt, %add3A, %lt3A : i32
      %convert_element_type3A = arith.extui %lt3A_19 : i1 to i32
      %cond3A = arith.constant 0 : i32
      %cond3A_20 = arith.cmpi ne, %convert_element_type3A, %cond3A : i32
      scf.if %cond3A_20 {
        %mul3A_136 = arith.constant 320 : i32
        %mul3A_137 = arith.muli %add3A, %mul3A_136 : i32
        %mul3A_138 = arith.constant 160 : i32
        %mul3A_139 = arith.muli %add3A_18, %mul3A_138 : i32
        %add3A_140 = arith.addi %mul3A_137, %mul3A_139 : i32
        %run_scoped3A = arith.constant 0 : i32
        "tpu.region"() ({
          %run_scoped3A_141 = tpu.sem_alloc : memref<!tpu.dma_semaphore, #tpu.memory_space<semaphore_mem>>
          %dma_start3A_142 = arith.constant 0 : i32
          %dma_start3A_143 = tpu.memref_slice %arg3[%run_scoped3A, %add3A_140, %dma_start3A_142] : memref<2x10000x32xi32, #tpu.memory_space<hbm>> -> memref<1x160x32xi32, #tpu.memory_space<hbm>>
          %dma_start3A_144 = tpu.memref_squeeze %dma_start3A_143 : memref<1x160x32xi32, #tpu.memory_space<hbm>> -> memref<160x32xi32, #tpu.memory_space<hbm>>
          %dma_start3A_145 = arith.constant 0 : i32
          %dma_start3A_146 = tpu.memref_slice %arg3[%run_scoped3A, %add3A_140, %dma_start3A_145] : memref<2x10000x32xi32, #tpu.memory_space<hbm>> -> memref<1x160x32xi32, #tpu.memory_space<hbm>>
          %dma_start3A_147 = tpu.memref_squeeze %dma_start3A_146 : memref<1x160x32xi32, #tpu.memory_space<hbm>> -> memref<160x32xi32, #tpu.memory_space<hbm>>
          tpu.enqueue_dma source(%dma_start3A_147 : memref<160x32xi32, #tpu.memory_space<hbm>>) target(%arg7 : memref<160x32xi32, #tpu.memory_space<vmem>>) target_semaphore(%run_scoped3A_141 : memref<!tpu.dma_semaphore, #tpu.memory_space<semaphore_mem>>)
          %dma_wait3A_148 = arith.constant 0 : i32
          %dma_wait3A_149 = tpu.memref_slice %arg3[%run_scoped3A, %add3A_140, %dma_wait3A_148] : memref<2x10000x32xi32, #tpu.memory_space<hbm>> -> memref<1x160x32xi32, #tpu.memory_space<hbm>>
          %dma_wait3A_150 = tpu.memref_squeeze %dma_wait3A_149 : memref<1x160x32xi32, #tpu.memory_space<hbm>> -> memref<160x32xi32, #tpu.memory_space<hbm>>
          %dma_wait3A_151 = arith.constant 0 : i32
          %dma_wait3A_152 = tpu.memref_slice %arg3[%run_scoped3A, %add3A_140, %dma_wait3A_151] : memref<2x10000x32xi32, #tpu.memory_space<hbm>> -> memref<1x160x32xi32, #tpu.memory_space<hbm>>
          %dma_wait3A_153 = tpu.memref_squeeze %dma_wait3A_152 : memref<1x160x32xi32, #tpu.memory_space<hbm>> -> memref<160x32xi32, #tpu.memory_space<hbm>>
          tpu.wait_dma2 semaphore(%run_scoped3A_141 : memref<!tpu.dma_semaphore, #tpu.memory_space<semaphore_mem>>) src(%dma_wait3A_153 : memref<160x32xi32, #tpu.memory_space<hbm>>) dst(%arg7 : memref<160x32xi32, #tpu.memory_space<vmem>>)
          tpu.yield
        }) : () -> ()
      } else {
      }
      %eq3A = arith.constant 31 : i32
      %eq3A_21 = arith.cmpi eq, %add3A, %eq3A : i32
      %convert_element_type3A_22 = arith.extui %eq3A_21 : i1 to i32
      %cond3A_23 = arith.constant 0 : i32
      %cond3A_24 = arith.cmpi ne, %convert_element_type3A_22, %cond3A_23 : i32
      scf.if %cond3A_24 {
        %mul3A_136 = arith.constant 160 : i32
        %mul3A_137 = arith.muli %add3A_18, %mul3A_136 : i32
        %run_scoped3A = arith.constant 0 : i32
        "tpu.region"() ({
          %run_scoped3A_138 = tpu.sem_alloc : memref<!tpu.dma_semaphore, #tpu.memory_space<semaphore_mem>>
          %dma_start3A_139 = arith.constant 0 : i32
          %dma_start3A_140 = tpu.memref_slice %arg4[%run_scoped3A, %mul3A_137, %dma_start3A_139] : memref<2x320x32xi32, #tpu.memory_space<hbm>> -> memref<1x160x32xi32, #tpu.memory_space<hbm>>
          %dma_start3A_141 = tpu.memref_squeeze %dma_start3A_140 : memref<1x160x32xi32, #tpu.memory_space<hbm>> -> memref<160x32xi32, #tpu.memory_space<hbm>>
          %dma_start3A_142 = arith.constant 0 : i32
          %dma_start3A_143 = tpu.memref_slice %arg4[%run_scoped3A, %mul3A_137, %dma_start3A_142] : memref<2x320x32xi32, #tpu.memory_space<hbm>> -> memref<1x160x32xi32, #tpu.memory_space<hbm>>
          %dma_start3A_144 = tpu.memref_squeeze %dma_start3A_143 : memref<1x160x32xi32, #tpu.memory_space<hbm>> -> memref<160x32xi32, #tpu.memory_space<hbm>>
          tpu.enqueue_dma source(%dma_start3A_144 : memref<160x32xi32, #tpu.memory_space<hbm>>) target(%arg7 : memref<160x32xi32, #tpu.memory_space<vmem>>) target_semaphore(%run_scoped3A_138 : memref<!tpu.dma_semaphore, #tpu.memory_space<semaphore_mem>>)
          %dma_wait3A_145 = arith.constant 0 : i32
          %dma_wait3A_146 = tpu.memref_slice %arg4[%run_scoped3A, %mul3A_137, %dma_wait3A_145] : memref<2x320x32xi32, #tpu.memory_space<hbm>> -> memref<1x160x32xi32, #tpu.memory_space<hbm>>
          %dma_wait3A_147 = tpu.memref_squeeze %dma_wait3A_146 : memref<1x160x32xi32, #tpu.memory_space<hbm>> -> memref<160x32xi32, #tpu.memory_space<hbm>>
          %dma_wait3A_148 = arith.constant 0 : i32
          %dma_wait3A_149 = tpu.memref_slice %arg4[%run_scoped3A, %mul3A_137, %dma_wait3A_148] : memref<2x320x32xi32, #tpu.memory_space<hbm>> -> memref<1x160x32xi32, #tpu.memory_space<hbm>>
          %dma_wait3A_150 = tpu.memref_squeeze %dma_wait3A_149 : memref<1x160x32xi32, #tpu.memory_space<hbm>> -> memref<160x32xi32, #tpu.memory_space<hbm>>
          tpu.wait_dma2 semaphore(%run_scoped3A_138 : memref<!tpu.dma_semaphore, #tpu.memory_space<semaphore_mem>>) src(%dma_wait3A_150 : memref<160x32xi32, #tpu.memory_space<hbm>>) dst(%arg7 : memref<160x32xi32, #tpu.memory_space<vmem>>)
          tpu.yield
        }) : () -> ()
      } else {
      }
      %lt3A_25 = arith.constant 31 : i32
      %lt3A_26 = arith.cmpi slt, %add3A, %lt3A_25 : i32
      %convert_element_type3A_27 = arith.extui %lt3A_26 : i1 to i32
      %cond3A_28 = arith.constant 0 : i32
      %cond3A_29 = arith.cmpi ne, %convert_element_type3A_27, %cond3A_28 : i32
      scf.if %cond3A_29 {
        %mul3A_136 = arith.constant 320 : i32
        %mul3A_137 = arith.muli %add3A, %mul3A_136 : i32
        %mul3A_138 = arith.constant 160 : i32
        %mul3A_139 = arith.muli %add3A_18, %mul3A_138 : i32
        %add3A_140 = arith.addi %mul3A_137, %mul3A_139 : i32
        %run_scoped3A = arith.constant 1 : i32
        "tpu.region"() ({
          %run_scoped3A_141 = tpu.sem_alloc : memref<!tpu.dma_semaphore, #tpu.memory_space<semaphore_mem>>
          %dma_start3A_142 = arith.constant 0 : i32
          %dma_start3A_143 = tpu.memref_slice %arg3[%run_scoped3A, %add3A_140, %dma_start3A_142] : memref<2x10000x32xi32, #tpu.memory_space<hbm>> -> memref<1x160x32xi32, #tpu.memory_space<hbm>>
          %dma_start3A_144 = tpu.memref_squeeze %dma_start3A_143 : memref<1x160x32xi32, #tpu.memory_space<hbm>> -> memref<160x32xi32, #tpu.memory_space<hbm>>
          %dma_start3A_145 = arith.constant 0 : i32
          %dma_start3A_146 = tpu.memref_slice %arg3[%run_scoped3A, %add3A_140, %dma_start3A_145] : memref<2x10000x32xi32, #tpu.memory_space<hbm>> -> memref<1x160x32xi32, #tpu.memory_space<hbm>>
          %dma_start3A_147 = tpu.memref_squeeze %dma_start3A_146 : memref<1x160x32xi32, #tpu.memory_space<hbm>> -> memref<160x32xi32, #tpu.memory_space<hbm>>
          tpu.enqueue_dma source(%dma_start3A_147 : memref<160x32xi32, #tpu.memory_space<hbm>>) target(%arg8 : memref<160x32xi32, #tpu.memory_space<vmem>>) target_semaphore(%run_scoped3A_141 : memref<!tpu.dma_semaphore, #tpu.memory_space<semaphore_mem>>)
          %dma_wait3A_148 = arith.constant 0 : i32
          %dma_wait3A_149 = tpu.memref_slice %arg3[%run_scoped3A, %add3A_140, %dma_wait3A_148] : memref<2x10000x32xi32, #tpu.memory_space<hbm>> -> memref<1x160x32xi32, #tpu.memory_space<hbm>>
          %dma_wait3A_150 = tpu.memref_squeeze %dma_wait3A_149 : memref<1x160x32xi32, #tpu.memory_space<hbm>> -> memref<160x32xi32, #tpu.memory_space<hbm>>
          %dma_wait3A_151 = arith.constant 0 : i32
          %dma_wait3A_152 = tpu.memref_slice %arg3[%run_scoped3A, %add3A_140, %dma_wait3A_151] : memref<2x10000x32xi32, #tpu.memory_space<hbm>> -> memref<1x160x32xi32, #tpu.memory_space<hbm>>
          %dma_wait3A_153 = tpu.memref_squeeze %dma_wait3A_152 : memref<1x160x32xi32, #tpu.memory_space<hbm>> -> memref<160x32xi32, #tpu.memory_space<hbm>>
          tpu.wait_dma2 semaphore(%run_scoped3A_141 : memref<!tpu.dma_semaphore, #tpu.memory_space<semaphore_mem>>) src(%dma_wait3A_153 : memref<160x32xi32, #tpu.memory_space<hbm>>) dst(%arg8 : memref<160x32xi32, #tpu.memory_space<vmem>>)
          tpu.yield
        }) : () -> ()
      } else {
      }
      %eq3A_30 = arith.constant 31 : i32
      %eq3A_31 = arith.cmpi eq, %add3A, %eq3A_30 : i32
      %convert_element_type3A_32 = arith.extui %eq3A_31 : i1 to i32
      %cond3A_33 = arith.constant 0 : i32
      %cond3A_34 = arith.cmpi ne, %convert_element_type3A_32, %cond3A_33 : i32
      scf.if %cond3A_34 {
        %mul3A_136 = arith.constant 160 : i32
        %mul3A_137 = arith.muli %add3A_18, %mul3A_136 : i32
        %run_scoped3A = arith.constant 1 : i32
        "tpu.region"() ({
          %run_scoped3A_138 = tpu.sem_alloc : memref<!tpu.dma_semaphore, #tpu.memory_space<semaphore_mem>>
          %dma_start3A_139 = arith.constant 0 : i32
          %dma_start3A_140 = tpu.memref_slice %arg4[%run_scoped3A, %mul3A_137, %dma_start3A_139] : memref<2x320x32xi32, #tpu.memory_space<hbm>> -> memref<1x160x32xi32, #tpu.memory_space<hbm>>
          %dma_start3A_141 = tpu.memref_squeeze %dma_start3A_140 : memref<1x160x32xi32, #tpu.memory_space<hbm>> -> memref<160x32xi32, #tpu.memory_space<hbm>>
          %dma_start3A_142 = arith.constant 0 : i32
          %dma_start3A_143 = tpu.memref_slice %arg4[%run_scoped3A, %mul3A_137, %dma_start3A_142] : memref<2x320x32xi32, #tpu.memory_space<hbm>> -> memref<1x160x32xi32, #tpu.memory_space<hbm>>
          %dma_start3A_144 = tpu.memref_squeeze %dma_start3A_143 : memref<1x160x32xi32, #tpu.memory_space<hbm>> -> memref<160x32xi32, #tpu.memory_space<hbm>>
          tpu.enqueue_dma source(%dma_start3A_144 : memref<160x32xi32, #tpu.memory_space<hbm>>) target(%arg8 : memref<160x32xi32, #tpu.memory_space<vmem>>) target_semaphore(%run_scoped3A_138 : memref<!tpu.dma_semaphore, #tpu.memory_space<semaphore_mem>>)
          %dma_wait3A_145 = arith.constant 0 : i32
          %dma_wait3A_146 = tpu.memref_slice %arg4[%run_scoped3A, %mul3A_137, %dma_wait3A_145] : memref<2x320x32xi32, #tpu.memory_space<hbm>> -> memref<1x160x32xi32, #tpu.memory_space<hbm>>
          %dma_wait3A_147 = tpu.memref_squeeze %dma_wait3A_146 : memref<1x160x32xi32, #tpu.memory_space<hbm>> -> memref<160x32xi32, #tpu.memory_space<hbm>>
          %dma_wait3A_148 = arith.constant 0 : i32
          %dma_wait3A_149 = tpu.memref_slice %arg4[%run_scoped3A, %mul3A_137, %dma_wait3A_148] : memref<2x320x32xi32, #tpu.memory_space<hbm>> -> memref<1x160x32xi32, #tpu.memory_space<hbm>>
          %dma_wait3A_150 = tpu.memref_squeeze %dma_wait3A_149 : memref<1x160x32xi32, #tpu.memory_space<hbm>> -> memref<160x32xi32, #tpu.memory_space<hbm>>
          tpu.wait_dma2 semaphore(%run_scoped3A_138 : memref<!tpu.dma_semaphore, #tpu.memory_space<semaphore_mem>>) src(%dma_wait3A_150 : memref<160x32xi32, #tpu.memory_space<hbm>>) dst(%arg8 : memref<160x32xi32, #tpu.memory_space<vmem>>)
          tpu.yield
        }) : () -> ()
      } else {
      }
      %dma_start3A = arith.constant 0 : i32
      %dma_start3A_35 = arith.constant 0 : i32
      %dma_start3A_36 = tpu.memref_slice %arg7[%dma_start3A, %dma_start3A_35] : memref<160x32xi32, #tpu.memory_space<vmem>> -> memref<1x32xi32, #tpu.memory_space<vmem>>
      %dma_start3A_37 = tpu.memref_squeeze %dma_start3A_36 : memref<1x32xi32, #tpu.memory_space<vmem>> -> memref<32xi32, #tpu.memory_space<vmem>>
      %dma_start3A_38 = arith.constant 0 : i32
      %dma_start3A_39 = arith.constant 0 : i32
      %dma_start3A_40 = tpu.memref_slice %arg2[%dma_start3A_38, %dma_start3A_39] : memref<10240x128xf32, #tpu.memory_space<hbm>> -> memref<10240x128xf32, #tpu.memory_space<hbm>>
      tpu.enqueue_indirect_dma source(%dma_start3A_40 : memref<10240x128xf32, #tpu.memory_space<hbm>>) target(%arg9 : memref<32x128xf32, #tpu.memory_space<vmem>>) offsets(%dma_start3A_37 : memref<32xi32, #tpu.memory_space<vmem>>) semaphore(%arg17 : memref<!tpu.dma_semaphore, #tpu.memory_space<semaphore_mem>>)
      %dma_start3A_41 = arith.constant 1 : i32
      %dma_start3A_42 = arith.constant 0 : i32
      %dma_start3A_43 = tpu.memref_slice %arg7[%dma_start3A_41, %dma_start3A_42] : memref<160x32xi32, #tpu.memory_space<vmem>> -> memref<1x32xi32, #tpu.memory_space<vmem>>
      %dma_start3A_44 = tpu.memref_squeeze %dma_start3A_43 : memref<1x32xi32, #tpu.memory_space<vmem>> -> memref<32xi32, #tpu.memory_space<vmem>>
      %dma_start3A_45 = arith.constant 0 : i32
      %dma_start3A_46 = arith.constant 0 : i32
      %dma_start3A_47 = tpu.memref_slice %arg2[%dma_start3A_45, %dma_start3A_46] : memref<10240x128xf32, #tpu.memory_space<hbm>> -> memref<10240x128xf32, #tpu.memory_space<hbm>>
      tpu.enqueue_indirect_dma source(%dma_start3A_47 : memref<10240x128xf32, #tpu.memory_space<hbm>>) target(%arg10 : memref<32x128xf32, #tpu.memory_space<vmem>>) offsets(%dma_start3A_44 : memref<32xi32, #tpu.memory_space<vmem>>) semaphore(%arg18 : memref<!tpu.dma_semaphore, #tpu.memory_space<semaphore_mem>>)
      %dma_start3A_48 = arith.constant 2 : i32
      %dma_start3A_49 = arith.constant 0 : i32
      %dma_start3A_50 = tpu.memref_slice %arg7[%dma_start3A_48, %dma_start3A_49] : memref<160x32xi32, #tpu.memory_space<vmem>> -> memref<1x32xi32, #tpu.memory_space<vmem>>
      %dma_start3A_51 = tpu.memref_squeeze %dma_start3A_50 : memref<1x32xi32, #tpu.memory_space<vmem>> -> memref<32xi32, #tpu.memory_space<vmem>>
      %dma_start3A_52 = arith.constant 0 : i32
      %dma_start3A_53 = arith.constant 0 : i32
      %dma_start3A_54 = tpu.memref_slice %arg2[%dma_start3A_52, %dma_start3A_53] : memref<10240x128xf32, #tpu.memory_space<hbm>> -> memref<10240x128xf32, #tpu.memory_space<hbm>>
      tpu.enqueue_indirect_dma source(%dma_start3A_54 : memref<10240x128xf32, #tpu.memory_space<hbm>>) target(%arg11 : memref<32x128xf32, #tpu.memory_space<vmem>>) offsets(%dma_start3A_51 : memref<32xi32, #tpu.memory_space<vmem>>) semaphore(%arg19 : memref<!tpu.dma_semaphore, #tpu.memory_space<semaphore_mem>>)
      %dma_start3A_55 = arith.constant 3 : i32
      %dma_start3A_56 = arith.constant 0 : i32
      %dma_start3A_57 = tpu.memref_slice %arg7[%dma_start3A_55, %dma_start3A_56] : memref<160x32xi32, #tpu.memory_space<vmem>> -> memref<1x32xi32, #tpu.memory_space<vmem>>
      %dma_start3A_58 = tpu.memref_squeeze %dma_start3A_57 : memref<1x32xi32, #tpu.memory_space<vmem>> -> memref<32xi32, #tpu.memory_space<vmem>>
      %dma_start3A_59 = arith.constant 0 : i32
      %dma_start3A_60 = arith.constant 0 : i32
      %dma_start3A_61 = tpu.memref_slice %arg2[%dma_start3A_59, %dma_start3A_60] : memref<10240x128xf32, #tpu.memory_space<hbm>> -> memref<10240x128xf32, #tpu.memory_space<hbm>>
      tpu.enqueue_indirect_dma source(%dma_start3A_61 : memref<10240x128xf32, #tpu.memory_space<hbm>>) target(%arg12 : memref<32x128xf32, #tpu.memory_space<vmem>>) offsets(%dma_start3A_58 : memref<32xi32, #tpu.memory_space<vmem>>) semaphore(%arg20 : memref<!tpu.dma_semaphore, #tpu.memory_space<semaphore_mem>>)
      %dma_start3A_62 = arith.constant 4 : i32
      %dma_start3A_63 = arith.constant 0 : i32
      %dma_start3A_64 = tpu.memref_slice %arg7[%dma_start3A_62, %dma_start3A_63] : memref<160x32xi32, #tpu.memory_space<vmem>> -> memref<1x32xi32, #tpu.memory_space<vmem>>
      %dma_start3A_65 = tpu.memref_squeeze %dma_start3A_64 : memref<1x32xi32, #tpu.memory_space<vmem>> -> memref<32xi32, #tpu.memory_space<vmem>>
      %dma_start3A_66 = arith.constant 0 : i32
      %dma_start3A_67 = arith.constant 0 : i32
      %dma_start3A_68 = tpu.memref_slice %arg2[%dma_start3A_66, %dma_start3A_67] : memref<10240x128xf32, #tpu.memory_space<hbm>> -> memref<10240x128xf32, #tpu.memory_space<hbm>>
      tpu.enqueue_indirect_dma source(%dma_start3A_68 : memref<10240x128xf32, #tpu.memory_space<hbm>>) target(%arg13 : memref<32x128xf32, #tpu.memory_space<vmem>>) offsets(%dma_start3A_65 : memref<32xi32, #tpu.memory_space<vmem>>) semaphore(%arg21 : memref<!tpu.dma_semaphore, #tpu.memory_space<semaphore_mem>>)
      %dma_start3A_69 = arith.constant 5 : i32
      %dma_start3A_70 = arith.constant 0 : i32
      %dma_start3A_71 = tpu.memref_slice %arg7[%dma_start3A_69, %dma_start3A_70] : memref<160x32xi32, #tpu.memory_space<vmem>> -> memref<1x32xi32, #tpu.memory_space<vmem>>
      %dma_start3A_72 = tpu.memref_squeeze %dma_start3A_71 : memref<1x32xi32, #tpu.memory_space<vmem>> -> memref<32xi32, #tpu.memory_space<vmem>>
      %dma_start3A_73 = arith.constant 0 : i32
      %dma_start3A_74 = arith.constant 0 : i32
      %dma_start3A_75 = tpu.memref_slice %arg2[%dma_start3A_73, %dma_start3A_74] : memref<10240x128xf32, #tpu.memory_space<hbm>> -> memref<10240x128xf32, #tpu.memory_space<hbm>>
      tpu.enqueue_indirect_dma source(%dma_start3A_75 : memref<10240x128xf32, #tpu.memory_space<hbm>>) target(%arg14 : memref<32x128xf32, #tpu.memory_space<vmem>>) offsets(%dma_start3A_72 : memref<32xi32, #tpu.memory_space<vmem>>) semaphore(%arg22 : memref<!tpu.dma_semaphore, #tpu.memory_space<semaphore_mem>>)
      %scan3A_76 = arith.constant 0 : i32
      %scan3A_77 = arith.constant 20 : i32
      %scan3A_78 = arith.addi %scan3A_76, %scan3A_77 : i32
      %scan3A_79 = arith.constant 1 : i32
      scf.for %scan3A_136 = %scan3A_76 to %scan3A_78 step %scan3A_79  : i32 {
        %mul3A_137 = arith.constant 1 : i32
        %mul3A_138 = arith.muli %scan3A_136, %mul3A_137 : i32
        %add3A_139 = arith.constant 0 : i32
        %add3A_140 = arith.addi %add3A_139, %mul3A_138 : i32
        %mul3A_141 = arith.constant 8 : i32
        %mul3A_142 = arith.muli %mul3A_141, %add3A_140 : i32
        %add3A_143 = arith.constant 0 : i32
        %add3A_144 = arith.addi %mul3A_142, %add3A_143 : i32
        %dma_wait3A_145 = arith.constant 0 : i32
        %dma_wait3A_146 = arith.constant 0 : i32
        %dma_wait3A_147 = tpu.memref_slice %arg7[%dma_wait3A_145, %dma_wait3A_146] : memref<160x32xi32, #tpu.memory_space<vmem>> -> memref<1x32xi32, #tpu.memory_space<vmem>>
        %dma_wait3A_148 = tpu.memref_squeeze %dma_wait3A_147 : memref<1x32xi32, #tpu.memory_space<vmem>> -> memref<32xi32, #tpu.memory_space<vmem>>
        %dma_wait3A_149 = arith.constant 0 : i32
        %dma_wait3A_150 = arith.constant 0 : i32
        %dma_wait3A_151 = tpu.memref_slice %arg2[%dma_wait3A_149, %dma_wait3A_150] : memref<10240x128xf32, #tpu.memory_space<hbm>> -> memref<10240x128xf32, #tpu.memory_space<hbm>>
        tpu.wait_indirect_dma semaphore(%arg17 : memref<!tpu.dma_semaphore, #tpu.memory_space<semaphore_mem>>) src(%dma_wait3A_151 : memref<10240x128xf32, #tpu.memory_space<hbm>>) dst(%arg9 : memref<32x128xf32, #tpu.memory_space<vmem>>)
        %dma_start3A_152 = arith.constant 0 : i32
        %dma_start3A_153 = tpu.memref_slice %arg8[%add3A_144, %dma_start3A_152] : memref<160x32xi32, #tpu.memory_space<vmem>> -> memref<1x32xi32, #tpu.memory_space<vmem>>
        %dma_start3A_154 = tpu.memref_squeeze %dma_start3A_153 : memref<1x32xi32, #tpu.memory_space<vmem>> -> memref<32xi32, #tpu.memory_space<vmem>>
        %dma_start3A_155 = arith.constant 0 : i32
        %dma_start3A_156 = arith.constant 0 : i32
        %dma_start3A_157 = tpu.memref_slice %arg6[%dma_start3A_155, %dma_start3A_156] : memref<10240x128xf32, #tpu.memory_space<vmem_shared>> -> memref<10240x128xf32, #tpu.memory_space<vmem_shared>>
        tpu.enqueue_indirect_dma source(%arg9 : memref<32x128xf32, #tpu.memory_space<vmem>>) target(%dma_start3A_157 : memref<10240x128xf32, #tpu.memory_space<vmem_shared>>) offsets(%dma_start3A_154 : memref<32xi32, #tpu.memory_space<vmem>>) semaphore(%arg25 : memref<!tpu.dma_semaphore, #tpu.memory_space<semaphore_mem>>) {add = true}
        %add3A_158 = arith.constant 6 : i32
        %add3A_159 = arith.addi %add3A_144, %add3A_158 : i32
        %lt3A_160 = arith.constant 160 : i32
        %lt3A_161 = arith.cmpi slt, %add3A_159, %lt3A_160 : i32
        %convert_element_type3A_162 = arith.extui %lt3A_161 : i1 to i32
        %cond3A_163 = arith.constant 0 : i32
        %cond3A_164 = arith.cmpi ne, %convert_element_type3A_162, %cond3A_163 : i32
        scf.if %cond3A_164 {
          %sub3A = arith.constant 8 : i32
          %sub3A_319 = arith.subi %add3A_159, %sub3A : i32
          %ge3A = arith.constant 0 : i32
          %ge3A_320 = arith.cmpi sge, %sub3A_319, %ge3A : i32
          %convert_element_type3A_321 = arith.extui %ge3A_320 : i1 to i32
          %cond3A_322 = arith.constant 0 : i32
          %cond3A_323 = arith.cmpi ne, %convert_element_type3A_321, %cond3A_322 : i32
          scf.if %cond3A_323 {
            %dma_wait3A_330 = arith.constant 0 : i32
            %dma_wait3A_331 = arith.constant 0 : i32
            %dma_wait3A_332 = tpu.memref_slice %arg8[%dma_wait3A_330, %dma_wait3A_331] : memref<160x32xi32, #tpu.memory_space<vmem>> -> memref<1x32xi32, #tpu.memory_space<vmem>>
            %dma_wait3A_333 = tpu.memref_squeeze %dma_wait3A_332 : memref<1x32xi32, #tpu.memory_space<vmem>> -> memref<32xi32, #tpu.memory_space<vmem>>
            %dma_wait3A_334 = arith.constant 0 : i32
            %dma_wait3A_335 = arith.constant 0 : i32
            %dma_wait3A_336 = tpu.memref_slice %arg6[%dma_wait3A_334, %dma_wait3A_335] : memref<10240x128xf32, #tpu.memory_space<vmem_shared>> -> memref<10240x128xf32, #tpu.memory_space<vmem_shared>>
            tpu.wait_indirect_dma semaphore(%arg31 : memref<!tpu.dma_semaphore, #tpu.memory_space<semaphore_mem>>) src(%arg15 : memref<32x128xf32, #tpu.memory_space<vmem>>) dst(%dma_wait3A_336 : memref<10240x128xf32, #tpu.memory_space<vmem_shared>>)
          } else {
          }
          %dma_start3A_324 = arith.constant 0 : i32
          %dma_start3A_325 = tpu.memref_slice %arg7[%add3A_159, %dma_start3A_324] : memref<160x32xi32, #tpu.memory_space<vmem>> -> memref<1x32xi32, #tpu.memory_space<vmem>>
          %dma_start3A_326 = tpu.memref_squeeze %dma_start3A_325 : memref<1x32xi32, #tpu.memory_space<vmem>> -> memref<32xi32, #tpu.memory_space<vmem>>
          %dma_start3A_327 = arith.constant 0 : i32
          %dma_start3A_328 = arith.constant 0 : i32
          %dma_start3A_329 = tpu.memref_slice %arg2[%dma_start3A_327, %dma_start3A_328] : memref<10240x128xf32, #tpu.memory_space<hbm>> -> memref<10240x128xf32, #tpu.memory_space<hbm>>
          tpu.enqueue_indirect_dma source(%dma_start3A_329 : memref<10240x128xf32, #tpu.memory_space<hbm>>) target(%arg15 : memref<32x128xf32, #tpu.memory_space<vmem>>) offsets(%dma_start3A_326 : memref<32xi32, #tpu.memory_space<vmem>>) semaphore(%arg23 : memref<!tpu.dma_semaphore, #tpu.memory_space<semaphore_mem>>)
        } else {
        }
        %add3A_165 = arith.constant 1 : i32
        %add3A_166 = arith.addi %mul3A_142, %add3A_165 : i32
        %dma_wait3A_167 = arith.constant 0 : i32
        %dma_wait3A_168 = arith.constant 0 : i32
        %dma_wait3A_169 = tpu.memref_slice %arg7[%dma_wait3A_167, %dma_wait3A_168] : memref<160x32xi32, #tpu.memory_space<vmem>> -> memref<1x32xi32, #tpu.memory_space<vmem>>
        %dma_wait3A_170 = tpu.memref_squeeze %dma_wait3A_169 : memref<1x32xi32, #tpu.memory_space<vmem>> -> memref<32xi32, #tpu.memory_space<vmem>>
        %dma_wait3A_171 = arith.constant 0 : i32
        %dma_wait3A_172 = arith.constant 0 : i32
        %dma_wait3A_173 = tpu.memref_slice %arg2[%dma_wait3A_171, %dma_wait3A_172] : memref<10240x128xf32, #tpu.memory_space<hbm>> -> memref<10240x128xf32, #tpu.memory_space<hbm>>
        tpu.wait_indirect_dma semaphore(%arg18 : memref<!tpu.dma_semaphore, #tpu.memory_space<semaphore_mem>>) src(%dma_wait3A_173 : memref<10240x128xf32, #tpu.memory_space<hbm>>) dst(%arg10 : memref<32x128xf32, #tpu.memory_space<vmem>>)
        %dma_start3A_174 = arith.constant 0 : i32
        %dma_start3A_175 = tpu.memref_slice %arg8[%add3A_166, %dma_start3A_174] : memref<160x32xi32, #tpu.memory_space<vmem>> -> memref<1x32xi32, #tpu.memory_space<vmem>>
        %dma_start3A_176 = tpu.memref_squeeze %dma_start3A_175 : memref<1x32xi32, #tpu.memory_space<vmem>> -> memref<32xi32, #tpu.memory_space<vmem>>
        %dma_start3A_177 = arith.constant 0 : i32
        %dma_start3A_178 = arith.constant 0 : i32
        %dma_start3A_179 = tpu.memref_slice %arg6[%dma_start3A_177, %dma_start3A_178] : memref<10240x128xf32, #tpu.memory_space<vmem_shared>> -> memref<10240x128xf32, #tpu.memory_space<vmem_shared>>
        tpu.enqueue_indirect_dma source(%arg10 : memref<32x128xf32, #tpu.memory_space<vmem>>) target(%dma_start3A_179 : memref<10240x128xf32, #tpu.memory_space<vmem_shared>>) offsets(%dma_start3A_176 : memref<32xi32, #tpu.memory_space<vmem>>) semaphore(%arg26 : memref<!tpu.dma_semaphore, #tpu.memory_space<semaphore_mem>>) {add = true}
        %add3A_180 = arith.constant 6 : i32
        %add3A_181 = arith.addi %add3A_166, %add3A_180 : i32
        %lt3A_182 = arith.constant 160 : i32
        %lt3A_183 = arith.cmpi slt, %add3A_181, %lt3A_182 : i32
        %convert_element_type3A_184 = arith.extui %lt3A_183 : i1 to i32
        %cond3A_185 = arith.constant 0 : i32
        %cond3A_186 = arith.cmpi ne, %convert_element_type3A_184, %cond3A_185 : i32
        scf.if %cond3A_186 {
          %sub3A = arith.constant 8 : i32
          %sub3A_319 = arith.subi %add3A_181, %sub3A : i32
          %ge3A = arith.constant 0 : i32
          %ge3A_320 = arith.cmpi sge, %sub3A_319, %ge3A : i32
          %convert_element_type3A_321 = arith.extui %ge3A_320 : i1 to i32
          %cond3A_322 = arith.constant 0 : i32
          %cond3A_323 = arith.cmpi ne, %convert_element_type3A_321, %cond3A_322 : i32
          scf.if %cond3A_323 {
            %dma_wait3A_330 = arith.constant 0 : i32
            %dma_wait3A_331 = arith.constant 0 : i32
            %dma_wait3A_332 = tpu.memref_slice %arg8[%dma_wait3A_330, %dma_wait3A_331] : memref<160x32xi32, #tpu.memory_space<vmem>> -> memref<1x32xi32, #tpu.memory_space<vmem>>
            %dma_wait3A_333 = tpu.memref_squeeze %dma_wait3A_332 : memref<1x32xi32, #tpu.memory_space<vmem>> -> memref<32xi32, #tpu.memory_space<vmem>>
            %dma_wait3A_334 = arith.constant 0 : i32
            %dma_wait3A_335 = arith.constant 0 : i32
            %dma_wait3A_336 = tpu.memref_slice %arg6[%dma_wait3A_334, %dma_wait3A_335] : memref<10240x128xf32, #tpu.memory_space<vmem_shared>> -> memref<10240x128xf32, #tpu.memory_space<vmem_shared>>
            tpu.wait_indirect_dma semaphore(%arg32 : memref<!tpu.dma_semaphore, #tpu.memory_space<semaphore_mem>>) src(%arg16 : memref<32x128xf32, #tpu.memory_space<vmem>>) dst(%dma_wait3A_336 : memref<10240x128xf32, #tpu.memory_space<vmem_shared>>)
          } else {
          }
          %dma_start3A_324 = arith.constant 0 : i32
          %dma_start3A_325 = tpu.memref_slice %arg7[%add3A_181, %dma_start3A_324] : memref<160x32xi32, #tpu.memory_space<vmem>> -> memref<1x32xi32, #tpu.memory_space<vmem>>
          %dma_start3A_326 = tpu.memref_squeeze %dma_start3A_325 : memref<1x32xi32, #tpu.memory_space<vmem>> -> memref<32xi32, #tpu.memory_space<vmem>>
          %dma_start3A_327 = arith.constant 0 : i32
          %dma_start3A_328 = arith.constant 0 : i32
          %dma_start3A_329 = tpu.memref_slice %arg2[%dma_start3A_327, %dma_start3A_328] : memref<10240x128xf32, #tpu.memory_space<hbm>> -> memref<10240x128xf32, #tpu.memory_space<hbm>>
          tpu.enqueue_indirect_dma source(%dma_start3A_329 : memref<10240x128xf32, #tpu.memory_space<hbm>>) target(%arg16 : memref<32x128xf32, #tpu.memory_space<vmem>>) offsets(%dma_start3A_326 : memref<32xi32, #tpu.memory_space<vmem>>) semaphore(%arg24 : memref<!tpu.dma_semaphore, #tpu.memory_space<semaphore_mem>>)
        } else {
        }
        %add3A_187 = arith.constant 2 : i32
        %add3A_188 = arith.addi %mul3A_142, %add3A_187 : i32
        %dma_wait3A_189 = arith.constant 0 : i32
        %dma_wait3A_190 = arith.constant 0 : i32
        %dma_wait3A_191 = tpu.memref_slice %arg7[%dma_wait3A_189, %dma_wait3A_190] : memref<160x32xi32, #tpu.memory_space<vmem>> -> memref<1x32xi32, #tpu.memory_space<vmem>>
        %dma_wait3A_192 = tpu.memref_squeeze %dma_wait3A_191 : memref<1x32xi32, #tpu.memory_space<vmem>> -> memref<32xi32, #tpu.memory_space<vmem>>
        %dma_wait3A_193 = arith.constant 0 : i32
        %dma_wait3A_194 = arith.constant 0 : i32
        %dma_wait3A_195 = tpu.memref_slice %arg2[%dma_wait3A_193, %dma_wait3A_194] : memref<10240x128xf32, #tpu.memory_space<hbm>> -> memref<10240x128xf32, #tpu.memory_space<hbm>>
        tpu.wait_indirect_dma semaphore(%arg19 : memref<!tpu.dma_semaphore, #tpu.memory_space<semaphore_mem>>) src(%dma_wait3A_195 : memref<10240x128xf32, #tpu.memory_space<hbm>>) dst(%arg11 : memref<32x128xf32, #tpu.memory_space<vmem>>)
        %dma_start3A_196 = arith.constant 0 : i32
        %dma_start3A_197 = tpu.memref_slice %arg8[%add3A_188, %dma_start3A_196] : memref<160x32xi32, #tpu.memory_space<vmem>> -> memref<1x32xi32, #tpu.memory_space<vmem>>
        %dma_start3A_198 = tpu.memref_squeeze %dma_start3A_197 : memref<1x32xi32, #tpu.memory_space<vmem>> -> memref<32xi32, #tpu.memory_space<vmem>>
        %dma_start3A_199 = arith.constant 0 : i32
        %dma_start3A_200 = arith.constant 0 : i32
        %dma_start3A_201 = tpu.memref_slice %arg6[%dma_start3A_199, %dma_start3A_200] : memref<10240x128xf32, #tpu.memory_space<vmem_shared>> -> memref<10240x128xf32, #tpu.memory_space<vmem_shared>>
        tpu.enqueue_indirect_dma source(%arg11 : memref<32x128xf32, #tpu.memory_space<vmem>>) target(%dma_start3A_201 : memref<10240x128xf32, #tpu.memory_space<vmem_shared>>) offsets(%dma_start3A_198 : memref<32xi32, #tpu.memory_space<vmem>>) semaphore(%arg27 : memref<!tpu.dma_semaphore, #tpu.memory_space<semaphore_mem>>) {add = true}
        %add3A_202 = arith.constant 6 : i32
        %add3A_203 = arith.addi %add3A_188, %add3A_202 : i32
        %lt3A_204 = arith.constant 160 : i32
        %lt3A_205 = arith.cmpi slt, %add3A_203, %lt3A_204 : i32
        %convert_element_type3A_206 = arith.extui %lt3A_205 : i1 to i32
        %cond3A_207 = arith.constant 0 : i32
        %cond3A_208 = arith.cmpi ne, %convert_element_type3A_206, %cond3A_207 : i32
        scf.if %cond3A_208 {
          %sub3A = arith.constant 8 : i32
          %sub3A_319 = arith.subi %add3A_203, %sub3A : i32
          %ge3A = arith.constant 0 : i32
          %ge3A_320 = arith.cmpi sge, %sub3A_319, %ge3A : i32
          %convert_element_type3A_321 = arith.extui %ge3A_320 : i1 to i32
          %cond3A_322 = arith.constant 0 : i32
          %cond3A_323 = arith.cmpi ne, %convert_element_type3A_321, %cond3A_322 : i32
          scf.if %cond3A_323 {
            %dma_wait3A_330 = arith.constant 0 : i32
            %dma_wait3A_331 = arith.constant 0 : i32
            %dma_wait3A_332 = tpu.memref_slice %arg8[%dma_wait3A_330, %dma_wait3A_331] : memref<160x32xi32, #tpu.memory_space<vmem>> -> memref<1x32xi32, #tpu.memory_space<vmem>>
            %dma_wait3A_333 = tpu.memref_squeeze %dma_wait3A_332 : memref<1x32xi32, #tpu.memory_space<vmem>> -> memref<32xi32, #tpu.memory_space<vmem>>
            %dma_wait3A_334 = arith.constant 0 : i32
            %dma_wait3A_335 = arith.constant 0 : i32
            %dma_wait3A_336 = tpu.memref_slice %arg6[%dma_wait3A_334, %dma_wait3A_335] : memref<10240x128xf32, #tpu.memory_space<vmem_shared>> -> memref<10240x128xf32, #tpu.memory_space<vmem_shared>>
            tpu.wait_indirect_dma semaphore(%arg25 : memref<!tpu.dma_semaphore, #tpu.memory_space<semaphore_mem>>) src(%arg9 : memref<32x128xf32, #tpu.memory_space<vmem>>) dst(%dma_wait3A_336 : memref<10240x128xf32, #tpu.memory_space<vmem_shared>>)
          } else {
          }
          %dma_start3A_324 = arith.constant 0 : i32
          %dma_start3A_325 = tpu.memref_slice %arg7[%add3A_203, %dma_start3A_324] : memref<160x32xi32, #tpu.memory_space<vmem>> -> memref<1x32xi32, #tpu.memory_space<vmem>>
          %dma_start3A_326 = tpu.memref_squeeze %dma_start3A_325 : memref<1x32xi32, #tpu.memory_space<vmem>> -> memref<32xi32, #tpu.memory_space<vmem>>
          %dma_start3A_327 = arith.constant 0 : i32
          %dma_start3A_328 = arith.constant 0 : i32
          %dma_start3A_329 = tpu.memref_slice %arg2[%dma_start3A_327, %dma_start3A_328] : memref<10240x128xf32, #tpu.memory_space<hbm>> -> memref<10240x128xf32, #tpu.memory_space<hbm>>
          tpu.enqueue_indirect_dma source(%dma_start3A_329 : memref<10240x128xf32, #tpu.memory_space<hbm>>) target(%arg9 : memref<32x128xf32, #tpu.memory_space<vmem>>) offsets(%dma_start3A_326 : memref<32xi32, #tpu.memory_space<vmem>>) semaphore(%arg17 : memref<!tpu.dma_semaphore, #tpu.memory_space<semaphore_mem>>)
        } else {
        }
        %add3A_209 = arith.constant 3 : i32
        %add3A_210 = arith.addi %mul3A_142, %add3A_209 : i32
        %dma_wait3A_211 = arith.constant 0 : i32
        %dma_wait3A_212 = arith.constant 0 : i32
        %dma_wait3A_213 = tpu.memref_slice %arg7[%dma_wait3A_211, %dma_wait3A_212] : memref<160x32xi32, #tpu.memory_space<vmem>> -> memref<1x32xi32, #tpu.memory_space<vmem>>
        %dma_wait3A_214 = tpu.memref_squeeze %dma_wait3A_213 : memref<1x32xi32, #tpu.memory_space<vmem>> -> memref<32xi32, #tpu.memory_space<vmem>>
        %dma_wait3A_215 = arith.constant 0 : i32
        %dma_wait3A_216 = arith.constant 0 : i32
        %dma_wait3A_217 = tpu.memref_slice %arg2[%dma_wait3A_215, %dma_wait3A_216] : memref<10240x128xf32, #tpu.memory_space<hbm>> -> memref<10240x128xf32, #tpu.memory_space<hbm>>
        tpu.wait_indirect_dma semaphore(%arg20 : memref<!tpu.dma_semaphore, #tpu.memory_space<semaphore_mem>>) src(%dma_wait3A_217 : memref<10240x128xf32, #tpu.memory_space<hbm>>) dst(%arg12 : memref<32x128xf32, #tpu.memory_space<vmem>>)
        %dma_start3A_218 = arith.constant 0 : i32
        %dma_start3A_219 = tpu.memref_slice %arg8[%add3A_210, %dma_start3A_218] : memref<160x32xi32, #tpu.memory_space<vmem>> -> memref<1x32xi32, #tpu.memory_space<vmem>>
        %dma_start3A_220 = tpu.memref_squeeze %dma_start3A_219 : memref<1x32xi32, #tpu.memory_space<vmem>> -> memref<32xi32, #tpu.memory_space<vmem>>
        %dma_start3A_221 = arith.constant 0 : i32
        %dma_start3A_222 = arith.constant 0 : i32
        %dma_start3A_223 = tpu.memref_slice %arg6[%dma_start3A_221, %dma_start3A_222] : memref<10240x128xf32, #tpu.memory_space<vmem_shared>> -> memref<10240x128xf32, #tpu.memory_space<vmem_shared>>
        tpu.enqueue_indirect_dma source(%arg12 : memref<32x128xf32, #tpu.memory_space<vmem>>) target(%dma_start3A_223 : memref<10240x128xf32, #tpu.memory_space<vmem_shared>>) offsets(%dma_start3A_220 : memref<32xi32, #tpu.memory_space<vmem>>) semaphore(%arg28 : memref<!tpu.dma_semaphore, #tpu.memory_space<semaphore_mem>>) {add = true}
        %add3A_224 = arith.constant 6 : i32
        %add3A_225 = arith.addi %add3A_210, %add3A_224 : i32
        %lt3A_226 = arith.constant 160 : i32
        %lt3A_227 = arith.cmpi slt, %add3A_225, %lt3A_226 : i32
        %convert_element_type3A_228 = arith.extui %lt3A_227 : i1 to i32
        %cond3A_229 = arith.constant 0 : i32
        %cond3A_230 = arith.cmpi ne, %convert_element_type3A_228, %cond3A_229 : i32
        scf.if %cond3A_230 {
          %sub3A = arith.constant 8 : i32
          %sub3A_319 = arith.subi %add3A_225, %sub3A : i32
          %ge3A = arith.constant 0 : i32
          %ge3A_320 = arith.cmpi sge, %sub3A_319, %ge3A : i32
          %convert_element_type3A_321 = arith.extui %ge3A_320 : i1 to i32
          %cond3A_322 = arith.constant 0 : i32
          %cond3A_323 = arith.cmpi ne, %convert_element_type3A_321, %cond3A_322 : i32
          scf.if %cond3A_323 {
            %dma_wait3A_330 = arith.constant 0 : i32
            %dma_wait3A_331 = arith.constant 0 : i32
            %dma_wait3A_332 = tpu.memref_slice %arg8[%dma_wait3A_330, %dma_wait3A_331] : memref<160x32xi32, #tpu.memory_space<vmem>> -> memref<1x32xi32, #tpu.memory_space<vmem>>
            %dma_wait3A_333 = tpu.memref_squeeze %dma_wait3A_332 : memref<1x32xi32, #tpu.memory_space<vmem>> -> memref<32xi32, #tpu.memory_space<vmem>>
            %dma_wait3A_334 = arith.constant 0 : i32
            %dma_wait3A_335 = arith.constant 0 : i32
            %dma_wait3A_336 = tpu.memref_slice %arg6[%dma_wait3A_334, %dma_wait3A_335] : memref<10240x128xf32, #tpu.memory_space<vmem_shared>> -> memref<10240x128xf32, #tpu.memory_space<vmem_shared>>
            tpu.wait_indirect_dma semaphore(%arg26 : memref<!tpu.dma_semaphore, #tpu.memory_space<semaphore_mem>>) src(%arg10 : memref<32x128xf32, #tpu.memory_space<vmem>>) dst(%dma_wait3A_336 : memref<10240x128xf32, #tpu.memory_space<vmem_shared>>)
          } else {
          }
          %dma_start3A_324 = arith.constant 0 : i32
          %dma_start3A_325 = tpu.memref_slice %arg7[%add3A_225, %dma_start3A_324] : memref<160x32xi32, #tpu.memory_space<vmem>> -> memref<1x32xi32, #tpu.memory_space<vmem>>
          %dma_start3A_326 = tpu.memref_squeeze %dma_start3A_325 : memref<1x32xi32, #tpu.memory_space<vmem>> -> memref<32xi32, #tpu.memory_space<vmem>>
          %dma_start3A_327 = arith.constant 0 : i32
          %dma_start3A_328 = arith.constant 0 : i32
          %dma_start3A_329 = tpu.memref_slice %arg2[%dma_start3A_327, %dma_start3A_328] : memref<10240x128xf32, #tpu.memory_space<hbm>> -> memref<10240x128xf32, #tpu.memory_space<hbm>>
          tpu.enqueue_indirect_dma source(%dma_start3A_329 : memref<10240x128xf32, #tpu.memory_space<hbm>>) target(%arg10 : memref<32x128xf32, #tpu.memory_space<vmem>>) offsets(%dma_start3A_326 : memref<32xi32, #tpu.memory_space<vmem>>) semaphore(%arg18 : memref<!tpu.dma_semaphore, #tpu.memory_space<semaphore_mem>>)
        } else {
        }
        %add3A_231 = arith.constant 4 : i32
        %add3A_232 = arith.addi %mul3A_142, %add3A_231 : i32
        %dma_wait3A_233 = arith.constant 0 : i32
        %dma_wait3A_234 = arith.constant 0 : i32
        %dma_wait3A_235 = tpu.memref_slice %arg7[%dma_wait3A_233, %dma_wait3A_234] : memref<160x32xi32, #tpu.memory_space<vmem>> -> memref<1x32xi32, #tpu.memory_space<vmem>>
        %dma_wait3A_236 = tpu.memref_squeeze %dma_wait3A_235 : memref<1x32xi32, #tpu.memory_space<vmem>> -> memref<32xi32, #tpu.memory_space<vmem>>
        %dma_wait3A_237 = arith.constant 0 : i32
        %dma_wait3A_238 = arith.constant 0 : i32
        %dma_wait3A_239 = tpu.memref_slice %arg2[%dma_wait3A_237, %dma_wait3A_238] : memref<10240x128xf32, #tpu.memory_space<hbm>> -> memref<10240x128xf32, #tpu.memory_space<hbm>>
        tpu.wait_indirect_dma semaphore(%arg21 : memref<!tpu.dma_semaphore, #tpu.memory_space<semaphore_mem>>) src(%dma_wait3A_239 : memref<10240x128xf32, #tpu.memory_space<hbm>>) dst(%arg13 : memref<32x128xf32, #tpu.memory_space<vmem>>)
        %dma_start3A_240 = arith.constant 0 : i32
        %dma_start3A_241 = tpu.memref_slice %arg8[%add3A_232, %dma_start3A_240] : memref<160x32xi32, #tpu.memory_space<vmem>> -> memref<1x32xi32, #tpu.memory_space<vmem>>
        %dma_start3A_242 = tpu.memref_squeeze %dma_start3A_241 : memref<1x32xi32, #tpu.memory_space<vmem>> -> memref<32xi32, #tpu.memory_space<vmem>>
        %dma_start3A_243 = arith.constant 0 : i32
        %dma_start3A_244 = arith.constant 0 : i32
        %dma_start3A_245 = tpu.memref_slice %arg6[%dma_start3A_243, %dma_start3A_244] : memref<10240x128xf32, #tpu.memory_space<vmem_shared>> -> memref<10240x128xf32, #tpu.memory_space<vmem_shared>>
        tpu.enqueue_indirect_dma source(%arg13 : memref<32x128xf32, #tpu.memory_space<vmem>>) target(%dma_start3A_245 : memref<10240x128xf32, #tpu.memory_space<vmem_shared>>) offsets(%dma_start3A_242 : memref<32xi32, #tpu.memory_space<vmem>>) semaphore(%arg29 : memref<!tpu.dma_semaphore, #tpu.memory_space<semaphore_mem>>) {add = true}
        %add3A_246 = arith.constant 6 : i32
        %add3A_247 = arith.addi %add3A_232, %add3A_246 : i32
        %lt3A_248 = arith.constant 160 : i32
        %lt3A_249 = arith.cmpi slt, %add3A_247, %lt3A_248 : i32
        %convert_element_type3A_250 = arith.extui %lt3A_249 : i1 to i32
        %cond3A_251 = arith.constant 0 : i32
        %cond3A_252 = arith.cmpi ne, %convert_element_type3A_250, %cond3A_251 : i32
        scf.if %cond3A_252 {
          %sub3A = arith.constant 8 : i32
          %sub3A_319 = arith.subi %add3A_247, %sub3A : i32
          %ge3A = arith.constant 0 : i32
          %ge3A_320 = arith.cmpi sge, %sub3A_319, %ge3A : i32
          %convert_element_type3A_321 = arith.extui %ge3A_320 : i1 to i32
          %cond3A_322 = arith.constant 0 : i32
          %cond3A_323 = arith.cmpi ne, %convert_element_type3A_321, %cond3A_322 : i32
          scf.if %cond3A_323 {
            %dma_wait3A_330 = arith.constant 0 : i32
            %dma_wait3A_331 = arith.constant 0 : i32
            %dma_wait3A_332 = tpu.memref_slice %arg8[%dma_wait3A_330, %dma_wait3A_331] : memref<160x32xi32, #tpu.memory_space<vmem>> -> memref<1x32xi32, #tpu.memory_space<vmem>>
            %dma_wait3A_333 = tpu.memref_squeeze %dma_wait3A_332 : memref<1x32xi32, #tpu.memory_space<vmem>> -> memref<32xi32, #tpu.memory_space<vmem>>
            %dma_wait3A_334 = arith.constant 0 : i32
            %dma_wait3A_335 = arith.constant 0 : i32
            %dma_wait3A_336 = tpu.memref_slice %arg6[%dma_wait3A_334, %dma_wait3A_335] : memref<10240x128xf32, #tpu.memory_space<vmem_shared>> -> memref<10240x128xf32, #tpu.memory_space<vmem_shared>>
            tpu.wait_indirect_dma semaphore(%arg27 : memref<!tpu.dma_semaphore, #tpu.memory_space<semaphore_mem>>) src(%arg11 : memref<32x128xf32, #tpu.memory_space<vmem>>) dst(%dma_wait3A_336 : memref<10240x128xf32, #tpu.memory_space<vmem_shared>>)
          } else {
          }
          %dma_start3A_324 = arith.constant 0 : i32
          %dma_start3A_325 = tpu.memref_slice %arg7[%add3A_247, %dma_start3A_324] : memref<160x32xi32, #tpu.memory_space<vmem>> -> memref<1x32xi32, #tpu.memory_space<vmem>>
          %dma_start3A_326 = tpu.memref_squeeze %dma_start3A_325 : memref<1x32xi32, #tpu.memory_space<vmem>> -> memref<32xi32, #tpu.memory_space<vmem>>
          %dma_start3A_327 = arith.constant 0 : i32
          %dma_start3A_328 = arith.constant 0 : i32
          %dma_start3A_329 = tpu.memref_slice %arg2[%dma_start3A_327, %dma_start3A_328] : memref<10240x128xf32, #tpu.memory_space<hbm>> -> memref<10240x128xf32, #tpu.memory_space<hbm>>
          tpu.enqueue_indirect_dma source(%dma_start3A_329 : memref<10240x128xf32, #tpu.memory_space<hbm>>) target(%arg11 : memref<32x128xf32, #tpu.memory_space<vmem>>) offsets(%dma_start3A_326 : memref<32xi32, #tpu.memory_space<vmem>>) semaphore(%arg19 : memref<!tpu.dma_semaphore, #tpu.memory_space<semaphore_mem>>)
        } else {
        }
        %add3A_253 = arith.constant 5 : i32
        %add3A_254 = arith.addi %mul3A_142, %add3A_253 : i32
        %dma_wait3A_255 = arith.constant 0 : i32
        %dma_wait3A_256 = arith.constant 0 : i32
        %dma_wait3A_257 = tpu.memref_slice %arg7[%dma_wait3A_255, %dma_wait3A_256] : memref<160x32xi32, #tpu.memory_space<vmem>> -> memref<1x32xi32, #tpu.memory_space<vmem>>
        %dma_wait3A_258 = tpu.memref_squeeze %dma_wait3A_257 : memref<1x32xi32, #tpu.memory_space<vmem>> -> memref<32xi32, #tpu.memory_space<vmem>>
        %dma_wait3A_259 = arith.constant 0 : i32
        %dma_wait3A_260 = arith.constant 0 : i32
        %dma_wait3A_261 = tpu.memref_slice %arg2[%dma_wait3A_259, %dma_wait3A_260] : memref<10240x128xf32, #tpu.memory_space<hbm>> -> memref<10240x128xf32, #tpu.memory_space<hbm>>
        tpu.wait_indirect_dma semaphore(%arg22 : memref<!tpu.dma_semaphore, #tpu.memory_space<semaphore_mem>>) src(%dma_wait3A_261 : memref<10240x128xf32, #tpu.memory_space<hbm>>) dst(%arg14 : memref<32x128xf32, #tpu.memory_space<vmem>>)
        %dma_start3A_262 = arith.constant 0 : i32
        %dma_start3A_263 = tpu.memref_slice %arg8[%add3A_254, %dma_start3A_262] : memref<160x32xi32, #tpu.memory_space<vmem>> -> memref<1x32xi32, #tpu.memory_space<vmem>>
        %dma_start3A_264 = tpu.memref_squeeze %dma_start3A_263 : memref<1x32xi32, #tpu.memory_space<vmem>> -> memref<32xi32, #tpu.memory_space<vmem>>
        %dma_start3A_265 = arith.constant 0 : i32
        %dma_start3A_266 = arith.constant 0 : i32
        %dma_start3A_267 = tpu.memref_slice %arg6[%dma_start3A_265, %dma_start3A_266] : memref<10240x128xf32, #tpu.memory_space<vmem_shared>> -> memref<10240x128xf32, #tpu.memory_space<vmem_shared>>
        tpu.enqueue_indirect_dma source(%arg14 : memref<32x128xf32, #tpu.memory_space<vmem>>) target(%dma_start3A_267 : memref<10240x128xf32, #tpu.memory_space<vmem_shared>>) offsets(%dma_start3A_264 : memref<32xi32, #tpu.memory_space<vmem>>) semaphore(%arg30 : memref<!tpu.dma_semaphore, #tpu.memory_space<semaphore_mem>>) {add = true}
        %add3A_268 = arith.constant 6 : i32
        %add3A_269 = arith.addi %add3A_254, %add3A_268 : i32
        %lt3A_270 = arith.constant 160 : i32
        %lt3A_271 = arith.cmpi slt, %add3A_269, %lt3A_270 : i32
        %convert_element_type3A_272 = arith.extui %lt3A_271 : i1 to i32
        %cond3A_273 = arith.constant 0 : i32
        %cond3A_274 = arith.cmpi ne, %convert_element_type3A_272, %cond3A_273 : i32
        scf.if %cond3A_274 {
          %sub3A = arith.constant 8 : i32
          %sub3A_319 = arith.subi %add3A_269, %sub3A : i32
          %ge3A = arith.constant 0 : i32
          %ge3A_320 = arith.cmpi sge, %sub3A_319, %ge3A : i32
          %convert_element_type3A_321 = arith.extui %ge3A_320 : i1 to i32
          %cond3A_322 = arith.constant 0 : i32
          %cond3A_323 = arith.cmpi ne, %convert_element_type3A_321, %cond3A_322 : i32
          scf.if %cond3A_323 {
            %dma_wait3A_330 = arith.constant 0 : i32
            %dma_wait3A_331 = arith.constant 0 : i32
            %dma_wait3A_332 = tpu.memref_slice %arg8[%dma_wait3A_330, %dma_wait3A_331] : memref<160x32xi32, #tpu.memory_space<vmem>> -> memref<1x32xi32, #tpu.memory_space<vmem>>
            %dma_wait3A_333 = tpu.memref_squeeze %dma_wait3A_332 : memref<1x32xi32, #tpu.memory_space<vmem>> -> memref<32xi32, #tpu.memory_space<vmem>>
            %dma_wait3A_334 = arith.constant 0 : i32
            %dma_wait3A_335 = arith.constant 0 : i32
            %dma_wait3A_336 = tpu.memref_slice %arg6[%dma_wait3A_334, %dma_wait3A_335] : memref<10240x128xf32, #tpu.memory_space<vmem_shared>> -> memref<10240x128xf32, #tpu.memory_space<vmem_shared>>
            tpu.wait_indirect_dma semaphore(%arg28 : memref<!tpu.dma_semaphore, #tpu.memory_space<semaphore_mem>>) src(%arg12 : memref<32x128xf32, #tpu.memory_space<vmem>>) dst(%dma_wait3A_336 : memref<10240x128xf32, #tpu.memory_space<vmem_shared>>)
          } else {
          }
          %dma_start3A_324 = arith.constant 0 : i32
          %dma_start3A_325 = tpu.memref_slice %arg7[%add3A_269, %dma_start3A_324] : memref<160x32xi32, #tpu.memory_space<vmem>> -> memref<1x32xi32, #tpu.memory_space<vmem>>
          %dma_start3A_326 = tpu.memref_squeeze %dma_start3A_325 : memref<1x32xi32, #tpu.memory_space<vmem>> -> memref<32xi32, #tpu.memory_space<vmem>>
          %dma_start3A_327 = arith.constant 0 : i32
          %dma_start3A_328 = arith.constant 0 : i32
          %dma_start3A_329 = tpu.memref_slice %arg2[%dma_start3A_327, %dma_start3A_328] : memref<10240x128xf32, #tpu.memory_space<hbm>> -> memref<10240x128xf32, #tpu.memory_space<hbm>>
          tpu.enqueue_indirect_dma source(%dma_start3A_329 : memref<10240x128xf32, #tpu.memory_space<hbm>>) target(%arg12 : memref<32x128xf32, #tpu.memory_space<vmem>>) offsets(%dma_start3A_326 : memref<32xi32, #tpu.memory_space<vmem>>) semaphore(%arg20 : memref<!tpu.dma_semaphore, #tpu.memory_space<semaphore_mem>>)
        } else {
        }
        %add3A_275 = arith.constant 6 : i32
        %add3A_276 = arith.addi %mul3A_142, %add3A_275 : i32
        %dma_wait3A_277 = arith.constant 0 : i32
        %dma_wait3A_278 = arith.constant 0 : i32
        %dma_wait3A_279 = tpu.memref_slice %arg7[%dma_wait3A_277, %dma_wait3A_278] : memref<160x32xi32, #tpu.memory_space<vmem>> -> memref<1x32xi32, #tpu.memory_space<vmem>>
        %dma_wait3A_280 = tpu.memref_squeeze %dma_wait3A_279 : memref<1x32xi32, #tpu.memory_space<vmem>> -> memref<32xi32, #tpu.memory_space<vmem>>
        %dma_wait3A_281 = arith.constant 0 : i32
        %dma_wait3A_282 = arith.constant 0 : i32
        %dma_wait3A_283 = tpu.memref_slice %arg2[%dma_wait3A_281, %dma_wait3A_282] : memref<10240x128xf32, #tpu.memory_space<hbm>> -> memref<10240x128xf32, #tpu.memory_space<hbm>>
        tpu.wait_indirect_dma semaphore(%arg23 : memref<!tpu.dma_semaphore, #tpu.memory_space<semaphore_mem>>) src(%dma_wait3A_283 : memref<10240x128xf32, #tpu.memory_space<hbm>>) dst(%arg15 : memref<32x128xf32, #tpu.memory_space<vmem>>)
        %dma_start3A_284 = arith.constant 0 : i32
        %dma_start3A_285 = tpu.memref_slice %arg8[%add3A_276, %dma_start3A_284] : memref<160x32xi32, #tpu.memory_space<vmem>> -> memref<1x32xi32, #tpu.memory_space<vmem>>
        %dma_start3A_286 = tpu.memref_squeeze %dma_start3A_285 : memref<1x32xi32, #tpu.memory_space<vmem>> -> memref<32xi32, #tpu.memory_space<vmem>>
        %dma_start3A_287 = arith.constant 0 : i32
        %dma_start3A_288 = arith.constant 0 : i32
        %dma_start3A_289 = tpu.memref_slice %arg6[%dma_start3A_287, %dma_start3A_288] : memref<10240x128xf32, #tpu.memory_space<vmem_shared>> -> memref<10240x128xf32, #tpu.memory_space<vmem_shared>>
        tpu.enqueue_indirect_dma source(%arg15 : memref<32x128xf32, #tpu.memory_space<vmem>>) target(%dma_start3A_289 : memref<10240x128xf32, #tpu.memory_space<vmem_shared>>) offsets(%dma_start3A_286 : memref<32xi32, #tpu.memory_space<vmem>>) semaphore(%arg31 : memref<!tpu.dma_semaphore, #tpu.memory_space<semaphore_mem>>) {add = true}
        %add3A_290 = arith.constant 6 : i32
        %add3A_291 = arith.addi %add3A_276, %add3A_290 : i32
        %lt3A_292 = arith.constant 160 : i32
        %lt3A_293 = arith.cmpi slt, %add3A_291, %lt3A_292 : i32
        %convert_element_type3A_294 = arith.extui %lt3A_293 : i1 to i32
        %cond3A_295 = arith.constant 0 : i32
        %cond3A_296 = arith.cmpi ne, %convert_element_type3A_294, %cond3A_295 : i32
        scf.if %cond3A_296 {
          %sub3A = arith.constant 8 : i32
          %sub3A_319 = arith.subi %add3A_291, %sub3A : i32
          %ge3A = arith.constant 0 : i32
          %ge3A_320 = arith.cmpi sge, %sub3A_319, %ge3A : i32
          %convert_element_type3A_321 = arith.extui %ge3A_320 : i1 to i32
          %cond3A_322 = arith.constant 0 : i32
          %cond3A_323 = arith.cmpi ne, %convert_element_type3A_321, %cond3A_322 : i32
          scf.if %cond3A_323 {
            %dma_wait3A_330 = arith.constant 0 : i32
            %dma_wait3A_331 = arith.constant 0 : i32
            %dma_wait3A_332 = tpu.memref_slice %arg8[%dma_wait3A_330, %dma_wait3A_331] : memref<160x32xi32, #tpu.memory_space<vmem>> -> memref<1x32xi32, #tpu.memory_space<vmem>>
            %dma_wait3A_333 = tpu.memref_squeeze %dma_wait3A_332 : memref<1x32xi32, #tpu.memory_space<vmem>> -> memref<32xi32, #tpu.memory_space<vmem>>
            %dma_wait3A_334 = arith.constant 0 : i32
            %dma_wait3A_335 = arith.constant 0 : i32
            %dma_wait3A_336 = tpu.memref_slice %arg6[%dma_wait3A_334, %dma_wait3A_335] : memref<10240x128xf32, #tpu.memory_space<vmem_shared>> -> memref<10240x128xf32, #tpu.memory_space<vmem_shared>>
            tpu.wait_indirect_dma semaphore(%arg29 : memref<!tpu.dma_semaphore, #tpu.memory_space<semaphore_mem>>) src(%arg13 : memref<32x128xf32, #tpu.memory_space<vmem>>) dst(%dma_wait3A_336 : memref<10240x128xf32, #tpu.memory_space<vmem_shared>>)
          } else {
          }
          %dma_start3A_324 = arith.constant 0 : i32
          %dma_start3A_325 = tpu.memref_slice %arg7[%add3A_291, %dma_start3A_324] : memref<160x32xi32, #tpu.memory_space<vmem>> -> memref<1x32xi32, #tpu.memory_space<vmem>>
          %dma_start3A_326 = tpu.memref_squeeze %dma_start3A_325 : memref<1x32xi32, #tpu.memory_space<vmem>> -> memref<32xi32, #tpu.memory_space<vmem>>
          %dma_start3A_327 = arith.constant 0 : i32
          %dma_start3A_328 = arith.constant 0 : i32
          %dma_start3A_329 = tpu.memref_slice %arg2[%dma_start3A_327, %dma_start3A_328] : memref<10240x128xf32, #tpu.memory_space<hbm>> -> memref<10240x128xf32, #tpu.memory_space<hbm>>
          tpu.enqueue_indirect_dma source(%dma_start3A_329 : memref<10240x128xf32, #tpu.memory_space<hbm>>) target(%arg13 : memref<32x128xf32, #tpu.memory_space<vmem>>) offsets(%dma_start3A_326 : memref<32xi32, #tpu.memory_space<vmem>>) semaphore(%arg21 : memref<!tpu.dma_semaphore, #tpu.memory_space<semaphore_mem>>)
        } else {
        }
        %add3A_297 = arith.constant 7 : i32
        %add3A_298 = arith.addi %mul3A_142, %add3A_297 : i32
        %dma_wait3A_299 = arith.constant 0 : i32
        %dma_wait3A_300 = arith.constant 0 : i32
        %dma_wait3A_301 = tpu.memref_slice %arg7[%dma_wait3A_299, %dma_wait3A_300] : memref<160x32xi32, #tpu.memory_space<vmem>> -> memref<1x32xi32, #tpu.memory_space<vmem>>
        %dma_wait3A_302 = tpu.memref_squeeze %dma_wait3A_301 : memref<1x32xi32, #tpu.memory_space<vmem>> -> memref<32xi32, #tpu.memory_space<vmem>>
        %dma_wait3A_303 = arith.constant 0 : i32
        %dma_wait3A_304 = arith.constant 0 : i32
        %dma_wait3A_305 = tpu.memref_slice %arg2[%dma_wait3A_303, %dma_wait3A_304] : memref<10240x128xf32, #tpu.memory_space<hbm>> -> memref<10240x128xf32, #tpu.memory_space<hbm>>
        tpu.wait_indirect_dma semaphore(%arg24 : memref<!tpu.dma_semaphore, #tpu.memory_space<semaphore_mem>>) src(%dma_wait3A_305 : memref<10240x128xf32, #tpu.memory_space<hbm>>) dst(%arg16 : memref<32x128xf32, #tpu.memory_space<vmem>>)
        %dma_start3A_306 = arith.constant 0 : i32
        %dma_start3A_307 = tpu.memref_slice %arg8[%add3A_298, %dma_start3A_306] : memref<160x32xi32, #tpu.memory_space<vmem>> -> memref<1x32xi32, #tpu.memory_space<vmem>>
        %dma_start3A_308 = tpu.memref_squeeze %dma_start3A_307 : memref<1x32xi32, #tpu.memory_space<vmem>> -> memref<32xi32, #tpu.memory_space<vmem>>
        %dma_start3A_309 = arith.constant 0 : i32
        %dma_start3A_310 = arith.constant 0 : i32
        %dma_start3A_311 = tpu.memref_slice %arg6[%dma_start3A_309, %dma_start3A_310] : memref<10240x128xf32, #tpu.memory_space<vmem_shared>> -> memref<10240x128xf32, #tpu.memory_space<vmem_shared>>
        tpu.enqueue_indirect_dma source(%arg16 : memref<32x128xf32, #tpu.memory_space<vmem>>) target(%dma_start3A_311 : memref<10240x128xf32, #tpu.memory_space<vmem_shared>>) offsets(%dma_start3A_308 : memref<32xi32, #tpu.memory_space<vmem>>) semaphore(%arg32 : memref<!tpu.dma_semaphore, #tpu.memory_space<semaphore_mem>>) {add = true}
        %add3A_312 = arith.constant 6 : i32
        %add3A_313 = arith.addi %add3A_298, %add3A_312 : i32
        %lt3A_314 = arith.constant 160 : i32
        %lt3A_315 = arith.cmpi slt, %add3A_313, %lt3A_314 : i32
        %convert_element_type3A_316 = arith.extui %lt3A_315 : i1 to i32
        %cond3A_317 = arith.constant 0 : i32
        %cond3A_318 = arith.cmpi ne, %convert_element_type3A_316, %cond3A_317 : i32
        scf.if %cond3A_318 {
          %sub3A = arith.constant 8 : i32
          %sub3A_319 = arith.subi %add3A_313, %sub3A : i32
          %ge3A = arith.constant 0 : i32
          %ge3A_320 = arith.cmpi sge, %sub3A_319, %ge3A : i32
          %convert_element_type3A_321 = arith.extui %ge3A_320 : i1 to i32
          %cond3A_322 = arith.constant 0 : i32
          %cond3A_323 = arith.cmpi ne, %convert_element_type3A_321, %cond3A_322 : i32
          scf.if %cond3A_323 {
            %dma_wait3A_330 = arith.constant 0 : i32
            %dma_wait3A_331 = arith.constant 0 : i32
            %dma_wait3A_332 = tpu.memref_slice %arg8[%dma_wait3A_330, %dma_wait3A_331] : memref<160x32xi32, #tpu.memory_space<vmem>> -> memref<1x32xi32, #tpu.memory_space<vmem>>
            %dma_wait3A_333 = tpu.memref_squeeze %dma_wait3A_332 : memref<1x32xi32, #tpu.memory_space<vmem>> -> memref<32xi32, #tpu.memory_space<vmem>>
            %dma_wait3A_334 = arith.constant 0 : i32
            %dma_wait3A_335 = arith.constant 0 : i32
            %dma_wait3A_336 = tpu.memref_slice %arg6[%dma_wait3A_334, %dma_wait3A_335] : memref<10240x128xf32, #tpu.memory_space<vmem_shared>> -> memref<10240x128xf32, #tpu.memory_space<vmem_shared>>
            tpu.wait_indirect_dma semaphore(%arg30 : memref<!tpu.dma_semaphore, #tpu.memory_space<semaphore_mem>>) src(%arg14 : memref<32x128xf32, #tpu.memory_space<vmem>>) dst(%dma_wait3A_336 : memref<10240x128xf32, #tpu.memory_space<vmem_shared>>)
          } else {
          }
          %dma_start3A_324 = arith.constant 0 : i32
          %dma_start3A_325 = tpu.memref_slice %arg7[%add3A_313, %dma_start3A_324] : memref<160x32xi32, #tpu.memory_space<vmem>> -> memref<1x32xi32, #tpu.memory_space<vmem>>
          %dma_start3A_326 = tpu.memref_squeeze %dma_start3A_325 : memref<1x32xi32, #tpu.memory_space<vmem>> -> memref<32xi32, #tpu.memory_space<vmem>>
          %dma_start3A_327 = arith.constant 0 : i32
          %dma_start3A_328 = arith.constant 0 : i32
          %dma_start3A_329 = tpu.memref_slice %arg2[%dma_start3A_327, %dma_start3A_328] : memref<10240x128xf32, #tpu.memory_space<hbm>> -> memref<10240x128xf32, #tpu.memory_space<hbm>>
          tpu.enqueue_indirect_dma source(%dma_start3A_329 : memref<10240x128xf32, #tpu.memory_space<hbm>>) target(%arg14 : memref<32x128xf32, #tpu.memory_space<vmem>>) offsets(%dma_start3A_326 : memref<32xi32, #tpu.memory_space<vmem>>) semaphore(%arg22 : memref<!tpu.dma_semaphore, #tpu.memory_space<semaphore_mem>>)
        } else {
        }
      }
      %scan3A_80 = arith.constant 20 : i32
      %dma_wait3A = arith.constant 0 : i32
      %dma_wait3A_81 = arith.constant 0 : i32
      %dma_wait3A_82 = tpu.memref_slice %arg8[%dma_wait3A, %dma_wait3A_81] : memref<160x32xi32, #tpu.memory_space<vmem>> -> memref<1x32xi32, #tpu.memory_space<vmem>>
      %dma_wait3A_83 = tpu.memref_squeeze %dma_wait3A_82 : memref<1x32xi32, #tpu.memory_space<vmem>> -> memref<32xi32, #tpu.memory_space<vmem>>
      %dma_wait3A_84 = arith.constant 0 : i32
      %dma_wait3A_85 = arith.constant 0 : i32
      %dma_wait3A_86 = tpu.memref_slice %arg6[%dma_wait3A_84, %dma_wait3A_85] : memref<10240x128xf32, #tpu.memory_space<vmem_shared>> -> memref<10240x128xf32, #tpu.memory_space<vmem_shared>>
      tpu.wait_indirect_dma semaphore(%arg25 : memref<!tpu.dma_semaphore, #tpu.memory_space<semaphore_mem>>) src(%arg9 : memref<32x128xf32, #tpu.memory_space<vmem>>) dst(%dma_wait3A_86 : memref<10240x128xf32, #tpu.memory_space<vmem_shared>>)
      %dma_wait3A_87 = arith.constant 0 : i32
      %dma_wait3A_88 = arith.constant 0 : i32
      %dma_wait3A_89 = tpu.memref_slice %arg8[%dma_wait3A_87, %dma_wait3A_88] : memref<160x32xi32, #tpu.memory_space<vmem>> -> memref<1x32xi32, #tpu.memory_space<vmem>>
      %dma_wait3A_90 = tpu.memref_squeeze %dma_wait3A_89 : memref<1x32xi32, #tpu.memory_space<vmem>> -> memref<32xi32, #tpu.memory_space<vmem>>
      %dma_wait3A_91 = arith.constant 0 : i32
      %dma_wait3A_92 = arith.constant 0 : i32
      %dma_wait3A_93 = tpu.memref_slice %arg6[%dma_wait3A_91, %dma_wait3A_92] : memref<10240x128xf32, #tpu.memory_space<vmem_shared>> -> memref<10240x128xf32, #tpu.memory_space<vmem_shared>>
      tpu.wait_indirect_dma semaphore(%arg26 : memref<!tpu.dma_semaphore, #tpu.memory_space<semaphore_mem>>) src(%arg10 : memref<32x128xf32, #tpu.memory_space<vmem>>) dst(%dma_wait3A_93 : memref<10240x128xf32, #tpu.memory_space<vmem_shared>>)
      %dma_wait3A_94 = arith.constant 0 : i32
      %dma_wait3A_95 = arith.constant 0 : i32
      %dma_wait3A_96 = tpu.memref_slice %arg8[%dma_wait3A_94, %dma_wait3A_95] : memref<160x32xi32, #tpu.memory_space<vmem>> -> memref<1x32xi32, #tpu.memory_space<vmem>>
      %dma_wait3A_97 = tpu.memref_squeeze %dma_wait3A_96 : memref<1x32xi32, #tpu.memory_space<vmem>> -> memref<32xi32, #tpu.memory_space<vmem>>
      %dma_wait3A_98 = arith.constant 0 : i32
      %dma_wait3A_99 = arith.constant 0 : i32
      %dma_wait3A_100 = tpu.memref_slice %arg6[%dma_wait3A_98, %dma_wait3A_99] : memref<10240x128xf32, #tpu.memory_space<vmem_shared>> -> memref<10240x128xf32, #tpu.memory_space<vmem_shared>>
      tpu.wait_indirect_dma semaphore(%arg27 : memref<!tpu.dma_semaphore, #tpu.memory_space<semaphore_mem>>) src(%arg11 : memref<32x128xf32, #tpu.memory_space<vmem>>) dst(%dma_wait3A_100 : memref<10240x128xf32, #tpu.memory_space<vmem_shared>>)
      %dma_wait3A_101 = arith.constant 0 : i32
      %dma_wait3A_102 = arith.constant 0 : i32
      %dma_wait3A_103 = tpu.memref_slice %arg8[%dma_wait3A_101, %dma_wait3A_102] : memref<160x32xi32, #tpu.memory_space<vmem>> -> memref<1x32xi32, #tpu.memory_space<vmem>>
      %dma_wait3A_104 = tpu.memref_squeeze %dma_wait3A_103 : memref<1x32xi32, #tpu.memory_space<vmem>> -> memref<32xi32, #tpu.memory_space<vmem>>
      %dma_wait3A_105 = arith.constant 0 : i32
      %dma_wait3A_106 = arith.constant 0 : i32
      %dma_wait3A_107 = tpu.memref_slice %arg6[%dma_wait3A_105, %dma_wait3A_106] : memref<10240x128xf32, #tpu.memory_space<vmem_shared>> -> memref<10240x128xf32, #tpu.memory_space<vmem_shared>>
      tpu.wait_indirect_dma semaphore(%arg28 : memref<!tpu.dma_semaphore, #tpu.memory_space<semaphore_mem>>) src(%arg12 : memref<32x128xf32, #tpu.memory_space<vmem>>) dst(%dma_wait3A_107 : memref<10240x128xf32, #tpu.memory_space<vmem_shared>>)
      %dma_wait3A_108 = arith.constant 0 : i32
      %dma_wait3A_109 = arith.constant 0 : i32
      %dma_wait3A_110 = tpu.memref_slice %arg8[%dma_wait3A_108, %dma_wait3A_109] : memref<160x32xi32, #tpu.memory_space<vmem>> -> memref<1x32xi32, #tpu.memory_space<vmem>>
      %dma_wait3A_111 = tpu.memref_squeeze %dma_wait3A_110 : memref<1x32xi32, #tpu.memory_space<vmem>> -> memref<32xi32, #tpu.memory_space<vmem>>
      %dma_wait3A_112 = arith.constant 0 : i32
      %dma_wait3A_113 = arith.constant 0 : i32
      %dma_wait3A_114 = tpu.memref_slice %arg6[%dma_wait3A_112, %dma_wait3A_113] : memref<10240x128xf32, #tpu.memory_space<vmem_shared>> -> memref<10240x128xf32, #tpu.memory_space<vmem_shared>>
      tpu.wait_indirect_dma semaphore(%arg29 : memref<!tpu.dma_semaphore, #tpu.memory_space<semaphore_mem>>) src(%arg13 : memref<32x128xf32, #tpu.memory_space<vmem>>) dst(%dma_wait3A_114 : memref<10240x128xf32, #tpu.memory_space<vmem_shared>>)
      %dma_wait3A_115 = arith.constant 0 : i32
      %dma_wait3A_116 = arith.constant 0 : i32
      %dma_wait3A_117 = tpu.memref_slice %arg8[%dma_wait3A_115, %dma_wait3A_116] : memref<160x32xi32, #tpu.memory_space<vmem>> -> memref<1x32xi32, #tpu.memory_space<vmem>>
      %dma_wait3A_118 = tpu.memref_squeeze %dma_wait3A_117 : memref<1x32xi32, #tpu.memory_space<vmem>> -> memref<32xi32, #tpu.memory_space<vmem>>
      %dma_wait3A_119 = arith.constant 0 : i32
      %dma_wait3A_120 = arith.constant 0 : i32
      %dma_wait3A_121 = tpu.memref_slice %arg6[%dma_wait3A_119, %dma_wait3A_120] : memref<10240x128xf32, #tpu.memory_space<vmem_shared>> -> memref<10240x128xf32, #tpu.memory_space<vmem_shared>>
      tpu.wait_indirect_dma semaphore(%arg30 : memref<!tpu.dma_semaphore, #tpu.memory_space<semaphore_mem>>) src(%arg14 : memref<32x128xf32, #tpu.memory_space<vmem>>) dst(%dma_wait3A_121 : memref<10240x128xf32, #tpu.memory_space<vmem_shared>>)
      %dma_wait3A_122 = arith.constant 0 : i32
      %dma_wait3A_123 = arith.constant 0 : i32
      %dma_wait3A_124 = tpu.memref_slice %arg8[%dma_wait3A_122, %dma_wait3A_123] : memref<160x32xi32, #tpu.memory_space<vmem>> -> memref<1x32xi32, #tpu.memory_space<vmem>>
      %dma_wait3A_125 = tpu.memref_squeeze %dma_wait3A_124 : memref<1x32xi32, #tpu.memory_space<vmem>> -> memref<32xi32, #tpu.memory_space<vmem>>
      %dma_wait3A_126 = arith.constant 0 : i32
      %dma_wait3A_127 = arith.constant 0 : i32
      %dma_wait3A_128 = tpu.memref_slice %arg6[%dma_wait3A_126, %dma_wait3A_127] : memref<10240x128xf32, #tpu.memory_space<vmem_shared>> -> memref<10240x128xf32, #tpu.memory_space<vmem_shared>>
      tpu.wait_indirect_dma semaphore(%arg31 : memref<!tpu.dma_semaphore, #tpu.memory_space<semaphore_mem>>) src(%arg15 : memref<32x128xf32, #tpu.memory_space<vmem>>) dst(%dma_wait3A_128 : memref<10240x128xf32, #tpu.memory_space<vmem_shared>>)
      %dma_wait3A_129 = arith.constant 0 : i32
      %dma_wait3A_130 = arith.constant 0 : i32
      %dma_wait3A_131 = tpu.memref_slice %arg8[%dma_wait3A_129, %dma_wait3A_130] : memref<160x32xi32, #tpu.memory_space<vmem>> -> memref<1x32xi32, #tpu.memory_space<vmem>>
      %dma_wait3A_132 = tpu.memref_squeeze %dma_wait3A_131 : memref<1x32xi32, #tpu.memory_space<vmem>> -> memref<32xi32, #tpu.memory_space<vmem>>
      %dma_wait3A_133 = arith.constant 0 : i32
      %dma_wait3A_134 = arith.constant 0 : i32
      %dma_wait3A_135 = tpu.memref_slice %arg6[%dma_wait3A_133, %dma_wait3A_134] : memref<10240x128xf32, #tpu.memory_space<vmem_shared>> -> memref<10240x128xf32, #tpu.memory_space<vmem_shared>>
      tpu.wait_indirect_dma semaphore(%arg32 : memref<!tpu.dma_semaphore, #tpu.memory_space<semaphore_mem>>) src(%arg16 : memref<32x128xf32, #tpu.memory_space<vmem>>) dst(%dma_wait3A_135 : memref<10240x128xf32, #tpu.memory_space<vmem_shared>>)
    }
    %scan3A_8 = arith.constant 2 : i32
    %barrier3A_9 = arith.constant 0 : index
    tpu.barrier barrier_id(%barrier3A_9)
    %mul3A_10 = arith.constant 640 : i32
    %mul3A_11 = arith.muli %arg1, %mul3A_10 : i32
    %mul3A_12 = arith.constant 640 : i32
    %mul3A_13 = arith.muli %arg1, %mul3A_12 : i32
    "tpu.region"() ({
      %run_scoped3A = tpu.sem_alloc : memref<!tpu.dma_semaphore, #tpu.memory_space<semaphore_mem>>
      %dma_start3A = arith.constant 0 : i32
      %dma_start3A_14 = tpu.memref_slice %arg5[%arg0, %mul3A_13, %dma_start3A] : memref<2x10240x128xf32, #tpu.memory_space<hbm>> -> memref<1x640x128xf32, #tpu.memory_space<hbm>>
      %dma_start3A_15 = tpu.memref_squeeze %dma_start3A_14 : memref<1x640x128xf32, #tpu.memory_space<hbm>> -> memref<640x128xf32, #tpu.memory_space<hbm>>
      %dma_start3A_16 = arith.constant 0 : i32
      %dma_start3A_17 = tpu.memref_slice %arg6[%mul3A_11, %dma_start3A_16] : memref<10240x128xf32, #tpu.memory_space<vmem_shared>> -> memref<640x128xf32, #tpu.memory_space<vmem_shared>>
      tpu.enqueue_dma source(%dma_start3A_17 : memref<640x128xf32, #tpu.memory_space<vmem_shared>>) target(%dma_start3A_15 : memref<640x128xf32, #tpu.memory_space<hbm>>) target_semaphore(%run_scoped3A : memref<!tpu.dma_semaphore, #tpu.memory_space<semaphore_mem>>)
      %dma_wait3A = arith.constant 0 : i32
      %dma_wait3A_18 = tpu.memref_slice %arg5[%arg0, %mul3A_13, %dma_wait3A] : memref<2x10240x128xf32, #tpu.memory_space<hbm>> -> memref<1x640x128xf32, #tpu.memory_space<hbm>>
      %dma_wait3A_19 = tpu.memref_squeeze %dma_wait3A_18 : memref<1x640x128xf32, #tpu.memory_space<hbm>> -> memref<640x128xf32, #tpu.memory_space<hbm>>
      %dma_wait3A_20 = arith.constant 0 : i32
      %dma_wait3A_21 = tpu.memref_slice %arg6[%mul3A_11, %dma_wait3A_20] : memref<10240x128xf32, #tpu.memory_space<vmem_shared>> -> memref<640x128xf32, #tpu.memory_space<vmem_shared>>
      tpu.wait_dma2 semaphore(%run_scoped3A : memref<!tpu.dma_semaphore, #tpu.memory_space<semaphore_mem>>) src(%dma_wait3A_21 : memref<640x128xf32, #tpu.memory_space<vmem_shared>>) dst(%dma_wait3A_19 : memref<640x128xf32, #tpu.memory_space<hbm>>)
      tpu.yield
    }) : () -> ()
    return
  }
}

#map = affine_map<(d0, d1) -> (0, 0, 0)>
#map1 = affine_map<(d0, d1) -> (0, 0)>
module attributes {stable_mosaic.version = 14 : i64} {
  func.func @_deg_body(%arg0: i32, %arg1: i32, %arg2: memref<2x2500x128xi32, #tpu.memory_space<hbm>>, %arg3: memref<2x80x128xi32, #tpu.memory_space<hbm>>, %arg4: memref<2x10240xf32, #tpu.memory_space<hbm>>, %arg5: memref<10240xf32, #tpu.memory_space<vmem_shared>>, %arg6: memref<80x128xi32, #tpu.memory_space<vmem>>, %arg7: memref<128xf32, #tpu.memory_space<vmem>>, %arg8: memref<640xf32, #tpu.memory_space<vmem>>) attributes {dimension_semantics = [#tpu.dimension_semantics<core_parallel>, #tpu.dimension_semantics<subcore_parallel>], iteration_bounds = array<i64: 2, 16>, scalar_prefetch = 0 : i64, scratch_operands = 4 : i64, tpu.core_type = #tpu.core_type<sc_vector_subcore>, window_params = [{transform_indices = #map}, {transform_indices = #map}, {transform_indices = #map1}]} {
    %mul3A = arith.constant 16 : i32
    %mul3A_0 = arith.muli %arg0, %mul3A : i32
    %add3A = arith.addi %mul3A_0, %arg1 : i32
    %scan3A = arith.constant 0 : i32
    %scan3A_1 = arith.constant 40 : i32
    %scan3A_2 = arith.addi %scan3A, %scan3A_1 : i32
    %scan3A_3 = arith.constant 1 : i32
    scf.for %scan3A_28 = %scan3A to %scan3A_2 step %scan3A_3  : i32 {
      %mul3A_29 = arith.constant 1 : i32
      %mul3A_30 = arith.muli %scan3A_28, %mul3A_29 : i32
      %add3A_31 = arith.constant 0 : i32
      %add3A_32 = arith.addi %add3A_31, %mul3A_30 : i32
      %broadcast_in_dim3A = arith.constant 0.000000e+00 : f32
      %broadcast_in_dim3A_33 = vector.broadcast %broadcast_in_dim3A : f32 to vector<16xf32>
      %mul3A_34 = arith.constant 16 : i32
      %mul3A_35 = arith.muli %add3A_32, %mul3A_34 : i32
      %swap3A = arith.index_cast %mul3A_35 : i32 to index
      %swap3A_36 = tpu.vector_load %arg8[%swap3A] {strides = array<i32>} : memref<640xf32, #tpu.memory_space<vmem>>, vector<16xf32>,
      %swap3A_37 = vector.shape_cast %swap3A_36 : vector<16xf32> to vector<16xf32>
      %swap3A_38 = vector.shape_cast %broadcast_in_dim3A_33 : vector<16xf32> to vector<16xf32>
      tpu.vector_store %arg8[%swap3A], %swap3A_38 {strides = array<i32>} : memref<640xf32, #tpu.memory_space<vmem>>, vector<16xf32>,
    }
    %scan3A_4 = arith.constant 40 : i32
    %scan3A_5 = arith.constant 0 : i32
    %scan3A_6 = arith.constant 8 : i32
    %scan3A_7 = arith.addi %scan3A_5, %scan3A_6 : i32
    %scan3A_8 = arith.constant 1 : i32
    scf.for %scan3A_28 = %scan3A_5 to %scan3A_7 step %scan3A_8  : i32 {
      %mul3A_29 = arith.constant 1 : i32
      %mul3A_30 = arith.muli %scan3A_28, %mul3A_29 : i32
      %add3A_31 = arith.constant 0 : i32
      %add3A_32 = arith.addi %add3A_31, %mul3A_30 : i32
      %broadcast_in_dim3A = arith.constant 1.000000e+00 : f32
      %broadcast_in_dim3A_33 = vector.broadcast %broadcast_in_dim3A : f32 to vector<16xf32>
      %mul3A_34 = arith.constant 16 : i32
      %mul3A_35 = arith.muli %add3A_32, %mul3A_34 : i32
      %swap3A = arith.index_cast %mul3A_35 : i32 to index
      %swap3A_36 = tpu.vector_load %arg7[%swap3A] {strides = array<i32>} : memref<128xf32, #tpu.memory_space<vmem>>, vector<16xf32>,
      %swap3A_37 = vector.shape_cast %swap3A_36 : vector<16xf32> to vector<16xf32>
      %swap3A_38 = vector.shape_cast %broadcast_in_dim3A_33 : vector<16xf32> to vector<16xf32>
      tpu.vector_store %arg7[%swap3A], %swap3A_38 {strides = array<i32>} : memref<128xf32, #tpu.memory_space<vmem>>, vector<16xf32>,
    }
    %scan3A_9 = arith.constant 8 : i32
    %mul3A_10 = arith.constant 640 : i32
    %mul3A_11 = arith.muli %arg1, %mul3A_10 : i32
    "tpu.region"() ({
      %run_scoped3A = tpu.sem_alloc : memref<!tpu.dma_semaphore, #tpu.memory_space<semaphore_mem>>
      %dma_start3A = tpu.memref_slice %arg5[%mul3A_11] : memref<10240xf32, #tpu.memory_space<vmem_shared>> -> memref<640xf32, #tpu.memory_space<vmem_shared>>
      %dma_start3A_28 = tpu.memref_slice %arg5[%mul3A_11] : memref<10240xf32, #tpu.memory_space<vmem_shared>> -> memref<640xf32, #tpu.memory_space<vmem_shared>>
      tpu.enqueue_dma source(%arg8 : memref<640xf32, #tpu.memory_space<vmem>>) target(%dma_start3A_28 : memref<640xf32, #tpu.memory_space<vmem_shared>>) target_semaphore(%run_scoped3A : memref<!tpu.dma_semaphore, #tpu.memory_space<semaphore_mem>>)
      %dma_wait3A = tpu.memref_slice %arg5[%mul3A_11] : memref<10240xf32, #tpu.memory_space<vmem_shared>> -> memref<640xf32, #tpu.memory_space<vmem_shared>>
      %dma_wait3A_29 = tpu.memref_slice %arg5[%mul3A_11] : memref<10240xf32, #tpu.memory_space<vmem_shared>> -> memref<640xf32, #tpu.memory_space<vmem_shared>>
      tpu.wait_dma2 semaphore(%run_scoped3A : memref<!tpu.dma_semaphore, #tpu.memory_space<semaphore_mem>>) src(%arg8 : memref<640xf32, #tpu.memory_space<vmem>>) dst(%dma_wait3A_29 : memref<640xf32, #tpu.memory_space<vmem_shared>>)
      tpu.yield
    }) : () -> ()
    %lt3A = arith.constant 31 : i32
    %lt3A_12 = arith.cmpi slt, %add3A, %lt3A : i32
    %convert_element_type3A = arith.extui %lt3A_12 : i1 to i32
    %cond3A = arith.constant 0 : i32
    %cond3A_13 = arith.cmpi ne, %convert_element_type3A, %cond3A : i32
    scf.if %cond3A_13 {
      %mul3A_28 = arith.constant 80 : i32
      %mul3A_29 = arith.muli %add3A, %mul3A_28 : i32
      %add3A_30 = arith.constant 0 : i32
      %add3A_31 = arith.addi %mul3A_29, %add3A_30 : i32
      %run_scoped3A = arith.constant 1 : i32
      "tpu.region"() ({
        %run_scoped3A_32 = tpu.sem_alloc : memref<!tpu.dma_semaphore, #tpu.memory_space<semaphore_mem>>
        %dma_start3A = arith.constant 0 : i32
        %dma_start3A_33 = tpu.memref_slice %arg2[%run_scoped3A, %add3A_31, %dma_start3A] : memref<2x2500x128xi32, #tpu.memory_space<hbm>> -> memref<1x80x128xi32, #tpu.memory_space<hbm>>
        %dma_start3A_34 = tpu.memref_squeeze %dma_start3A_33 : memref<1x80x128xi32, #tpu.memory_space<hbm>> -> memref<80x128xi32, #tpu.memory_space<hbm>>
        %dma_start3A_35 = arith.constant 0 : i32
        %dma_start3A_36 = tpu.memref_slice %arg2[%run_scoped3A, %add3A_31, %dma_start3A_35] : memref<2x2500x128xi32, #tpu.memory_space<hbm>> -> memref<1x80x128xi32, #tpu.memory_space<hbm>>
        %dma_start3A_37 = tpu.memref_squeeze %dma_start3A_36 : memref<1x80x128xi32, #tpu.memory_space<hbm>> -> memref<80x128xi32, #tpu.memory_space<hbm>>
        tpu.enqueue_dma source(%dma_start3A_37 : memref<80x128xi32, #tpu.memory_space<hbm>>) target(%arg6 : memref<80x128xi32, #tpu.memory_space<vmem>>) target_semaphore(%run_scoped3A_32 : memref<!tpu.dma_semaphore, #tpu.memory_space<semaphore_mem>>)
        %dma_wait3A = arith.constant 0 : i32
        %dma_wait3A_38 = tpu.memref_slice %arg2[%run_scoped3A, %add3A_31, %dma_wait3A] : memref<2x2500x128xi32, #tpu.memory_space<hbm>> -> memref<1x80x128xi32, #tpu.memory_space<hbm>>
        %dma_wait3A_39 = tpu.memref_squeeze %dma_wait3A_38 : memref<1x80x128xi32, #tpu.memory_space<hbm>> -> memref<80x128xi32, #tpu.memory_space<hbm>>
        %dma_wait3A_40 = arith.constant 0 : i32
        %dma_wait3A_41 = tpu.memref_slice %arg2[%run_scoped3A, %add3A_31, %dma_wait3A_40] : memref<2x2500x128xi32, #tpu.memory_space<hbm>> -> memref<1x80x128xi32, #tpu.memory_space<hbm>>
        %dma_wait3A_42 = tpu.memref_squeeze %dma_wait3A_41 : memref<1x80x128xi32, #tpu.memory_space<hbm>> -> memref<80x128xi32, #tpu.memory_space<hbm>>
        tpu.wait_dma2 semaphore(%run_scoped3A_32 : memref<!tpu.dma_semaphore, #tpu.memory_space<semaphore_mem>>) src(%dma_wait3A_42 : memref<80x128xi32, #tpu.memory_space<hbm>>) dst(%arg6 : memref<80x128xi32, #tpu.memory_space<vmem>>)
        tpu.yield
      }) : () -> ()
    } else {
    }
    %eq3A = arith.constant 31 : i32
    %eq3A_14 = arith.cmpi eq, %add3A, %eq3A : i32
    %convert_element_type3A_15 = arith.extui %eq3A_14 : i1 to i32
    %cond3A_16 = arith.constant 0 : i32
    %cond3A_17 = arith.cmpi ne, %convert_element_type3A_15, %cond3A_16 : i32
    scf.if %cond3A_17 {
      %run_scoped3A = arith.constant 1 : i32
      "tpu.region"() ({
        %run_scoped3A_28 = tpu.sem_alloc : memref<!tpu.dma_semaphore, #tpu.memory_space<semaphore_mem>>
        %dma_start3A = arith.constant 0 : i32
        %dma_start3A_29 = arith.constant 0 : i32
        %dma_start3A_30 = tpu.memref_slice %arg3[%run_scoped3A, %dma_start3A, %dma_start3A_29] : memref<2x80x128xi32, #tpu.memory_space<hbm>> -> memref<1x80x128xi32, #tpu.memory_space<hbm>>
        %dma_start3A_31 = tpu.memref_squeeze %dma_start3A_30 : memref<1x80x128xi32, #tpu.memory_space<hbm>> -> memref<80x128xi32, #tpu.memory_space<hbm>>
        %dma_start3A_32 = arith.constant 0 : i32
        %dma_start3A_33 = arith.constant 0 : i32
        %dma_start3A_34 = tpu.memref_slice %arg3[%run_scoped3A, %dma_start3A_32, %dma_start3A_33] : memref<2x80x128xi32, #tpu.memory_space<hbm>> -> memref<1x80x128xi32, #tpu.memory_space<hbm>>
        %dma_start3A_35 = tpu.memref_squeeze %dma_start3A_34 : memref<1x80x128xi32, #tpu.memory_space<hbm>> -> memref<80x128xi32, #tpu.memory_space<hbm>>
        tpu.enqueue_dma source(%dma_start3A_35 : memref<80x128xi32, #tpu.memory_space<hbm>>) target(%arg6 : memref<80x128xi32, #tpu.memory_space<vmem>>) target_semaphore(%run_scoped3A_28 : memref<!tpu.dma_semaphore, #tpu.memory_space<semaphore_mem>>)
        %dma_wait3A = arith.constant 0 : i32
        %dma_wait3A_36 = arith.constant 0 : i32
        %dma_wait3A_37 = tpu.memref_slice %arg3[%run_scoped3A, %dma_wait3A, %dma_wait3A_36] : memref<2x80x128xi32, #tpu.memory_space<hbm>> -> memref<1x80x128xi32, #tpu.memory_space<hbm>>
        %dma_wait3A_38 = tpu.memref_squeeze %dma_wait3A_37 : memref<1x80x128xi32, #tpu.memory_space<hbm>> -> memref<80x128xi32, #tpu.memory_space<hbm>>
        %dma_wait3A_39 = arith.constant 0 : i32
        %dma_wait3A_40 = arith.constant 0 : i32
        %dma_wait3A_41 = tpu.memref_slice %arg3[%run_scoped3A, %dma_wait3A_39, %dma_wait3A_40] : memref<2x80x128xi32, #tpu.memory_space<hbm>> -> memref<1x80x128xi32, #tpu.memory_space<hbm>>
        %dma_wait3A_42 = tpu.memref_squeeze %dma_wait3A_41 : memref<1x80x128xi32, #tpu.memory_space<hbm>> -> memref<80x128xi32, #tpu.memory_space<hbm>>
        tpu.wait_dma2 semaphore(%run_scoped3A_28 : memref<!tpu.dma_semaphore, #tpu.memory_space<semaphore_mem>>) src(%dma_wait3A_42 : memref<80x128xi32, #tpu.memory_space<hbm>>) dst(%arg6 : memref<80x128xi32, #tpu.memory_space<vmem>>)
        tpu.yield
      }) : () -> ()
    } else {
    }
    %barrier3A = arith.constant 0 : index
    tpu.barrier barrier_id(%barrier3A)
    %scan3A_18 = arith.constant 0 : i32
    %scan3A_19 = arith.constant 80 : i32
    %scan3A_20 = arith.addi %scan3A_18, %scan3A_19 : i32
    %scan3A_21 = arith.constant 1 : i32
    scf.for %scan3A_28 = %scan3A_18 to %scan3A_20 step %scan3A_21  : i32 {
      %mul3A_29 = arith.constant 1 : i32
      %mul3A_30 = arith.muli %scan3A_28, %mul3A_29 : i32
      %add3A_31 = arith.constant 0 : i32
      %add3A_32 = arith.addi %add3A_31, %mul3A_30 : i32
      "tpu.region"() ({
        %run_scoped3A = tpu.sem_alloc : memref<!tpu.dma_semaphore, #tpu.memory_space<semaphore_mem>>
        %dma_start3A = arith.constant 0 : i32
        %dma_start3A_33 = tpu.memref_slice %arg6[%add3A_32, %dma_start3A] : memref<80x128xi32, #tpu.memory_space<vmem>> -> memref<1x128xi32, #tpu.memory_space<vmem>>
        %dma_start3A_34 = tpu.memref_squeeze %dma_start3A_33 : memref<1x128xi32, #tpu.memory_space<vmem>> -> memref<128xi32, #tpu.memory_space<vmem>>
        %dma_start3A_35 = arith.constant 0 : i32
        %dma_start3A_36 = tpu.memref_slice %arg5[%dma_start3A_35] : memref<10240xf32, #tpu.memory_space<vmem_shared>> -> memref<10240xf32, #tpu.memory_space<vmem_shared>>
        tpu.enqueue_indirect_dma source(%arg7 : memref<128xf32, #tpu.memory_space<vmem>>) target(%dma_start3A_36 : memref<10240xf32, #tpu.memory_space<vmem_shared>>) offsets(%dma_start3A_34 : memref<128xi32, #tpu.memory_space<vmem>>) semaphore(%run_scoped3A : memref<!tpu.dma_semaphore, #tpu.memory_space<semaphore_mem>>) {add = true}
        %dma_wait3A = arith.constant 0 : i32
        %dma_wait3A_37 = tpu.memref_slice %arg6[%add3A_32, %dma_wait3A] : memref<80x128xi32, #tpu.memory_space<vmem>> -> memref<1x128xi32, #tpu.memory_space<vmem>>
        %dma_wait3A_38 = tpu.memref_squeeze %dma_wait3A_37 : memref<1x128xi32, #tpu.memory_space<vmem>> -> memref<128xi32, #tpu.memory_space<vmem>>
        %dma_wait3A_39 = arith.constant 0 : i32
        %dma_wait3A_40 = tpu.memref_slice %arg5[%dma_wait3A_39] : memref<10240xf32, #tpu.memory_space<vmem_shared>> -> memref<10240xf32, #tpu.memory_space<vmem_shared>>
        tpu.wait_indirect_dma semaphore(%run_scoped3A : memref<!tpu.dma_semaphore, #tpu.memory_space<semaphore_mem>>) src(%arg7 : memref<128xf32, #tpu.memory_space<vmem>>) dst(%dma_wait3A_40 : memref<10240xf32, #tpu.memory_space<vmem_shared>>)
        tpu.yield
      }) : () -> ()
    }
    %scan3A_22 = arith.constant 80 : i32
    %barrier3A_23 = arith.constant 0 : index
    tpu.barrier barrier_id(%barrier3A_23)
    %mul3A_24 = arith.constant 640 : i32
    %mul3A_25 = arith.muli %arg1, %mul3A_24 : i32
    %mul3A_26 = arith.constant 640 : i32
    %mul3A_27 = arith.muli %arg1, %mul3A_26 : i32
    "tpu.region"() ({
      %run_scoped3A = tpu.sem_alloc : memref<!tpu.dma_semaphore, #tpu.memory_space<semaphore_mem>>
      %dma_start3A = tpu.memref_slice %arg4[%arg0, %mul3A_27] : memref<2x10240xf32, #tpu.memory_space<hbm>> -> memref<1x640xf32, #tpu.memory_space<hbm>>
      %dma_start3A_28 = tpu.memref_squeeze %dma_start3A : memref<1x640xf32, #tpu.memory_space<hbm>> -> memref<640xf32, #tpu.memory_space<hbm>>
      %dma_start3A_29 = tpu.memref_slice %arg5[%mul3A_25] : memref<10240xf32, #tpu.memory_space<vmem_shared>> -> memref<640xf32, #tpu.memory_space<vmem_shared>>
      tpu.enqueue_dma source(%dma_start3A_29 : memref<640xf32, #tpu.memory_space<vmem_shared>>) target(%dma_start3A_28 : memref<640xf32, #tpu.memory_space<hbm>>) target_semaphore(%run_scoped3A : memref<!tpu.dma_semaphore, #tpu.memory_space<semaphore_mem>>)
      %dma_wait3A = tpu.memref_slice %arg4[%arg0, %mul3A_27] : memref<2x10240xf32, #tpu.memory_space<hbm>> -> memref<1x640xf32, #tpu.memory_space<hbm>>
      %dma_wait3A_30 = tpu.memref_squeeze %dma_wait3A : memref<1x640xf32, #tpu.memory_space<hbm>> -> memref<640xf32, #tpu.memory_space<hbm>>
      %dma_wait3A_31 = tpu.memref_slice %arg5[%mul3A_25] : memref<10240xf32, #tpu.memory_space<vmem_shared>> -> memref<640xf32, #tpu.memory_space<vmem_shared>>
      tpu.wait_dma2 semaphore(%run_scoped3A : memref<!tpu.dma_semaphore, #tpu.memory_space<semaphore_mem>>) src(%dma_wait3A_31 : memref<640xf32, #tpu.memory_space<vmem_shared>>) dst(%dma_wait3A_30 : memref<640xf32, #tpu.memory_space<hbm>>)
      tpu.yield
    }) : () -> ()
    return
  }
}

#map = affine_map<(d0, d1) -> (0, 0)>
#map1 = affine_map<(d0, d1) -> (0, 0, 0)>
module attributes {stable_mosaic.version = 14 : i64} {
  func.func @body(%arg0: i32, %arg1: i32, %arg2: memref<10240x64xf32, #tpu.memory_space<hbm>>, %arg3: memref<2x2500x128xi32, #tpu.memory_space<hbm>>, %arg4: memref<2x80x128xi32, #tpu.memory_space<hbm>>, %arg5: memref<2x10240x64xf32, #tpu.memory_space<hbm>>, %arg6: memref<10240x64xf32, #tpu.memory_space<vmem_shared>>, %arg7: memref<80x128xi32, #tpu.memory_space<vmem>>, %arg8: memref<80x128xi32, #tpu.memory_space<vmem>>, %arg9: memref<128x64xf32, #tpu.memory_space<vmem>>, %arg10: memref<128x64xf32, #tpu.memory_space<vmem>>, %arg11: memref<128x64xf32, #tpu.memory_space<vmem>>, %arg12: memref<128x64xf32, #tpu.memory_space<vmem>>, %arg13: memref<128x64xf32, #tpu.memory_space<vmem>>, %arg14: memref<128x64xf32, #tpu.memory_space<vmem>>, %arg15: memref<128x64xf32, #tpu.memory_space<vmem>>, %arg16: memref<128x64xf32, #tpu.memory_space<vmem>>, %arg17: memref<!tpu.dma_semaphore, #tpu.memory_space<semaphore_mem>>, %arg18: memref<!tpu.dma_semaphore, #tpu.memory_space<semaphore_mem>>, %arg19: memref<!tpu.dma_semaphore, #tpu.memory_space<semaphore_mem>>, %arg20: memref<!tpu.dma_semaphore, #tpu.memory_space<semaphore_mem>>, %arg21: memref<!tpu.dma_semaphore, #tpu.memory_space<semaphore_mem>>, %arg22: memref<!tpu.dma_semaphore, #tpu.memory_space<semaphore_mem>>, %arg23: memref<!tpu.dma_semaphore, #tpu.memory_space<semaphore_mem>>, %arg24: memref<!tpu.dma_semaphore, #tpu.memory_space<semaphore_mem>>, %arg25: memref<!tpu.dma_semaphore, #tpu.memory_space<semaphore_mem>>, %arg26: memref<!tpu.dma_semaphore, #tpu.memory_space<semaphore_mem>>, %arg27: memref<!tpu.dma_semaphore, #tpu.memory_space<semaphore_mem>>, %arg28: memref<!tpu.dma_semaphore, #tpu.memory_space<semaphore_mem>>, %arg29: memref<!tpu.dma_semaphore, #tpu.memory_space<semaphore_mem>>, %arg30: memref<!tpu.dma_semaphore, #tpu.memory_space<semaphore_mem>>, %arg31: memref<!tpu.dma_semaphore, #tpu.memory_space<semaphore_mem>>, %arg32: memref<!tpu.dma_semaphore, #tpu.memory_space<semaphore_mem>>) attributes {dimension_semantics = [#tpu.dimension_semantics<core_parallel>, #tpu.dimension_semantics<subcore_parallel>], iteration_bounds = array<i64: 2, 16>, scalar_prefetch = 0 : i64, scratch_operands = 27 : i64, tpu.core_type = #tpu.core_type<sc_vector_subcore>, window_params = [{transform_indices = #map}, {transform_indices = #map1}, {transform_indices = #map1}, {transform_indices = #map1}]} {
    %mul3A = arith.constant 16 : i32
    %mul3A_0 = arith.muli %arg0, %mul3A : i32
    %add3A = arith.addi %mul3A_0, %arg1 : i32
    %mul3A_1 = arith.constant 640 : i32
    %mul3A_2 = arith.muli %arg1, %mul3A_1 : i32
    %mul3A_3 = arith.constant 640 : i32
    %mul3A_4 = arith.muli %arg1, %mul3A_3 : i32
    "tpu.region"() ({
      %run_scoped3A = tpu.sem_alloc : memref<!tpu.dma_semaphore, #tpu.memory_space<semaphore_mem>>
      %dma_start3A_132 = arith.constant 0 : i32
      %dma_start3A_133 = tpu.memref_slice %arg6[%mul3A_4, %dma_start3A_132] : memref<10240x64xf32, #tpu.memory_space<vmem_shared>> -> memref<640x64xf32, #tpu.memory_space<vmem_shared>>
      %dma_start3A_134 = arith.constant 0 : i32
      %dma_start3A_135 = tpu.memref_slice %arg2[%mul3A_2, %dma_start3A_134] : memref<10240x64xf32, #tpu.memory_space<hbm>> -> memref<640x64xf32, #tpu.memory_space<hbm>>
      tpu.enqueue_dma source(%dma_start3A_135 : memref<640x64xf32, #tpu.memory_space<hbm>>) target(%dma_start3A_133 : memref<640x64xf32, #tpu.memory_space<vmem_shared>>) target_semaphore(%run_scoped3A : memref<!tpu.dma_semaphore, #tpu.memory_space<semaphore_mem>>)
      %dma_wait3A_136 = arith.constant 0 : i32
      %dma_wait3A_137 = tpu.memref_slice %arg6[%mul3A_4, %dma_wait3A_136] : memref<10240x64xf32, #tpu.memory_space<vmem_shared>> -> memref<640x64xf32, #tpu.memory_space<vmem_shared>>
      %dma_wait3A_138 = arith.constant 0 : i32
      %dma_wait3A_139 = tpu.memref_slice %arg2[%mul3A_2, %dma_wait3A_138] : memref<10240x64xf32, #tpu.memory_space<hbm>> -> memref<640x64xf32, #tpu.memory_space<hbm>>
      tpu.wait_dma2 semaphore(%run_scoped3A : memref<!tpu.dma_semaphore, #tpu.memory_space<semaphore_mem>>) src(%dma_wait3A_139 : memref<640x64xf32, #tpu.memory_space<hbm>>) dst(%dma_wait3A_137 : memref<640x64xf32, #tpu.memory_space<vmem_shared>>)
      tpu.yield
    }) : () -> ()
    %barrier3A = arith.constant 0 : index
    tpu.barrier barrier_id(%barrier3A)
    %scan3A = arith.constant 0 : i32
    %mul3A_5 = arith.constant 1 : i32
    %mul3A_6 = arith.muli %scan3A, %mul3A_5 : i32
    %add3A_7 = arith.constant 0 : i32
    %add3A_8 = arith.addi %add3A_7, %mul3A_6 : i32
    %lt3A = arith.constant 31 : i32
    %lt3A_9 = arith.cmpi slt, %add3A, %lt3A : i32
    %convert_element_type3A = arith.extui %lt3A_9 : i1 to i32
    %cond3A = arith.constant 0 : i32
    %cond3A_10 = arith.cmpi ne, %convert_element_type3A, %cond3A : i32
    scf.if %cond3A_10 {
      %mul3A_132 = arith.constant 80 : i32
      %mul3A_133 = arith.muli %add3A, %mul3A_132 : i32
      %mul3A_134 = arith.constant 80 : i32
      %mul3A_135 = arith.muli %add3A_8, %mul3A_134 : i32
      %add3A_136 = arith.addi %mul3A_133, %mul3A_135 : i32
      %run_scoped3A = arith.constant 0 : i32
      "tpu.region"() ({
        %run_scoped3A_137 = tpu.sem_alloc : memref<!tpu.dma_semaphore, #tpu.memory_space<semaphore_mem>>
        %dma_start3A_138 = arith.constant 0 : i32
        %dma_start3A_139 = tpu.memref_slice %arg3[%run_scoped3A, %add3A_136, %dma_start3A_138] : memref<2x2500x128xi32, #tpu.memory_space<hbm>> -> memref<1x80x128xi32, #tpu.memory_space<hbm>>
        %dma_start3A_140 = tpu.memref_squeeze %dma_start3A_139 : memref<1x80x128xi32, #tpu.memory_space<hbm>> -> memref<80x128xi32, #tpu.memory_space<hbm>>
        %dma_start3A_141 = arith.constant 0 : i32
        %dma_start3A_142 = tpu.memref_slice %arg3[%run_scoped3A, %add3A_136, %dma_start3A_141] : memref<2x2500x128xi32, #tpu.memory_space<hbm>> -> memref<1x80x128xi32, #tpu.memory_space<hbm>>
        %dma_start3A_143 = tpu.memref_squeeze %dma_start3A_142 : memref<1x80x128xi32, #tpu.memory_space<hbm>> -> memref<80x128xi32, #tpu.memory_space<hbm>>
        tpu.enqueue_dma source(%dma_start3A_143 : memref<80x128xi32, #tpu.memory_space<hbm>>) target(%arg7 : memref<80x128xi32, #tpu.memory_space<vmem>>) target_semaphore(%run_scoped3A_137 : memref<!tpu.dma_semaphore, #tpu.memory_space<semaphore_mem>>)
        %dma_wait3A_144 = arith.constant 0 : i32
        %dma_wait3A_145 = tpu.memref_slice %arg3[%run_scoped3A, %add3A_136, %dma_wait3A_144] : memref<2x2500x128xi32, #tpu.memory_space<hbm>> -> memref<1x80x128xi32, #tpu.memory_space<hbm>>
        %dma_wait3A_146 = tpu.memref_squeeze %dma_wait3A_145 : memref<1x80x128xi32, #tpu.memory_space<hbm>> -> memref<80x128xi32, #tpu.memory_space<hbm>>
        %dma_wait3A_147 = arith.constant 0 : i32
        %dma_wait3A_148 = tpu.memref_slice %arg3[%run_scoped3A, %add3A_136, %dma_wait3A_147] : memref<2x2500x128xi32, #tpu.memory_space<hbm>> -> memref<1x80x128xi32, #tpu.memory_space<hbm>>
        %dma_wait3A_149 = tpu.memref_squeeze %dma_wait3A_148 : memref<1x80x128xi32, #tpu.memory_space<hbm>> -> memref<80x128xi32, #tpu.memory_space<hbm>>
        tpu.wait_dma2 semaphore(%run_scoped3A_137 : memref<!tpu.dma_semaphore, #tpu.memory_space<semaphore_mem>>) src(%dma_wait3A_149 : memref<80x128xi32, #tpu.memory_space<hbm>>) dst(%arg7 : memref<80x128xi32, #tpu.memory_space<vmem>>)
        tpu.yield
      }) : () -> ()
    } else {
    }
    %eq3A = arith.constant 31 : i32
    %eq3A_11 = arith.cmpi eq, %add3A, %eq3A : i32
    %convert_element_type3A_12 = arith.extui %eq3A_11 : i1 to i32
    %cond3A_13 = arith.constant 0 : i32
    %cond3A_14 = arith.cmpi ne, %convert_element_type3A_12, %cond3A_13 : i32
    scf.if %cond3A_14 {
      %mul3A_132 = arith.constant 80 : i32
      %mul3A_133 = arith.muli %add3A_8, %mul3A_132 : i32
      %run_scoped3A = arith.constant 0 : i32
      "tpu.region"() ({
        %run_scoped3A_134 = tpu.sem_alloc : memref<!tpu.dma_semaphore, #tpu.memory_space<semaphore_mem>>
        %dma_start3A_135 = arith.constant 0 : i32
        %dma_start3A_136 = tpu.memref_slice %arg4[%run_scoped3A, %mul3A_133, %dma_start3A_135] : memref<2x80x128xi32, #tpu.memory_space<hbm>> -> memref<1x80x128xi32, #tpu.memory_space<hbm>>
        %dma_start3A_137 = tpu.memref_squeeze %dma_start3A_136 : memref<1x80x128xi32, #tpu.memory_space<hbm>> -> memref<80x128xi32, #tpu.memory_space<hbm>>
        %dma_start3A_138 = arith.constant 0 : i32
        %dma_start3A_139 = tpu.memref_slice %arg4[%run_scoped3A, %mul3A_133, %dma_start3A_138] : memref<2x80x128xi32, #tpu.memory_space<hbm>> -> memref<1x80x128xi32, #tpu.memory_space<hbm>>
        %dma_start3A_140 = tpu.memref_squeeze %dma_start3A_139 : memref<1x80x128xi32, #tpu.memory_space<hbm>> -> memref<80x128xi32, #tpu.memory_space<hbm>>
        tpu.enqueue_dma source(%dma_start3A_140 : memref<80x128xi32, #tpu.memory_space<hbm>>) target(%arg7 : memref<80x128xi32, #tpu.memory_space<vmem>>) target_semaphore(%run_scoped3A_134 : memref<!tpu.dma_semaphore, #tpu.memory_space<semaphore_mem>>)
        %dma_wait3A_141 = arith.constant 0 : i32
        %dma_wait3A_142 = tpu.memref_slice %arg4[%run_scoped3A, %mul3A_133, %dma_wait3A_141] : memref<2x80x128xi32, #tpu.memory_space<hbm>> -> memref<1x80x128xi32, #tpu.memory_space<hbm>>
        %dma_wait3A_143 = tpu.memref_squeeze %dma_wait3A_142 : memref<1x80x128xi32, #tpu.memory_space<hbm>> -> memref<80x128xi32, #tpu.memory_space<hbm>>
        %dma_wait3A_144 = arith.constant 0 : i32
        %dma_wait3A_145 = tpu.memref_slice %arg4[%run_scoped3A, %mul3A_133, %dma_wait3A_144] : memref<2x80x128xi32, #tpu.memory_space<hbm>> -> memref<1x80x128xi32, #tpu.memory_space<hbm>>
        %dma_wait3A_146 = tpu.memref_squeeze %dma_wait3A_145 : memref<1x80x128xi32, #tpu.memory_space<hbm>> -> memref<80x128xi32, #tpu.memory_space<hbm>>
        tpu.wait_dma2 semaphore(%run_scoped3A_134 : memref<!tpu.dma_semaphore, #tpu.memory_space<semaphore_mem>>) src(%dma_wait3A_146 : memref<80x128xi32, #tpu.memory_space<hbm>>) dst(%arg7 : memref<80x128xi32, #tpu.memory_space<vmem>>)
        tpu.yield
      }) : () -> ()
    } else {
    }
    %lt3A_15 = arith.constant 31 : i32
    %lt3A_16 = arith.cmpi slt, %add3A, %lt3A_15 : i32
    %convert_element_type3A_17 = arith.extui %lt3A_16 : i1 to i32
    %cond3A_18 = arith.constant 0 : i32
    %cond3A_19 = arith.cmpi ne, %convert_element_type3A_17, %cond3A_18 : i32
    scf.if %cond3A_19 {
      %mul3A_132 = arith.constant 80 : i32
      %mul3A_133 = arith.muli %add3A, %mul3A_132 : i32
      %mul3A_134 = arith.constant 80 : i32
      %mul3A_135 = arith.muli %add3A_8, %mul3A_134 : i32
      %add3A_136 = arith.addi %mul3A_133, %mul3A_135 : i32
      %run_scoped3A = arith.constant 1 : i32
      "tpu.region"() ({
        %run_scoped3A_137 = tpu.sem_alloc : memref<!tpu.dma_semaphore, #tpu.memory_space<semaphore_mem>>
        %dma_start3A_138 = arith.constant 0 : i32
        %dma_start3A_139 = tpu.memref_slice %arg3[%run_scoped3A, %add3A_136, %dma_start3A_138] : memref<2x2500x128xi32, #tpu.memory_space<hbm>> -> memref<1x80x128xi32, #tpu.memory_space<hbm>>
        %dma_start3A_140 = tpu.memref_squeeze %dma_start3A_139 : memref<1x80x128xi32, #tpu.memory_space<hbm>> -> memref<80x128xi32, #tpu.memory_space<hbm>>
        %dma_start3A_141 = arith.constant 0 : i32
        %dma_start3A_142 = tpu.memref_slice %arg3[%run_scoped3A, %add3A_136, %dma_start3A_141] : memref<2x2500x128xi32, #tpu.memory_space<hbm>> -> memref<1x80x128xi32, #tpu.memory_space<hbm>>
        %dma_start3A_143 = tpu.memref_squeeze %dma_start3A_142 : memref<1x80x128xi32, #tpu.memory_space<hbm>> -> memref<80x128xi32, #tpu.memory_space<hbm>>
        tpu.enqueue_dma source(%dma_start3A_143 : memref<80x128xi32, #tpu.memory_space<hbm>>) target(%arg8 : memref<80x128xi32, #tpu.memory_space<vmem>>) target_semaphore(%run_scoped3A_137 : memref<!tpu.dma_semaphore, #tpu.memory_space<semaphore_mem>>)
        %dma_wait3A_144 = arith.constant 0 : i32
        %dma_wait3A_145 = tpu.memref_slice %arg3[%run_scoped3A, %add3A_136, %dma_wait3A_144] : memref<2x2500x128xi32, #tpu.memory_space<hbm>> -> memref<1x80x128xi32, #tpu.memory_space<hbm>>
        %dma_wait3A_146 = tpu.memref_squeeze %dma_wait3A_145 : memref<1x80x128xi32, #tpu.memory_space<hbm>> -> memref<80x128xi32, #tpu.memory_space<hbm>>
        %dma_wait3A_147 = arith.constant 0 : i32
        %dma_wait3A_148 = tpu.memref_slice %arg3[%run_scoped3A, %add3A_136, %dma_wait3A_147] : memref<2x2500x128xi32, #tpu.memory_space<hbm>> -> memref<1x80x128xi32, #tpu.memory_space<hbm>>
        %dma_wait3A_149 = tpu.memref_squeeze %dma_wait3A_148 : memref<1x80x128xi32, #tpu.memory_space<hbm>> -> memref<80x128xi32, #tpu.memory_space<hbm>>
        tpu.wait_dma2 semaphore(%run_scoped3A_137 : memref<!tpu.dma_semaphore, #tpu.memory_space<semaphore_mem>>) src(%dma_wait3A_149 : memref<80x128xi32, #tpu.memory_space<hbm>>) dst(%arg8 : memref<80x128xi32, #tpu.memory_space<vmem>>)
        tpu.yield
      }) : () -> ()
    } else {
    }
    %eq3A_20 = arith.constant 31 : i32
    %eq3A_21 = arith.cmpi eq, %add3A, %eq3A_20 : i32
    %convert_element_type3A_22 = arith.extui %eq3A_21 : i1 to i32
    %cond3A_23 = arith.constant 0 : i32
    %cond3A_24 = arith.cmpi ne, %convert_element_type3A_22, %cond3A_23 : i32
    scf.if %cond3A_24 {
      %mul3A_132 = arith.constant 80 : i32
      %mul3A_133 = arith.muli %add3A_8, %mul3A_132 : i32
      %run_scoped3A = arith.constant 1 : i32
      "tpu.region"() ({
        %run_scoped3A_134 = tpu.sem_alloc : memref<!tpu.dma_semaphore, #tpu.memory_space<semaphore_mem>>
        %dma_start3A_135 = arith.constant 0 : i32
        %dma_start3A_136 = tpu.memref_slice %arg4[%run_scoped3A, %mul3A_133, %dma_start3A_135] : memref<2x80x128xi32, #tpu.memory_space<hbm>> -> memref<1x80x128xi32, #tpu.memory_space<hbm>>
        %dma_start3A_137 = tpu.memref_squeeze %dma_start3A_136 : memref<1x80x128xi32, #tpu.memory_space<hbm>> -> memref<80x128xi32, #tpu.memory_space<hbm>>
        %dma_start3A_138 = arith.constant 0 : i32
        %dma_start3A_139 = tpu.memref_slice %arg4[%run_scoped3A, %mul3A_133, %dma_start3A_138] : memref<2x80x128xi32, #tpu.memory_space<hbm>> -> memref<1x80x128xi32, #tpu.memory_space<hbm>>
        %dma_start3A_140 = tpu.memref_squeeze %dma_start3A_139 : memref<1x80x128xi32, #tpu.memory_space<hbm>> -> memref<80x128xi32, #tpu.memory_space<hbm>>
        tpu.enqueue_dma source(%dma_start3A_140 : memref<80x128xi32, #tpu.memory_space<hbm>>) target(%arg8 : memref<80x128xi32, #tpu.memory_space<vmem>>) target_semaphore(%run_scoped3A_134 : memref<!tpu.dma_semaphore, #tpu.memory_space<semaphore_mem>>)
        %dma_wait3A_141 = arith.constant 0 : i32
        %dma_wait3A_142 = tpu.memref_slice %arg4[%run_scoped3A, %mul3A_133, %dma_wait3A_141] : memref<2x80x128xi32, #tpu.memory_space<hbm>> -> memref<1x80x128xi32, #tpu.memory_space<hbm>>
        %dma_wait3A_143 = tpu.memref_squeeze %dma_wait3A_142 : memref<1x80x128xi32, #tpu.memory_space<hbm>> -> memref<80x128xi32, #tpu.memory_space<hbm>>
        %dma_wait3A_144 = arith.constant 0 : i32
        %dma_wait3A_145 = tpu.memref_slice %arg4[%run_scoped3A, %mul3A_133, %dma_wait3A_144] : memref<2x80x128xi32, #tpu.memory_space<hbm>> -> memref<1x80x128xi32, #tpu.memory_space<hbm>>
        %dma_wait3A_146 = tpu.memref_squeeze %dma_wait3A_145 : memref<1x80x128xi32, #tpu.memory_space<hbm>> -> memref<80x128xi32, #tpu.memory_space<hbm>>
        tpu.wait_dma2 semaphore(%run_scoped3A_134 : memref<!tpu.dma_semaphore, #tpu.memory_space<semaphore_mem>>) src(%dma_wait3A_146 : memref<80x128xi32, #tpu.memory_space<hbm>>) dst(%arg8 : memref<80x128xi32, #tpu.memory_space<vmem>>)
        tpu.yield
      }) : () -> ()
    } else {
    }
    %dma_start3A = arith.constant 0 : i32
    %dma_start3A_25 = arith.constant 0 : i32
    %dma_start3A_26 = tpu.memref_slice %arg7[%dma_start3A, %dma_start3A_25] : memref<80x128xi32, #tpu.memory_space<vmem>> -> memref<1x128xi32, #tpu.memory_space<vmem>>
    %dma_start3A_27 = tpu.memref_squeeze %dma_start3A_26 : memref<1x128xi32, #tpu.memory_space<vmem>> -> memref<128xi32, #tpu.memory_space<vmem>>
    %dma_start3A_28 = arith.constant 0 : i32
    %dma_start3A_29 = arith.constant 0 : i32
    %dma_start3A_30 = tpu.memref_slice %arg2[%dma_start3A_28, %dma_start3A_29] : memref<10240x64xf32, #tpu.memory_space<hbm>> -> memref<10240x64xf32, #tpu.memory_space<hbm>>
    tpu.enqueue_indirect_dma source(%dma_start3A_30 : memref<10240x64xf32, #tpu.memory_space<hbm>>) target(%arg9 : memref<128x64xf32, #tpu.memory_space<vmem>>) offsets(%dma_start3A_27 : memref<128xi32, #tpu.memory_space<vmem>>) semaphore(%arg17 : memref<!tpu.dma_semaphore, #tpu.memory_space<semaphore_mem>>)
    %dma_start3A_31 = arith.constant 1 : i32
    %dma_start3A_32 = arith.constant 0 : i32
    %dma_start3A_33 = tpu.memref_slice %arg7[%dma_start3A_31, %dma_start3A_32] : memref<80x128xi32, #tpu.memory_space<vmem>> -> memref<1x128xi32, #tpu.memory_space<vmem>>
    %dma_start3A_34 = tpu.memref_squeeze %dma_start3A_33 : memref<1x128xi32, #tpu.memory_space<vmem>> -> memref<128xi32, #tpu.memory_space<vmem>>
    %dma_start3A_35 = arith.constant 0 : i32
    %dma_start3A_36 = arith.constant 0 : i32
    %dma_start3A_37 = tpu.memref_slice %arg2[%dma_start3A_35, %dma_start3A_36] : memref<10240x64xf32, #tpu.memory_space<hbm>> -> memref<10240x64xf32, #tpu.memory_space<hbm>>
    tpu.enqueue_indirect_dma source(%dma_start3A_37 : memref<10240x64xf32, #tpu.memory_space<hbm>>) target(%arg10 : memref<128x64xf32, #tpu.memory_space<vmem>>) offsets(%dma_start3A_34 : memref<128xi32, #tpu.memory_space<vmem>>) semaphore(%arg18 : memref<!tpu.dma_semaphore, #tpu.memory_space<semaphore_mem>>)
    %dma_start3A_38 = arith.constant 2 : i32
    %dma_start3A_39 = arith.constant 0 : i32
    %dma_start3A_40 = tpu.memref_slice %arg7[%dma_start3A_38, %dma_start3A_39] : memref<80x128xi32, #tpu.memory_space<vmem>> -> memref<1x128xi32, #tpu.memory_space<vmem>>
    %dma_start3A_41 = tpu.memref_squeeze %dma_start3A_40 : memref<1x128xi32, #tpu.memory_space<vmem>> -> memref<128xi32, #tpu.memory_space<vmem>>
    %dma_start3A_42 = arith.constant 0 : i32
    %dma_start3A_43 = arith.constant 0 : i32
    %dma_start3A_44 = tpu.memref_slice %arg2[%dma_start3A_42, %dma_start3A_43] : memref<10240x64xf32, #tpu.memory_space<hbm>> -> memref<10240x64xf32, #tpu.memory_space<hbm>>
    tpu.enqueue_indirect_dma source(%dma_start3A_44 : memref<10240x64xf32, #tpu.memory_space<hbm>>) target(%arg11 : memref<128x64xf32, #tpu.memory_space<vmem>>) offsets(%dma_start3A_41 : memref<128xi32, #tpu.memory_space<vmem>>) semaphore(%arg19 : memref<!tpu.dma_semaphore, #tpu.memory_space<semaphore_mem>>)
    %dma_start3A_45 = arith.constant 3 : i32
    %dma_start3A_46 = arith.constant 0 : i32
    %dma_start3A_47 = tpu.memref_slice %arg7[%dma_start3A_45, %dma_start3A_46] : memref<80x128xi32, #tpu.memory_space<vmem>> -> memref<1x128xi32, #tpu.memory_space<vmem>>
    %dma_start3A_48 = tpu.memref_squeeze %dma_start3A_47 : memref<1x128xi32, #tpu.memory_space<vmem>> -> memref<128xi32, #tpu.memory_space<vmem>>
    %dma_start3A_49 = arith.constant 0 : i32
    %dma_start3A_50 = arith.constant 0 : i32
    %dma_start3A_51 = tpu.memref_slice %arg2[%dma_start3A_49, %dma_start3A_50] : memref<10240x64xf32, #tpu.memory_space<hbm>> -> memref<10240x64xf32, #tpu.memory_space<hbm>>
    tpu.enqueue_indirect_dma source(%dma_start3A_51 : memref<10240x64xf32, #tpu.memory_space<hbm>>) target(%arg12 : memref<128x64xf32, #tpu.memory_space<vmem>>) offsets(%dma_start3A_48 : memref<128xi32, #tpu.memory_space<vmem>>) semaphore(%arg20 : memref<!tpu.dma_semaphore, #tpu.memory_space<semaphore_mem>>)
    %dma_start3A_52 = arith.constant 4 : i32
    %dma_start3A_53 = arith.constant 0 : i32
    %dma_start3A_54 = tpu.memref_slice %arg7[%dma_start3A_52, %dma_start3A_53] : memref<80x128xi32, #tpu.memory_space<vmem>> -> memref<1x128xi32, #tpu.memory_space<vmem>>
    %dma_start3A_55 = tpu.memref_squeeze %dma_start3A_54 : memref<1x128xi32, #tpu.memory_space<vmem>> -> memref<128xi32, #tpu.memory_space<vmem>>
    %dma_start3A_56 = arith.constant 0 : i32
    %dma_start3A_57 = arith.constant 0 : i32
    %dma_start3A_58 = tpu.memref_slice %arg2[%dma_start3A_56, %dma_start3A_57] : memref<10240x64xf32, #tpu.memory_space<hbm>> -> memref<10240x64xf32, #tpu.memory_space<hbm>>
    tpu.enqueue_indirect_dma source(%dma_start3A_58 : memref<10240x64xf32, #tpu.memory_space<hbm>>) target(%arg13 : memref<128x64xf32, #tpu.memory_space<vmem>>) offsets(%dma_start3A_55 : memref<128xi32, #tpu.memory_space<vmem>>) semaphore(%arg21 : memref<!tpu.dma_semaphore, #tpu.memory_space<semaphore_mem>>)
    %dma_start3A_59 = arith.constant 5 : i32
    %dma_start3A_60 = arith.constant 0 : i32
    %dma_start3A_61 = tpu.memref_slice %arg7[%dma_start3A_59, %dma_start3A_60] : memref<80x128xi32, #tpu.memory_space<vmem>> -> memref<1x128xi32, #tpu.memory_space<vmem>>
    %dma_start3A_62 = tpu.memref_squeeze %dma_start3A_61 : memref<1x128xi32, #tpu.memory_space<vmem>> -> memref<128xi32, #tpu.memory_space<vmem>>
    %dma_start3A_63 = arith.constant 0 : i32
    %dma_start3A_64 = arith.constant 0 : i32
    %dma_start3A_65 = tpu.memref_slice %arg2[%dma_start3A_63, %dma_start3A_64] : memref<10240x64xf32, #tpu.memory_space<hbm>> -> memref<10240x64xf32, #tpu.memory_space<hbm>>
    tpu.enqueue_indirect_dma source(%dma_start3A_65 : memref<10240x64xf32, #tpu.memory_space<hbm>>) target(%arg14 : memref<128x64xf32, #tpu.memory_space<vmem>>) offsets(%dma_start3A_62 : memref<128xi32, #tpu.memory_space<vmem>>) semaphore(%arg22 : memref<!tpu.dma_semaphore, #tpu.memory_space<semaphore_mem>>)
    %scan3A_66 = arith.constant 0 : i32
    %scan3A_67 = arith.constant 10 : i32
    %scan3A_68 = arith.addi %scan3A_66, %scan3A_67 : i32
    %scan3A_69 = arith.constant 1 : i32
    scf.for %scan3A_132 = %scan3A_66 to %scan3A_68 step %scan3A_69  : i32 {
      %mul3A_133 = arith.constant 1 : i32
      %mul3A_134 = arith.muli %scan3A_132, %mul3A_133 : i32
      %add3A_135 = arith.constant 0 : i32
      %add3A_136 = arith.addi %add3A_135, %mul3A_134 : i32
      %mul3A_137 = arith.constant 8 : i32
      %mul3A_138 = arith.muli %mul3A_137, %add3A_136 : i32
      %add3A_139 = arith.constant 0 : i32
      %add3A_140 = arith.addi %mul3A_138, %add3A_139 : i32
      %dma_wait3A_141 = arith.constant 0 : i32
      %dma_wait3A_142 = arith.constant 0 : i32
      %dma_wait3A_143 = tpu.memref_slice %arg7[%dma_wait3A_141, %dma_wait3A_142] : memref<80x128xi32, #tpu.memory_space<vmem>> -> memref<1x128xi32, #tpu.memory_space<vmem>>
      %dma_wait3A_144 = tpu.memref_squeeze %dma_wait3A_143 : memref<1x128xi32, #tpu.memory_space<vmem>> -> memref<128xi32, #tpu.memory_space<vmem>>
      %dma_wait3A_145 = arith.constant 0 : i32
      %dma_wait3A_146 = arith.constant 0 : i32
      %dma_wait3A_147 = tpu.memref_slice %arg2[%dma_wait3A_145, %dma_wait3A_146] : memref<10240x64xf32, #tpu.memory_space<hbm>> -> memref<10240x64xf32, #tpu.memory_space<hbm>>
      tpu.wait_indirect_dma semaphore(%arg17 : memref<!tpu.dma_semaphore, #tpu.memory_space<semaphore_mem>>) src(%dma_wait3A_147 : memref<10240x64xf32, #tpu.memory_space<hbm>>) dst(%arg9 : memref<128x64xf32, #tpu.memory_space<vmem>>)
      %dma_start3A_148 = arith.constant 0 : i32
      %dma_start3A_149 = tpu.memref_slice %arg8[%add3A_140, %dma_start3A_148] : memref<80x128xi32, #tpu.memory_space<vmem>> -> memref<1x128xi32, #tpu.memory_space<vmem>>
      %dma_start3A_150 = tpu.memref_squeeze %dma_start3A_149 : memref<1x128xi32, #tpu.memory_space<vmem>> -> memref<128xi32, #tpu.memory_space<vmem>>
      %dma_start3A_151 = arith.constant 0 : i32
      %dma_start3A_152 = arith.constant 0 : i32
      %dma_start3A_153 = tpu.memref_slice %arg6[%dma_start3A_151, %dma_start3A_152] : memref<10240x64xf32, #tpu.memory_space<vmem_shared>> -> memref<10240x64xf32, #tpu.memory_space<vmem_shared>>
      tpu.enqueue_indirect_dma source(%arg9 : memref<128x64xf32, #tpu.memory_space<vmem>>) target(%dma_start3A_153 : memref<10240x64xf32, #tpu.memory_space<vmem_shared>>) offsets(%dma_start3A_150 : memref<128xi32, #tpu.memory_space<vmem>>) semaphore(%arg25 : memref<!tpu.dma_semaphore, #tpu.memory_space<semaphore_mem>>) {add = true}
      %add3A_154 = arith.constant 6 : i32
      %add3A_155 = arith.addi %add3A_140, %add3A_154 : i32
      %lt3A_156 = arith.constant 80 : i32
      %lt3A_157 = arith.cmpi slt, %add3A_155, %lt3A_156 : i32
      %convert_element_type3A_158 = arith.extui %lt3A_157 : i1 to i32
      %cond3A_159 = arith.constant 0 : i32
      %cond3A_160 = arith.cmpi ne, %convert_element_type3A_158, %cond3A_159 : i32
      scf.if %cond3A_160 {
        %sub3A = arith.constant 8 : i32
        %sub3A_315 = arith.subi %add3A_155, %sub3A : i32
        %ge3A = arith.constant 0 : i32
        %ge3A_316 = arith.cmpi sge, %sub3A_315, %ge3A : i32
        %convert_element_type3A_317 = arith.extui %ge3A_316 : i1 to i32
        %cond3A_318 = arith.constant 0 : i32
        %cond3A_319 = arith.cmpi ne, %convert_element_type3A_317, %cond3A_318 : i32
        scf.if %cond3A_319 {
          %dma_wait3A_326 = arith.constant 0 : i32
          %dma_wait3A_327 = arith.constant 0 : i32
          %dma_wait3A_328 = tpu.memref_slice %arg8[%dma_wait3A_326, %dma_wait3A_327] : memref<80x128xi32, #tpu.memory_space<vmem>> -> memref<1x128xi32, #tpu.memory_space<vmem>>
          %dma_wait3A_329 = tpu.memref_squeeze %dma_wait3A_328 : memref<1x128xi32, #tpu.memory_space<vmem>> -> memref<128xi32, #tpu.memory_space<vmem>>
          %dma_wait3A_330 = arith.constant 0 : i32
          %dma_wait3A_331 = arith.constant 0 : i32
          %dma_wait3A_332 = tpu.memref_slice %arg6[%dma_wait3A_330, %dma_wait3A_331] : memref<10240x64xf32, #tpu.memory_space<vmem_shared>> -> memref<10240x64xf32, #tpu.memory_space<vmem_shared>>
          tpu.wait_indirect_dma semaphore(%arg31 : memref<!tpu.dma_semaphore, #tpu.memory_space<semaphore_mem>>) src(%arg15 : memref<128x64xf32, #tpu.memory_space<vmem>>) dst(%dma_wait3A_332 : memref<10240x64xf32, #tpu.memory_space<vmem_shared>>)
        } else {
        }
        %dma_start3A_320 = arith.constant 0 : i32
        %dma_start3A_321 = tpu.memref_slice %arg7[%add3A_155, %dma_start3A_320] : memref<80x128xi32, #tpu.memory_space<vmem>> -> memref<1x128xi32, #tpu.memory_space<vmem>>
        %dma_start3A_322 = tpu.memref_squeeze %dma_start3A_321 : memref<1x128xi32, #tpu.memory_space<vmem>> -> memref<128xi32, #tpu.memory_space<vmem>>
        %dma_start3A_323 = arith.constant 0 : i32
        %dma_start3A_324 = arith.constant 0 : i32
        %dma_start3A_325 = tpu.memref_slice %arg2[%dma_start3A_323, %dma_start3A_324] : memref<10240x64xf32, #tpu.memory_space<hbm>> -> memref<10240x64xf32, #tpu.memory_space<hbm>>
        tpu.enqueue_indirect_dma source(%dma_start3A_325 : memref<10240x64xf32, #tpu.memory_space<hbm>>) target(%arg15 : memref<128x64xf32, #tpu.memory_space<vmem>>) offsets(%dma_start3A_322 : memref<128xi32, #tpu.memory_space<vmem>>) semaphore(%arg23 : memref<!tpu.dma_semaphore, #tpu.memory_space<semaphore_mem>>)
      } else {
      }
      %add3A_161 = arith.constant 1 : i32
      %add3A_162 = arith.addi %mul3A_138, %add3A_161 : i32
      %dma_wait3A_163 = arith.constant 0 : i32
      %dma_wait3A_164 = arith.constant 0 : i32
      %dma_wait3A_165 = tpu.memref_slice %arg7[%dma_wait3A_163, %dma_wait3A_164] : memref<80x128xi32, #tpu.memory_space<vmem>> -> memref<1x128xi32, #tpu.memory_space<vmem>>
      %dma_wait3A_166 = tpu.memref_squeeze %dma_wait3A_165 : memref<1x128xi32, #tpu.memory_space<vmem>> -> memref<128xi32, #tpu.memory_space<vmem>>
      %dma_wait3A_167 = arith.constant 0 : i32
      %dma_wait3A_168 = arith.constant 0 : i32
      %dma_wait3A_169 = tpu.memref_slice %arg2[%dma_wait3A_167, %dma_wait3A_168] : memref<10240x64xf32, #tpu.memory_space<hbm>> -> memref<10240x64xf32, #tpu.memory_space<hbm>>
      tpu.wait_indirect_dma semaphore(%arg18 : memref<!tpu.dma_semaphore, #tpu.memory_space<semaphore_mem>>) src(%dma_wait3A_169 : memref<10240x64xf32, #tpu.memory_space<hbm>>) dst(%arg10 : memref<128x64xf32, #tpu.memory_space<vmem>>)
      %dma_start3A_170 = arith.constant 0 : i32
      %dma_start3A_171 = tpu.memref_slice %arg8[%add3A_162, %dma_start3A_170] : memref<80x128xi32, #tpu.memory_space<vmem>> -> memref<1x128xi32, #tpu.memory_space<vmem>>
      %dma_start3A_172 = tpu.memref_squeeze %dma_start3A_171 : memref<1x128xi32, #tpu.memory_space<vmem>> -> memref<128xi32, #tpu.memory_space<vmem>>
      %dma_start3A_173 = arith.constant 0 : i32
      %dma_start3A_174 = arith.constant 0 : i32
      %dma_start3A_175 = tpu.memref_slice %arg6[%dma_start3A_173, %dma_start3A_174] : memref<10240x64xf32, #tpu.memory_space<vmem_shared>> -> memref<10240x64xf32, #tpu.memory_space<vmem_shared>>
      tpu.enqueue_indirect_dma source(%arg10 : memref<128x64xf32, #tpu.memory_space<vmem>>) target(%dma_start3A_175 : memref<10240x64xf32, #tpu.memory_space<vmem_shared>>) offsets(%dma_start3A_172 : memref<128xi32, #tpu.memory_space<vmem>>) semaphore(%arg26 : memref<!tpu.dma_semaphore, #tpu.memory_space<semaphore_mem>>) {add = true}
      %add3A_176 = arith.constant 6 : i32
      %add3A_177 = arith.addi %add3A_162, %add3A_176 : i32
      %lt3A_178 = arith.constant 80 : i32
      %lt3A_179 = arith.cmpi slt, %add3A_177, %lt3A_178 : i32
      %convert_element_type3A_180 = arith.extui %lt3A_179 : i1 to i32
      %cond3A_181 = arith.constant 0 : i32
      %cond3A_182 = arith.cmpi ne, %convert_element_type3A_180, %cond3A_181 : i32
      scf.if %cond3A_182 {
        %sub3A = arith.constant 8 : i32
        %sub3A_315 = arith.subi %add3A_177, %sub3A : i32
        %ge3A = arith.constant 0 : i32
        %ge3A_316 = arith.cmpi sge, %sub3A_315, %ge3A : i32
        %convert_element_type3A_317 = arith.extui %ge3A_316 : i1 to i32
        %cond3A_318 = arith.constant 0 : i32
        %cond3A_319 = arith.cmpi ne, %convert_element_type3A_317, %cond3A_318 : i32
        scf.if %cond3A_319 {
          %dma_wait3A_326 = arith.constant 0 : i32
          %dma_wait3A_327 = arith.constant 0 : i32
          %dma_wait3A_328 = tpu.memref_slice %arg8[%dma_wait3A_326, %dma_wait3A_327] : memref<80x128xi32, #tpu.memory_space<vmem>> -> memref<1x128xi32, #tpu.memory_space<vmem>>
          %dma_wait3A_329 = tpu.memref_squeeze %dma_wait3A_328 : memref<1x128xi32, #tpu.memory_space<vmem>> -> memref<128xi32, #tpu.memory_space<vmem>>
          %dma_wait3A_330 = arith.constant 0 : i32
          %dma_wait3A_331 = arith.constant 0 : i32
          %dma_wait3A_332 = tpu.memref_slice %arg6[%dma_wait3A_330, %dma_wait3A_331] : memref<10240x64xf32, #tpu.memory_space<vmem_shared>> -> memref<10240x64xf32, #tpu.memory_space<vmem_shared>>
          tpu.wait_indirect_dma semaphore(%arg32 : memref<!tpu.dma_semaphore, #tpu.memory_space<semaphore_mem>>) src(%arg16 : memref<128x64xf32, #tpu.memory_space<vmem>>) dst(%dma_wait3A_332 : memref<10240x64xf32, #tpu.memory_space<vmem_shared>>)
        } else {
        }
        %dma_start3A_320 = arith.constant 0 : i32
        %dma_start3A_321 = tpu.memref_slice %arg7[%add3A_177, %dma_start3A_320] : memref<80x128xi32, #tpu.memory_space<vmem>> -> memref<1x128xi32, #tpu.memory_space<vmem>>
        %dma_start3A_322 = tpu.memref_squeeze %dma_start3A_321 : memref<1x128xi32, #tpu.memory_space<vmem>> -> memref<128xi32, #tpu.memory_space<vmem>>
        %dma_start3A_323 = arith.constant 0 : i32
        %dma_start3A_324 = arith.constant 0 : i32
        %dma_start3A_325 = tpu.memref_slice %arg2[%dma_start3A_323, %dma_start3A_324] : memref<10240x64xf32, #tpu.memory_space<hbm>> -> memref<10240x64xf32, #tpu.memory_space<hbm>>
        tpu.enqueue_indirect_dma source(%dma_start3A_325 : memref<10240x64xf32, #tpu.memory_space<hbm>>) target(%arg16 : memref<128x64xf32, #tpu.memory_space<vmem>>) offsets(%dma_start3A_322 : memref<128xi32, #tpu.memory_space<vmem>>) semaphore(%arg24 : memref<!tpu.dma_semaphore, #tpu.memory_space<semaphore_mem>>)
      } else {
      }
      %add3A_183 = arith.constant 2 : i32
      %add3A_184 = arith.addi %mul3A_138, %add3A_183 : i32
      %dma_wait3A_185 = arith.constant 0 : i32
      %dma_wait3A_186 = arith.constant 0 : i32
      %dma_wait3A_187 = tpu.memref_slice %arg7[%dma_wait3A_185, %dma_wait3A_186] : memref<80x128xi32, #tpu.memory_space<vmem>> -> memref<1x128xi32, #tpu.memory_space<vmem>>
      %dma_wait3A_188 = tpu.memref_squeeze %dma_wait3A_187 : memref<1x128xi32, #tpu.memory_space<vmem>> -> memref<128xi32, #tpu.memory_space<vmem>>
      %dma_wait3A_189 = arith.constant 0 : i32
      %dma_wait3A_190 = arith.constant 0 : i32
      %dma_wait3A_191 = tpu.memref_slice %arg2[%dma_wait3A_189, %dma_wait3A_190] : memref<10240x64xf32, #tpu.memory_space<hbm>> -> memref<10240x64xf32, #tpu.memory_space<hbm>>
      tpu.wait_indirect_dma semaphore(%arg19 : memref<!tpu.dma_semaphore, #tpu.memory_space<semaphore_mem>>) src(%dma_wait3A_191 : memref<10240x64xf32, #tpu.memory_space<hbm>>) dst(%arg11 : memref<128x64xf32, #tpu.memory_space<vmem>>)
      %dma_start3A_192 = arith.constant 0 : i32
      %dma_start3A_193 = tpu.memref_slice %arg8[%add3A_184, %dma_start3A_192] : memref<80x128xi32, #tpu.memory_space<vmem>> -> memref<1x128xi32, #tpu.memory_space<vmem>>
      %dma_start3A_194 = tpu.memref_squeeze %dma_start3A_193 : memref<1x128xi32, #tpu.memory_space<vmem>> -> memref<128xi32, #tpu.memory_space<vmem>>
      %dma_start3A_195 = arith.constant 0 : i32
      %dma_start3A_196 = arith.constant 0 : i32
      %dma_start3A_197 = tpu.memref_slice %arg6[%dma_start3A_195, %dma_start3A_196] : memref<10240x64xf32, #tpu.memory_space<vmem_shared>> -> memref<10240x64xf32, #tpu.memory_space<vmem_shared>>
      tpu.enqueue_indirect_dma source(%arg11 : memref<128x64xf32, #tpu.memory_space<vmem>>) target(%dma_start3A_197 : memref<10240x64xf32, #tpu.memory_space<vmem_shared>>) offsets(%dma_start3A_194 : memref<128xi32, #tpu.memory_space<vmem>>) semaphore(%arg27 : memref<!tpu.dma_semaphore, #tpu.memory_space<semaphore_mem>>) {add = true}
      %add3A_198 = arith.constant 6 : i32
      %add3A_199 = arith.addi %add3A_184, %add3A_198 : i32
      %lt3A_200 = arith.constant 80 : i32
      %lt3A_201 = arith.cmpi slt, %add3A_199, %lt3A_200 : i32
      %convert_element_type3A_202 = arith.extui %lt3A_201 : i1 to i32
      %cond3A_203 = arith.constant 0 : i32
      %cond3A_204 = arith.cmpi ne, %convert_element_type3A_202, %cond3A_203 : i32
      scf.if %cond3A_204 {
        %sub3A = arith.constant 8 : i32
        %sub3A_315 = arith.subi %add3A_199, %sub3A : i32
        %ge3A = arith.constant 0 : i32
        %ge3A_316 = arith.cmpi sge, %sub3A_315, %ge3A : i32
        %convert_element_type3A_317 = arith.extui %ge3A_316 : i1 to i32
        %cond3A_318 = arith.constant 0 : i32
        %cond3A_319 = arith.cmpi ne, %convert_element_type3A_317, %cond3A_318 : i32
        scf.if %cond3A_319 {
          %dma_wait3A_326 = arith.constant 0 : i32
          %dma_wait3A_327 = arith.constant 0 : i32
          %dma_wait3A_328 = tpu.memref_slice %arg8[%dma_wait3A_326, %dma_wait3A_327] : memref<80x128xi32, #tpu.memory_space<vmem>> -> memref<1x128xi32, #tpu.memory_space<vmem>>
          %dma_wait3A_329 = tpu.memref_squeeze %dma_wait3A_328 : memref<1x128xi32, #tpu.memory_space<vmem>> -> memref<128xi32, #tpu.memory_space<vmem>>
          %dma_wait3A_330 = arith.constant 0 : i32
          %dma_wait3A_331 = arith.constant 0 : i32
          %dma_wait3A_332 = tpu.memref_slice %arg6[%dma_wait3A_330, %dma_wait3A_331] : memref<10240x64xf32, #tpu.memory_space<vmem_shared>> -> memref<10240x64xf32, #tpu.memory_space<vmem_shared>>
          tpu.wait_indirect_dma semaphore(%arg25 : memref<!tpu.dma_semaphore, #tpu.memory_space<semaphore_mem>>) src(%arg9 : memref<128x64xf32, #tpu.memory_space<vmem>>) dst(%dma_wait3A_332 : memref<10240x64xf32, #tpu.memory_space<vmem_shared>>)
        } else {
        }
        %dma_start3A_320 = arith.constant 0 : i32
        %dma_start3A_321 = tpu.memref_slice %arg7[%add3A_199, %dma_start3A_320] : memref<80x128xi32, #tpu.memory_space<vmem>> -> memref<1x128xi32, #tpu.memory_space<vmem>>
        %dma_start3A_322 = tpu.memref_squeeze %dma_start3A_321 : memref<1x128xi32, #tpu.memory_space<vmem>> -> memref<128xi32, #tpu.memory_space<vmem>>
        %dma_start3A_323 = arith.constant 0 : i32
        %dma_start3A_324 = arith.constant 0 : i32
        %dma_start3A_325 = tpu.memref_slice %arg2[%dma_start3A_323, %dma_start3A_324] : memref<10240x64xf32, #tpu.memory_space<hbm>> -> memref<10240x64xf32, #tpu.memory_space<hbm>>
        tpu.enqueue_indirect_dma source(%dma_start3A_325 : memref<10240x64xf32, #tpu.memory_space<hbm>>) target(%arg9 : memref<128x64xf32, #tpu.memory_space<vmem>>) offsets(%dma_start3A_322 : memref<128xi32, #tpu.memory_space<vmem>>) semaphore(%arg17 : memref<!tpu.dma_semaphore, #tpu.memory_space<semaphore_mem>>)
      } else {
      }
      %add3A_205 = arith.constant 3 : i32
      %add3A_206 = arith.addi %mul3A_138, %add3A_205 : i32
      %dma_wait3A_207 = arith.constant 0 : i32
      %dma_wait3A_208 = arith.constant 0 : i32
      %dma_wait3A_209 = tpu.memref_slice %arg7[%dma_wait3A_207, %dma_wait3A_208] : memref<80x128xi32, #tpu.memory_space<vmem>> -> memref<1x128xi32, #tpu.memory_space<vmem>>
      %dma_wait3A_210 = tpu.memref_squeeze %dma_wait3A_209 : memref<1x128xi32, #tpu.memory_space<vmem>> -> memref<128xi32, #tpu.memory_space<vmem>>
      %dma_wait3A_211 = arith.constant 0 : i32
      %dma_wait3A_212 = arith.constant 0 : i32
      %dma_wait3A_213 = tpu.memref_slice %arg2[%dma_wait3A_211, %dma_wait3A_212] : memref<10240x64xf32, #tpu.memory_space<hbm>> -> memref<10240x64xf32, #tpu.memory_space<hbm>>
      tpu.wait_indirect_dma semaphore(%arg20 : memref<!tpu.dma_semaphore, #tpu.memory_space<semaphore_mem>>) src(%dma_wait3A_213 : memref<10240x64xf32, #tpu.memory_space<hbm>>) dst(%arg12 : memref<128x64xf32, #tpu.memory_space<vmem>>)
      %dma_start3A_214 = arith.constant 0 : i32
      %dma_start3A_215 = tpu.memref_slice %arg8[%add3A_206, %dma_start3A_214] : memref<80x128xi32, #tpu.memory_space<vmem>> -> memref<1x128xi32, #tpu.memory_space<vmem>>
      %dma_start3A_216 = tpu.memref_squeeze %dma_start3A_215 : memref<1x128xi32, #tpu.memory_space<vmem>> -> memref<128xi32, #tpu.memory_space<vmem>>
      %dma_start3A_217 = arith.constant 0 : i32
      %dma_start3A_218 = arith.constant 0 : i32
      %dma_start3A_219 = tpu.memref_slice %arg6[%dma_start3A_217, %dma_start3A_218] : memref<10240x64xf32, #tpu.memory_space<vmem_shared>> -> memref<10240x64xf32, #tpu.memory_space<vmem_shared>>
      tpu.enqueue_indirect_dma source(%arg12 : memref<128x64xf32, #tpu.memory_space<vmem>>) target(%dma_start3A_219 : memref<10240x64xf32, #tpu.memory_space<vmem_shared>>) offsets(%dma_start3A_216 : memref<128xi32, #tpu.memory_space<vmem>>) semaphore(%arg28 : memref<!tpu.dma_semaphore, #tpu.memory_space<semaphore_mem>>) {add = true}
      %add3A_220 = arith.constant 6 : i32
      %add3A_221 = arith.addi %add3A_206, %add3A_220 : i32
      %lt3A_222 = arith.constant 80 : i32
      %lt3A_223 = arith.cmpi slt, %add3A_221, %lt3A_222 : i32
      %convert_element_type3A_224 = arith.extui %lt3A_223 : i1 to i32
      %cond3A_225 = arith.constant 0 : i32
      %cond3A_226 = arith.cmpi ne, %convert_element_type3A_224, %cond3A_225 : i32
      scf.if %cond3A_226 {
        %sub3A = arith.constant 8 : i32
        %sub3A_315 = arith.subi %add3A_221, %sub3A : i32
        %ge3A = arith.constant 0 : i32
        %ge3A_316 = arith.cmpi sge, %sub3A_315, %ge3A : i32
        %convert_element_type3A_317 = arith.extui %ge3A_316 : i1 to i32
        %cond3A_318 = arith.constant 0 : i32
        %cond3A_319 = arith.cmpi ne, %convert_element_type3A_317, %cond3A_318 : i32
        scf.if %cond3A_319 {
          %dma_wait3A_326 = arith.constant 0 : i32
          %dma_wait3A_327 = arith.constant 0 : i32
          %dma_wait3A_328 = tpu.memref_slice %arg8[%dma_wait3A_326, %dma_wait3A_327] : memref<80x128xi32, #tpu.memory_space<vmem>> -> memref<1x128xi32, #tpu.memory_space<vmem>>
          %dma_wait3A_329 = tpu.memref_squeeze %dma_wait3A_328 : memref<1x128xi32, #tpu.memory_space<vmem>> -> memref<128xi32, #tpu.memory_space<vmem>>
          %dma_wait3A_330 = arith.constant 0 : i32
          %dma_wait3A_331 = arith.constant 0 : i32
          %dma_wait3A_332 = tpu.memref_slice %arg6[%dma_wait3A_330, %dma_wait3A_331] : memref<10240x64xf32, #tpu.memory_space<vmem_shared>> -> memref<10240x64xf32, #tpu.memory_space<vmem_shared>>
          tpu.wait_indirect_dma semaphore(%arg26 : memref<!tpu.dma_semaphore, #tpu.memory_space<semaphore_mem>>) src(%arg10 : memref<128x64xf32, #tpu.memory_space<vmem>>) dst(%dma_wait3A_332 : memref<10240x64xf32, #tpu.memory_space<vmem_shared>>)
        } else {
        }
        %dma_start3A_320 = arith.constant 0 : i32
        %dma_start3A_321 = tpu.memref_slice %arg7[%add3A_221, %dma_start3A_320] : memref<80x128xi32, #tpu.memory_space<vmem>> -> memref<1x128xi32, #tpu.memory_space<vmem>>
        %dma_start3A_322 = tpu.memref_squeeze %dma_start3A_321 : memref<1x128xi32, #tpu.memory_space<vmem>> -> memref<128xi32, #tpu.memory_space<vmem>>
        %dma_start3A_323 = arith.constant 0 : i32
        %dma_start3A_324 = arith.constant 0 : i32
        %dma_start3A_325 = tpu.memref_slice %arg2[%dma_start3A_323, %dma_start3A_324] : memref<10240x64xf32, #tpu.memory_space<hbm>> -> memref<10240x64xf32, #tpu.memory_space<hbm>>
        tpu.enqueue_indirect_dma source(%dma_start3A_325 : memref<10240x64xf32, #tpu.memory_space<hbm>>) target(%arg10 : memref<128x64xf32, #tpu.memory_space<vmem>>) offsets(%dma_start3A_322 : memref<128xi32, #tpu.memory_space<vmem>>) semaphore(%arg18 : memref<!tpu.dma_semaphore, #tpu.memory_space<semaphore_mem>>)
      } else {
      }
      %add3A_227 = arith.constant 4 : i32
      %add3A_228 = arith.addi %mul3A_138, %add3A_227 : i32
      %dma_wait3A_229 = arith.constant 0 : i32
      %dma_wait3A_230 = arith.constant 0 : i32
      %dma_wait3A_231 = tpu.memref_slice %arg7[%dma_wait3A_229, %dma_wait3A_230] : memref<80x128xi32, #tpu.memory_space<vmem>> -> memref<1x128xi32, #tpu.memory_space<vmem>>
      %dma_wait3A_232 = tpu.memref_squeeze %dma_wait3A_231 : memref<1x128xi32, #tpu.memory_space<vmem>> -> memref<128xi32, #tpu.memory_space<vmem>>
      %dma_wait3A_233 = arith.constant 0 : i32
      %dma_wait3A_234 = arith.constant 0 : i32
      %dma_wait3A_235 = tpu.memref_slice %arg2[%dma_wait3A_233, %dma_wait3A_234] : memref<10240x64xf32, #tpu.memory_space<hbm>> -> memref<10240x64xf32, #tpu.memory_space<hbm>>
      tpu.wait_indirect_dma semaphore(%arg21 : memref<!tpu.dma_semaphore, #tpu.memory_space<semaphore_mem>>) src(%dma_wait3A_235 : memref<10240x64xf32, #tpu.memory_space<hbm>>) dst(%arg13 : memref<128x64xf32, #tpu.memory_space<vmem>>)
      %dma_start3A_236 = arith.constant 0 : i32
      %dma_start3A_237 = tpu.memref_slice %arg8[%add3A_228, %dma_start3A_236] : memref<80x128xi32, #tpu.memory_space<vmem>> -> memref<1x128xi32, #tpu.memory_space<vmem>>
      %dma_start3A_238 = tpu.memref_squeeze %dma_start3A_237 : memref<1x128xi32, #tpu.memory_space<vmem>> -> memref<128xi32, #tpu.memory_space<vmem>>
      %dma_start3A_239 = arith.constant 0 : i32
      %dma_start3A_240 = arith.constant 0 : i32
      %dma_start3A_241 = tpu.memref_slice %arg6[%dma_start3A_239, %dma_start3A_240] : memref<10240x64xf32, #tpu.memory_space<vmem_shared>> -> memref<10240x64xf32, #tpu.memory_space<vmem_shared>>
      tpu.enqueue_indirect_dma source(%arg13 : memref<128x64xf32, #tpu.memory_space<vmem>>) target(%dma_start3A_241 : memref<10240x64xf32, #tpu.memory_space<vmem_shared>>) offsets(%dma_start3A_238 : memref<128xi32, #tpu.memory_space<vmem>>) semaphore(%arg29 : memref<!tpu.dma_semaphore, #tpu.memory_space<semaphore_mem>>) {add = true}
      %add3A_242 = arith.constant 6 : i32
      %add3A_243 = arith.addi %add3A_228, %add3A_242 : i32
      %lt3A_244 = arith.constant 80 : i32
      %lt3A_245 = arith.cmpi slt, %add3A_243, %lt3A_244 : i32
      %convert_element_type3A_246 = arith.extui %lt3A_245 : i1 to i32
      %cond3A_247 = arith.constant 0 : i32
      %cond3A_248 = arith.cmpi ne, %convert_element_type3A_246, %cond3A_247 : i32
      scf.if %cond3A_248 {
        %sub3A = arith.constant 8 : i32
        %sub3A_315 = arith.subi %add3A_243, %sub3A : i32
        %ge3A = arith.constant 0 : i32
        %ge3A_316 = arith.cmpi sge, %sub3A_315, %ge3A : i32
        %convert_element_type3A_317 = arith.extui %ge3A_316 : i1 to i32
        %cond3A_318 = arith.constant 0 : i32
        %cond3A_319 = arith.cmpi ne, %convert_element_type3A_317, %cond3A_318 : i32
        scf.if %cond3A_319 {
          %dma_wait3A_326 = arith.constant 0 : i32
          %dma_wait3A_327 = arith.constant 0 : i32
          %dma_wait3A_328 = tpu.memref_slice %arg8[%dma_wait3A_326, %dma_wait3A_327] : memref<80x128xi32, #tpu.memory_space<vmem>> -> memref<1x128xi32, #tpu.memory_space<vmem>>
          %dma_wait3A_329 = tpu.memref_squeeze %dma_wait3A_328 : memref<1x128xi32, #tpu.memory_space<vmem>> -> memref<128xi32, #tpu.memory_space<vmem>>
          %dma_wait3A_330 = arith.constant 0 : i32
          %dma_wait3A_331 = arith.constant 0 : i32
          %dma_wait3A_332 = tpu.memref_slice %arg6[%dma_wait3A_330, %dma_wait3A_331] : memref<10240x64xf32, #tpu.memory_space<vmem_shared>> -> memref<10240x64xf32, #tpu.memory_space<vmem_shared>>
          tpu.wait_indirect_dma semaphore(%arg27 : memref<!tpu.dma_semaphore, #tpu.memory_space<semaphore_mem>>) src(%arg11 : memref<128x64xf32, #tpu.memory_space<vmem>>) dst(%dma_wait3A_332 : memref<10240x64xf32, #tpu.memory_space<vmem_shared>>)
        } else {
        }
        %dma_start3A_320 = arith.constant 0 : i32
        %dma_start3A_321 = tpu.memref_slice %arg7[%add3A_243, %dma_start3A_320] : memref<80x128xi32, #tpu.memory_space<vmem>> -> memref<1x128xi32, #tpu.memory_space<vmem>>
        %dma_start3A_322 = tpu.memref_squeeze %dma_start3A_321 : memref<1x128xi32, #tpu.memory_space<vmem>> -> memref<128xi32, #tpu.memory_space<vmem>>
        %dma_start3A_323 = arith.constant 0 : i32
        %dma_start3A_324 = arith.constant 0 : i32
        %dma_start3A_325 = tpu.memref_slice %arg2[%dma_start3A_323, %dma_start3A_324] : memref<10240x64xf32, #tpu.memory_space<hbm>> -> memref<10240x64xf32, #tpu.memory_space<hbm>>
        tpu.enqueue_indirect_dma source(%dma_start3A_325 : memref<10240x64xf32, #tpu.memory_space<hbm>>) target(%arg11 : memref<128x64xf32, #tpu.memory_space<vmem>>) offsets(%dma_start3A_322 : memref<128xi32, #tpu.memory_space<vmem>>) semaphore(%arg19 : memref<!tpu.dma_semaphore, #tpu.memory_space<semaphore_mem>>)
      } else {
      }
      %add3A_249 = arith.constant 5 : i32
      %add3A_250 = arith.addi %mul3A_138, %add3A_249 : i32
      %dma_wait3A_251 = arith.constant 0 : i32
      %dma_wait3A_252 = arith.constant 0 : i32
      %dma_wait3A_253 = tpu.memref_slice %arg7[%dma_wait3A_251, %dma_wait3A_252] : memref<80x128xi32, #tpu.memory_space<vmem>> -> memref<1x128xi32, #tpu.memory_space<vmem>>
      %dma_wait3A_254 = tpu.memref_squeeze %dma_wait3A_253 : memref<1x128xi32, #tpu.memory_space<vmem>> -> memref<128xi32, #tpu.memory_space<vmem>>
      %dma_wait3A_255 = arith.constant 0 : i32
      %dma_wait3A_256 = arith.constant 0 : i32
      %dma_wait3A_257 = tpu.memref_slice %arg2[%dma_wait3A_255, %dma_wait3A_256] : memref<10240x64xf32, #tpu.memory_space<hbm>> -> memref<10240x64xf32, #tpu.memory_space<hbm>>
      tpu.wait_indirect_dma semaphore(%arg22 : memref<!tpu.dma_semaphore, #tpu.memory_space<semaphore_mem>>) src(%dma_wait3A_257 : memref<10240x64xf32, #tpu.memory_space<hbm>>) dst(%arg14 : memref<128x64xf32, #tpu.memory_space<vmem>>)
      %dma_start3A_258 = arith.constant 0 : i32
      %dma_start3A_259 = tpu.memref_slice %arg8[%add3A_250, %dma_start3A_258] : memref<80x128xi32, #tpu.memory_space<vmem>> -> memref<1x128xi32, #tpu.memory_space<vmem>>
      %dma_start3A_260 = tpu.memref_squeeze %dma_start3A_259 : memref<1x128xi32, #tpu.memory_space<vmem>> -> memref<128xi32, #tpu.memory_space<vmem>>
      %dma_start3A_261 = arith.constant 0 : i32
      %dma_start3A_262 = arith.constant 0 : i32
      %dma_start3A_263 = tpu.memref_slice %arg6[%dma_start3A_261, %dma_start3A_262] : memref<10240x64xf32, #tpu.memory_space<vmem_shared>> -> memref<10240x64xf32, #tpu.memory_space<vmem_shared>>
      tpu.enqueue_indirect_dma source(%arg14 : memref<128x64xf32, #tpu.memory_space<vmem>>) target(%dma_start3A_263 : memref<10240x64xf32, #tpu.memory_space<vmem_shared>>) offsets(%dma_start3A_260 : memref<128xi32, #tpu.memory_space<vmem>>) semaphore(%arg30 : memref<!tpu.dma_semaphore, #tpu.memory_space<semaphore_mem>>) {add = true}
      %add3A_264 = arith.constant 6 : i32
      %add3A_265 = arith.addi %add3A_250, %add3A_264 : i32
      %lt3A_266 = arith.constant 80 : i32
      %lt3A_267 = arith.cmpi slt, %add3A_265, %lt3A_266 : i32
      %convert_element_type3A_268 = arith.extui %lt3A_267 : i1 to i32
      %cond3A_269 = arith.constant 0 : i32
      %cond3A_270 = arith.cmpi ne, %convert_element_type3A_268, %cond3A_269 : i32
      scf.if %cond3A_270 {
        %sub3A = arith.constant 8 : i32
        %sub3A_315 = arith.subi %add3A_265, %sub3A : i32
        %ge3A = arith.constant 0 : i32
        %ge3A_316 = arith.cmpi sge, %sub3A_315, %ge3A : i32
        %convert_element_type3A_317 = arith.extui %ge3A_316 : i1 to i32
        %cond3A_318 = arith.constant 0 : i32
        %cond3A_319 = arith.cmpi ne, %convert_element_type3A_317, %cond3A_318 : i32
        scf.if %cond3A_319 {
          %dma_wait3A_326 = arith.constant 0 : i32
          %dma_wait3A_327 = arith.constant 0 : i32
          %dma_wait3A_328 = tpu.memref_slice %arg8[%dma_wait3A_326, %dma_wait3A_327] : memref<80x128xi32, #tpu.memory_space<vmem>> -> memref<1x128xi32, #tpu.memory_space<vmem>>
          %dma_wait3A_329 = tpu.memref_squeeze %dma_wait3A_328 : memref<1x128xi32, #tpu.memory_space<vmem>> -> memref<128xi32, #tpu.memory_space<vmem>>
          %dma_wait3A_330 = arith.constant 0 : i32
          %dma_wait3A_331 = arith.constant 0 : i32
          %dma_wait3A_332 = tpu.memref_slice %arg6[%dma_wait3A_330, %dma_wait3A_331] : memref<10240x64xf32, #tpu.memory_space<vmem_shared>> -> memref<10240x64xf32, #tpu.memory_space<vmem_shared>>
          tpu.wait_indirect_dma semaphore(%arg28 : memref<!tpu.dma_semaphore, #tpu.memory_space<semaphore_mem>>) src(%arg12 : memref<128x64xf32, #tpu.memory_space<vmem>>) dst(%dma_wait3A_332 : memref<10240x64xf32, #tpu.memory_space<vmem_shared>>)
        } else {
        }
        %dma_start3A_320 = arith.constant 0 : i32
        %dma_start3A_321 = tpu.memref_slice %arg7[%add3A_265, %dma_start3A_320] : memref<80x128xi32, #tpu.memory_space<vmem>> -> memref<1x128xi32, #tpu.memory_space<vmem>>
        %dma_start3A_322 = tpu.memref_squeeze %dma_start3A_321 : memref<1x128xi32, #tpu.memory_space<vmem>> -> memref<128xi32, #tpu.memory_space<vmem>>
        %dma_start3A_323 = arith.constant 0 : i32
        %dma_start3A_324 = arith.constant 0 : i32
        %dma_start3A_325 = tpu.memref_slice %arg2[%dma_start3A_323, %dma_start3A_324] : memref<10240x64xf32, #tpu.memory_space<hbm>> -> memref<10240x64xf32, #tpu.memory_space<hbm>>
        tpu.enqueue_indirect_dma source(%dma_start3A_325 : memref<10240x64xf32, #tpu.memory_space<hbm>>) target(%arg12 : memref<128x64xf32, #tpu.memory_space<vmem>>) offsets(%dma_start3A_322 : memref<128xi32, #tpu.memory_space<vmem>>) semaphore(%arg20 : memref<!tpu.dma_semaphore, #tpu.memory_space<semaphore_mem>>)
      } else {
      }
      %add3A_271 = arith.constant 6 : i32
      %add3A_272 = arith.addi %mul3A_138, %add3A_271 : i32
      %dma_wait3A_273 = arith.constant 0 : i32
      %dma_wait3A_274 = arith.constant 0 : i32
      %dma_wait3A_275 = tpu.memref_slice %arg7[%dma_wait3A_273, %dma_wait3A_274] : memref<80x128xi32, #tpu.memory_space<vmem>> -> memref<1x128xi32, #tpu.memory_space<vmem>>
      %dma_wait3A_276 = tpu.memref_squeeze %dma_wait3A_275 : memref<1x128xi32, #tpu.memory_space<vmem>> -> memref<128xi32, #tpu.memory_space<vmem>>
      %dma_wait3A_277 = arith.constant 0 : i32
      %dma_wait3A_278 = arith.constant 0 : i32
      %dma_wait3A_279 = tpu.memref_slice %arg2[%dma_wait3A_277, %dma_wait3A_278] : memref<10240x64xf32, #tpu.memory_space<hbm>> -> memref<10240x64xf32, #tpu.memory_space<hbm>>
      tpu.wait_indirect_dma semaphore(%arg23 : memref<!tpu.dma_semaphore, #tpu.memory_space<semaphore_mem>>) src(%dma_wait3A_279 : memref<10240x64xf32, #tpu.memory_space<hbm>>) dst(%arg15 : memref<128x64xf32, #tpu.memory_space<vmem>>)
      %dma_start3A_280 = arith.constant 0 : i32
      %dma_start3A_281 = tpu.memref_slice %arg8[%add3A_272, %dma_start3A_280] : memref<80x128xi32, #tpu.memory_space<vmem>> -> memref<1x128xi32, #tpu.memory_space<vmem>>
      %dma_start3A_282 = tpu.memref_squeeze %dma_start3A_281 : memref<1x128xi32, #tpu.memory_space<vmem>> -> memref<128xi32, #tpu.memory_space<vmem>>
      %dma_start3A_283 = arith.constant 0 : i32
      %dma_start3A_284 = arith.constant 0 : i32
      %dma_start3A_285 = tpu.memref_slice %arg6[%dma_start3A_283, %dma_start3A_284] : memref<10240x64xf32, #tpu.memory_space<vmem_shared>> -> memref<10240x64xf32, #tpu.memory_space<vmem_shared>>
      tpu.enqueue_indirect_dma source(%arg15 : memref<128x64xf32, #tpu.memory_space<vmem>>) target(%dma_start3A_285 : memref<10240x64xf32, #tpu.memory_space<vmem_shared>>) offsets(%dma_start3A_282 : memref<128xi32, #tpu.memory_space<vmem>>) semaphore(%arg31 : memref<!tpu.dma_semaphore, #tpu.memory_space<semaphore_mem>>) {add = true}
      %add3A_286 = arith.constant 6 : i32
      %add3A_287 = arith.addi %add3A_272, %add3A_286 : i32
      %lt3A_288 = arith.constant 80 : i32
      %lt3A_289 = arith.cmpi slt, %add3A_287, %lt3A_288 : i32
      %convert_element_type3A_290 = arith.extui %lt3A_289 : i1 to i32
      %cond3A_291 = arith.constant 0 : i32
      %cond3A_292 = arith.cmpi ne, %convert_element_type3A_290, %cond3A_291 : i32
      scf.if %cond3A_292 {
        %sub3A = arith.constant 8 : i32
        %sub3A_315 = arith.subi %add3A_287, %sub3A : i32
        %ge3A = arith.constant 0 : i32
        %ge3A_316 = arith.cmpi sge, %sub3A_315, %ge3A : i32
        %convert_element_type3A_317 = arith.extui %ge3A_316 : i1 to i32
        %cond3A_318 = arith.constant 0 : i32
        %cond3A_319 = arith.cmpi ne, %convert_element_type3A_317, %cond3A_318 : i32
        scf.if %cond3A_319 {
          %dma_wait3A_326 = arith.constant 0 : i32
          %dma_wait3A_327 = arith.constant 0 : i32
          %dma_wait3A_328 = tpu.memref_slice %arg8[%dma_wait3A_326, %dma_wait3A_327] : memref<80x128xi32, #tpu.memory_space<vmem>> -> memref<1x128xi32, #tpu.memory_space<vmem>>
          %dma_wait3A_329 = tpu.memref_squeeze %dma_wait3A_328 : memref<1x128xi32, #tpu.memory_space<vmem>> -> memref<128xi32, #tpu.memory_space<vmem>>
          %dma_wait3A_330 = arith.constant 0 : i32
          %dma_wait3A_331 = arith.constant 0 : i32
          %dma_wait3A_332 = tpu.memref_slice %arg6[%dma_wait3A_330, %dma_wait3A_331] : memref<10240x64xf32, #tpu.memory_space<vmem_shared>> -> memref<10240x64xf32, #tpu.memory_space<vmem_shared>>
          tpu.wait_indirect_dma semaphore(%arg29 : memref<!tpu.dma_semaphore, #tpu.memory_space<semaphore_mem>>) src(%arg13 : memref<128x64xf32, #tpu.memory_space<vmem>>) dst(%dma_wait3A_332 : memref<10240x64xf32, #tpu.memory_space<vmem_shared>>)
        } else {
        }
        %dma_start3A_320 = arith.constant 0 : i32
        %dma_start3A_321 = tpu.memref_slice %arg7[%add3A_287, %dma_start3A_320] : memref<80x128xi32, #tpu.memory_space<vmem>> -> memref<1x128xi32, #tpu.memory_space<vmem>>
        %dma_start3A_322 = tpu.memref_squeeze %dma_start3A_321 : memref<1x128xi32, #tpu.memory_space<vmem>> -> memref<128xi32, #tpu.memory_space<vmem>>
        %dma_start3A_323 = arith.constant 0 : i32
        %dma_start3A_324 = arith.constant 0 : i32
        %dma_start3A_325 = tpu.memref_slice %arg2[%dma_start3A_323, %dma_start3A_324] : memref<10240x64xf32, #tpu.memory_space<hbm>> -> memref<10240x64xf32, #tpu.memory_space<hbm>>
        tpu.enqueue_indirect_dma source(%dma_start3A_325 : memref<10240x64xf32, #tpu.memory_space<hbm>>) target(%arg13 : memref<128x64xf32, #tpu.memory_space<vmem>>) offsets(%dma_start3A_322 : memref<128xi32, #tpu.memory_space<vmem>>) semaphore(%arg21 : memref<!tpu.dma_semaphore, #tpu.memory_space<semaphore_mem>>)
      } else {
      }
      %add3A_293 = arith.constant 7 : i32
      %add3A_294 = arith.addi %mul3A_138, %add3A_293 : i32
      %dma_wait3A_295 = arith.constant 0 : i32
      %dma_wait3A_296 = arith.constant 0 : i32
      %dma_wait3A_297 = tpu.memref_slice %arg7[%dma_wait3A_295, %dma_wait3A_296] : memref<80x128xi32, #tpu.memory_space<vmem>> -> memref<1x128xi32, #tpu.memory_space<vmem>>
      %dma_wait3A_298 = tpu.memref_squeeze %dma_wait3A_297 : memref<1x128xi32, #tpu.memory_space<vmem>> -> memref<128xi32, #tpu.memory_space<vmem>>
      %dma_wait3A_299 = arith.constant 0 : i32
      %dma_wait3A_300 = arith.constant 0 : i32
      %dma_wait3A_301 = tpu.memref_slice %arg2[%dma_wait3A_299, %dma_wait3A_300] : memref<10240x64xf32, #tpu.memory_space<hbm>> -> memref<10240x64xf32, #tpu.memory_space<hbm>>
      tpu.wait_indirect_dma semaphore(%arg24 : memref<!tpu.dma_semaphore, #tpu.memory_space<semaphore_mem>>) src(%dma_wait3A_301 : memref<10240x64xf32, #tpu.memory_space<hbm>>) dst(%arg16 : memref<128x64xf32, #tpu.memory_space<vmem>>)
      %dma_start3A_302 = arith.constant 0 : i32
      %dma_start3A_303 = tpu.memref_slice %arg8[%add3A_294, %dma_start3A_302] : memref<80x128xi32, #tpu.memory_space<vmem>> -> memref<1x128xi32, #tpu.memory_space<vmem>>
      %dma_start3A_304 = tpu.memref_squeeze %dma_start3A_303 : memref<1x128xi32, #tpu.memory_space<vmem>> -> memref<128xi32, #tpu.memory_space<vmem>>
      %dma_start3A_305 = arith.constant 0 : i32
      %dma_start3A_306 = arith.constant 0 : i32
      %dma_start3A_307 = tpu.memref_slice %arg6[%dma_start3A_305, %dma_start3A_306] : memref<10240x64xf32, #tpu.memory_space<vmem_shared>> -> memref<10240x64xf32, #tpu.memory_space<vmem_shared>>
      tpu.enqueue_indirect_dma source(%arg16 : memref<128x64xf32, #tpu.memory_space<vmem>>) target(%dma_start3A_307 : memref<10240x64xf32, #tpu.memory_space<vmem_shared>>) offsets(%dma_start3A_304 : memref<128xi32, #tpu.memory_space<vmem>>) semaphore(%arg32 : memref<!tpu.dma_semaphore, #tpu.memory_space<semaphore_mem>>) {add = true}
      %add3A_308 = arith.constant 6 : i32
      %add3A_309 = arith.addi %add3A_294, %add3A_308 : i32
      %lt3A_310 = arith.constant 80 : i32
      %lt3A_311 = arith.cmpi slt, %add3A_309, %lt3A_310 : i32
      %convert_element_type3A_312 = arith.extui %lt3A_311 : i1 to i32
      %cond3A_313 = arith.constant 0 : i32
      %cond3A_314 = arith.cmpi ne, %convert_element_type3A_312, %cond3A_313 : i32
      scf.if %cond3A_314 {
        %sub3A = arith.constant 8 : i32
        %sub3A_315 = arith.subi %add3A_309, %sub3A : i32
        %ge3A = arith.constant 0 : i32
        %ge3A_316 = arith.cmpi sge, %sub3A_315, %ge3A : i32
        %convert_element_type3A_317 = arith.extui %ge3A_316 : i1 to i32
        %cond3A_318 = arith.constant 0 : i32
        %cond3A_319 = arith.cmpi ne, %convert_element_type3A_317, %cond3A_318 : i32
        scf.if %cond3A_319 {
          %dma_wait3A_326 = arith.constant 0 : i32
          %dma_wait3A_327 = arith.constant 0 : i32
          %dma_wait3A_328 = tpu.memref_slice %arg8[%dma_wait3A_326, %dma_wait3A_327] : memref<80x128xi32, #tpu.memory_space<vmem>> -> memref<1x128xi32, #tpu.memory_space<vmem>>
          %dma_wait3A_329 = tpu.memref_squeeze %dma_wait3A_328 : memref<1x128xi32, #tpu.memory_space<vmem>> -> memref<128xi32, #tpu.memory_space<vmem>>
          %dma_wait3A_330 = arith.constant 0 : i32
          %dma_wait3A_331 = arith.constant 0 : i32
          %dma_wait3A_332 = tpu.memref_slice %arg6[%dma_wait3A_330, %dma_wait3A_331] : memref<10240x64xf32, #tpu.memory_space<vmem_shared>> -> memref<10240x64xf32, #tpu.memory_space<vmem_shared>>
          tpu.wait_indirect_dma semaphore(%arg30 : memref<!tpu.dma_semaphore, #tpu.memory_space<semaphore_mem>>) src(%arg14 : memref<128x64xf32, #tpu.memory_space<vmem>>) dst(%dma_wait3A_332 : memref<10240x64xf32, #tpu.memory_space<vmem_shared>>)
        } else {
        }
        %dma_start3A_320 = arith.constant 0 : i32
        %dma_start3A_321 = tpu.memref_slice %arg7[%add3A_309, %dma_start3A_320] : memref<80x128xi32, #tpu.memory_space<vmem>> -> memref<1x128xi32, #tpu.memory_space<vmem>>
        %dma_start3A_322 = tpu.memref_squeeze %dma_start3A_321 : memref<1x128xi32, #tpu.memory_space<vmem>> -> memref<128xi32, #tpu.memory_space<vmem>>
        %dma_start3A_323 = arith.constant 0 : i32
        %dma_start3A_324 = arith.constant 0 : i32
        %dma_start3A_325 = tpu.memref_slice %arg2[%dma_start3A_323, %dma_start3A_324] : memref<10240x64xf32, #tpu.memory_space<hbm>> -> memref<10240x64xf32, #tpu.memory_space<hbm>>
        tpu.enqueue_indirect_dma source(%dma_start3A_325 : memref<10240x64xf32, #tpu.memory_space<hbm>>) target(%arg14 : memref<128x64xf32, #tpu.memory_space<vmem>>) offsets(%dma_start3A_322 : memref<128xi32, #tpu.memory_space<vmem>>) semaphore(%arg22 : memref<!tpu.dma_semaphore, #tpu.memory_space<semaphore_mem>>)
      } else {
      }
    }
    %scan3A_70 = arith.constant 10 : i32
    %dma_wait3A = arith.constant 0 : i32
    %dma_wait3A_71 = arith.constant 0 : i32
    %dma_wait3A_72 = tpu.memref_slice %arg8[%dma_wait3A, %dma_wait3A_71] : memref<80x128xi32, #tpu.memory_space<vmem>> -> memref<1x128xi32, #tpu.memory_space<vmem>>
    %dma_wait3A_73 = tpu.memref_squeeze %dma_wait3A_72 : memref<1x128xi32, #tpu.memory_space<vmem>> -> memref<128xi32, #tpu.memory_space<vmem>>
    %dma_wait3A_74 = arith.constant 0 : i32
    %dma_wait3A_75 = arith.constant 0 : i32
    %dma_wait3A_76 = tpu.memref_slice %arg6[%dma_wait3A_74, %dma_wait3A_75] : memref<10240x64xf32, #tpu.memory_space<vmem_shared>> -> memref<10240x64xf32, #tpu.memory_space<vmem_shared>>
    tpu.wait_indirect_dma semaphore(%arg25 : memref<!tpu.dma_semaphore, #tpu.memory_space<semaphore_mem>>) src(%arg9 : memref<128x64xf32, #tpu.memory_space<vmem>>) dst(%dma_wait3A_76 : memref<10240x64xf32, #tpu.memory_space<vmem_shared>>)
    %dma_wait3A_77 = arith.constant 0 : i32
    %dma_wait3A_78 = arith.constant 0 : i32
    %dma_wait3A_79 = tpu.memref_slice %arg8[%dma_wait3A_77, %dma_wait3A_78] : memref<80x128xi32, #tpu.memory_space<vmem>> -> memref<1x128xi32, #tpu.memory_space<vmem>>
    %dma_wait3A_80 = tpu.memref_squeeze %dma_wait3A_79 : memref<1x128xi32, #tpu.memory_space<vmem>> -> memref<128xi32, #tpu.memory_space<vmem>>
    %dma_wait3A_81 = arith.constant 0 : i32
    %dma_wait3A_82 = arith.constant 0 : i32
    %dma_wait3A_83 = tpu.memref_slice %arg6[%dma_wait3A_81, %dma_wait3A_82] : memref<10240x64xf32, #tpu.memory_space<vmem_shared>> -> memref<10240x64xf32, #tpu.memory_space<vmem_shared>>
    tpu.wait_indirect_dma semaphore(%arg26 : memref<!tpu.dma_semaphore, #tpu.memory_space<semaphore_mem>>) src(%arg10 : memref<128x64xf32, #tpu.memory_space<vmem>>) dst(%dma_wait3A_83 : memref<10240x64xf32, #tpu.memory_space<vmem_shared>>)
    %dma_wait3A_84 = arith.constant 0 : i32
    %dma_wait3A_85 = arith.constant 0 : i32
    %dma_wait3A_86 = tpu.memref_slice %arg8[%dma_wait3A_84, %dma_wait3A_85] : memref<80x128xi32, #tpu.memory_space<vmem>> -> memref<1x128xi32, #tpu.memory_space<vmem>>
    %dma_wait3A_87 = tpu.memref_squeeze %dma_wait3A_86 : memref<1x128xi32, #tpu.memory_space<vmem>> -> memref<128xi32, #tpu.memory_space<vmem>>
    %dma_wait3A_88 = arith.constant 0 : i32
    %dma_wait3A_89 = arith.constant 0 : i32
    %dma_wait3A_90 = tpu.memref_slice %arg6[%dma_wait3A_88, %dma_wait3A_89] : memref<10240x64xf32, #tpu.memory_space<vmem_shared>> -> memref<10240x64xf32, #tpu.memory_space<vmem_shared>>
    tpu.wait_indirect_dma semaphore(%arg27 : memref<!tpu.dma_semaphore, #tpu.memory_space<semaphore_mem>>) src(%arg11 : memref<128x64xf32, #tpu.memory_space<vmem>>) dst(%dma_wait3A_90 : memref<10240x64xf32, #tpu.memory_space<vmem_shared>>)
    %dma_wait3A_91 = arith.constant 0 : i32
    %dma_wait3A_92 = arith.constant 0 : i32
    %dma_wait3A_93 = tpu.memref_slice %arg8[%dma_wait3A_91, %dma_wait3A_92] : memref<80x128xi32, #tpu.memory_space<vmem>> -> memref<1x128xi32, #tpu.memory_space<vmem>>
    %dma_wait3A_94 = tpu.memref_squeeze %dma_wait3A_93 : memref<1x128xi32, #tpu.memory_space<vmem>> -> memref<128xi32, #tpu.memory_space<vmem>>
    %dma_wait3A_95 = arith.constant 0 : i32
    %dma_wait3A_96 = arith.constant 0 : i32
    %dma_wait3A_97 = tpu.memref_slice %arg6[%dma_wait3A_95, %dma_wait3A_96] : memref<10240x64xf32, #tpu.memory_space<vmem_shared>> -> memref<10240x64xf32, #tpu.memory_space<vmem_shared>>
    tpu.wait_indirect_dma semaphore(%arg28 : memref<!tpu.dma_semaphore, #tpu.memory_space<semaphore_mem>>) src(%arg12 : memref<128x64xf32, #tpu.memory_space<vmem>>) dst(%dma_wait3A_97 : memref<10240x64xf32, #tpu.memory_space<vmem_shared>>)
    %dma_wait3A_98 = arith.constant 0 : i32
    %dma_wait3A_99 = arith.constant 0 : i32
    %dma_wait3A_100 = tpu.memref_slice %arg8[%dma_wait3A_98, %dma_wait3A_99] : memref<80x128xi32, #tpu.memory_space<vmem>> -> memref<1x128xi32, #tpu.memory_space<vmem>>
    %dma_wait3A_101 = tpu.memref_squeeze %dma_wait3A_100 : memref<1x128xi32, #tpu.memory_space<vmem>> -> memref<128xi32, #tpu.memory_space<vmem>>
    %dma_wait3A_102 = arith.constant 0 : i32
    %dma_wait3A_103 = arith.constant 0 : i32
    %dma_wait3A_104 = tpu.memref_slice %arg6[%dma_wait3A_102, %dma_wait3A_103] : memref<10240x64xf32, #tpu.memory_space<vmem_shared>> -> memref<10240x64xf32, #tpu.memory_space<vmem_shared>>
    tpu.wait_indirect_dma semaphore(%arg29 : memref<!tpu.dma_semaphore, #tpu.memory_space<semaphore_mem>>) src(%arg13 : memref<128x64xf32, #tpu.memory_space<vmem>>) dst(%dma_wait3A_104 : memref<10240x64xf32, #tpu.memory_space<vmem_shared>>)
    %dma_wait3A_105 = arith.constant 0 : i32
    %dma_wait3A_106 = arith.constant 0 : i32
    %dma_wait3A_107 = tpu.memref_slice %arg8[%dma_wait3A_105, %dma_wait3A_106] : memref<80x128xi32, #tpu.memory_space<vmem>> -> memref<1x128xi32, #tpu.memory_space<vmem>>
    %dma_wait3A_108 = tpu.memref_squeeze %dma_wait3A_107 : memref<1x128xi32, #tpu.memory_space<vmem>> -> memref<128xi32, #tpu.memory_space<vmem>>
    %dma_wait3A_109 = arith.constant 0 : i32
    %dma_wait3A_110 = arith.constant 0 : i32
    %dma_wait3A_111 = tpu.memref_slice %arg6[%dma_wait3A_109, %dma_wait3A_110] : memref<10240x64xf32, #tpu.memory_space<vmem_shared>> -> memref<10240x64xf32, #tpu.memory_space<vmem_shared>>
    tpu.wait_indirect_dma semaphore(%arg30 : memref<!tpu.dma_semaphore, #tpu.memory_space<semaphore_mem>>) src(%arg14 : memref<128x64xf32, #tpu.memory_space<vmem>>) dst(%dma_wait3A_111 : memref<10240x64xf32, #tpu.memory_space<vmem_shared>>)
    %dma_wait3A_112 = arith.constant 0 : i32
    %dma_wait3A_113 = arith.constant 0 : i32
    %dma_wait3A_114 = tpu.memref_slice %arg8[%dma_wait3A_112, %dma_wait3A_113] : memref<80x128xi32, #tpu.memory_space<vmem>> -> memref<1x128xi32, #tpu.memory_space<vmem>>
    %dma_wait3A_115 = tpu.memref_squeeze %dma_wait3A_114 : memref<1x128xi32, #tpu.memory_space<vmem>> -> memref<128xi32, #tpu.memory_space<vmem>>
    %dma_wait3A_116 = arith.constant 0 : i32
    %dma_wait3A_117 = arith.constant 0 : i32
    %dma_wait3A_118 = tpu.memref_slice %arg6[%dma_wait3A_116, %dma_wait3A_117] : memref<10240x64xf32, #tpu.memory_space<vmem_shared>> -> memref<10240x64xf32, #tpu.memory_space<vmem_shared>>
    tpu.wait_indirect_dma semaphore(%arg31 : memref<!tpu.dma_semaphore, #tpu.memory_space<semaphore_mem>>) src(%arg15 : memref<128x64xf32, #tpu.memory_space<vmem>>) dst(%dma_wait3A_118 : memref<10240x64xf32, #tpu.memory_space<vmem_shared>>)
    %dma_wait3A_119 = arith.constant 0 : i32
    %dma_wait3A_120 = arith.constant 0 : i32
    %dma_wait3A_121 = tpu.memref_slice %arg8[%dma_wait3A_119, %dma_wait3A_120] : memref<80x128xi32, #tpu.memory_space<vmem>> -> memref<1x128xi32, #tpu.memory_space<vmem>>
    %dma_wait3A_122 = tpu.memref_squeeze %dma_wait3A_121 : memref<1x128xi32, #tpu.memory_space<vmem>> -> memref<128xi32, #tpu.memory_space<vmem>>
    %dma_wait3A_123 = arith.constant 0 : i32
    %dma_wait3A_124 = arith.constant 0 : i32
    %dma_wait3A_125 = tpu.memref_slice %arg6[%dma_wait3A_123, %dma_wait3A_124] : memref<10240x64xf32, #tpu.memory_space<vmem_shared>> -> memref<10240x64xf32, #tpu.memory_space<vmem_shared>>
    tpu.wait_indirect_dma semaphore(%arg32 : memref<!tpu.dma_semaphore, #tpu.memory_space<semaphore_mem>>) src(%arg16 : memref<128x64xf32, #tpu.memory_space<vmem>>) dst(%dma_wait3A_125 : memref<10240x64xf32, #tpu.memory_space<vmem_shared>>)
    %scan3A_126 = arith.constant 1 : i32
    %barrier3A_127 = arith.constant 0 : index
    tpu.barrier barrier_id(%barrier3A_127)
    %mul3A_128 = arith.constant 640 : i32
    %mul3A_129 = arith.muli %arg1, %mul3A_128 : i32
    %mul3A_130 = arith.constant 640 : i32
    %mul3A_131 = arith.muli %arg1, %mul3A_130 : i32
    "tpu.region"() ({
      %run_scoped3A = tpu.sem_alloc : memref<!tpu.dma_semaphore, #tpu.memory_space<semaphore_mem>>
      %dma_start3A_132 = arith.constant 0 : i32
      %dma_start3A_133 = tpu.memref_slice %arg5[%arg0, %mul3A_131, %dma_start3A_132] : memref<2x10240x64xf32, #tpu.memory_space<hbm>> -> memref<1x640x64xf32, #tpu.memory_space<hbm>>
      %dma_start3A_134 = tpu.memref_squeeze %dma_start3A_133 : memref<1x640x64xf32, #tpu.memory_space<hbm>> -> memref<640x64xf32, #tpu.memory_space<hbm>>
      %dma_start3A_135 = arith.constant 0 : i32
      %dma_start3A_136 = tpu.memref_slice %arg6[%mul3A_129, %dma_start3A_135] : memref<10240x64xf32, #tpu.memory_space<vmem_shared>> -> memref<640x64xf32, #tpu.memory_space<vmem_shared>>
      tpu.enqueue_dma source(%dma_start3A_136 : memref<640x64xf32, #tpu.memory_space<vmem_shared>>) target(%dma_start3A_134 : memref<640x64xf32, #tpu.memory_space<hbm>>) target_semaphore(%run_scoped3A : memref<!tpu.dma_semaphore, #tpu.memory_space<semaphore_mem>>)
      %dma_wait3A_137 = arith.constant 0 : i32
      %dma_wait3A_138 = tpu.memref_slice %arg5[%arg0, %mul3A_131, %dma_wait3A_137] : memref<2x10240x64xf32, #tpu.memory_space<hbm>> -> memref<1x640x64xf32, #tpu.memory_space<hbm>>
      %dma_wait3A_139 = tpu.memref_squeeze %dma_wait3A_138 : memref<1x640x64xf32, #tpu.memory_space<hbm>> -> memref<640x64xf32, #tpu.memory_space<hbm>>
      %dma_wait3A_140 = arith.constant 0 : i32
      %dma_wait3A_141 = tpu.memref_slice %arg6[%mul3A_129, %dma_wait3A_140] : memref<10240x64xf32, #tpu.memory_space<vmem_shared>> -> memref<640x64xf32, #tpu.memory_space<vmem_shared>>
      tpu.wait_dma2 semaphore(%run_scoped3A : memref<!tpu.dma_semaphore, #tpu.memory_space<semaphore_mem>>) src(%dma_wait3A_141 : memref<640x64xf32, #tpu.memory_space<vmem_shared>>) dst(%dma_wait3A_139 : memref<640x64xf32, #tpu.memory_space<hbm>>)
      tpu.yield
    }) : () -> ()
    return
  }
}

module attributes {stable_mosaic.version = 14 : i64} {
  func.func @_k1a_body(%arg0: i32, %arg1: memref<1000x128xf32, #tpu.memory_space<vmem>>, %arg2: memref<128x128xf32, #tpu.memory_space<vmem>>, %arg3: memref<1000x128xf32, #tpu.memory_space<vmem>>) attributes {dimension_semantics = [#tpu.dimension_semantics<arbitrary>], iteration_bounds = array<i64: 10>, scalar_prefetch = 0 : i64, scratch_operands = 0 : i64, tpu.core_type = #tpu.core_type<tc>, window_params = [{transform_indices = @transform_0, window_bounds = array<i64: 1000, 128>}, {pipeline_mode = #tpu.pipeline_mode<synchronous>, transform_indices = @transform_1, window_bounds = array<i64: 128, 128>}, {transform_indices = @transform_2, window_bounds = array<i64: 1000, 128>}]} {
    %get3A = arith.constant 0 : index
    %get3A_0 = arith.constant 0 : index
    %get3A_1 = vector.load %arg1[%get3A, %get3A_0] : memref<1000x128xf32, #tpu.memory_space<vmem>>, vector<1000x128xf32>
    %get3A_2 = arith.constant 0 : index
    %get3A_3 = arith.constant 0 : index
    %get3A_4 = vector.load %arg2[%get3A_2, %get3A_3] : memref<128x128xf32, #tpu.memory_space<vmem>>, vector<128x128xf32>
    %dot_general3A = arith.constant dense<0.000000e+00> : vector<1000x128xf32>
    %dot_general3A_5 = tpu.matmul %get3A_1, %get3A_4, %dot_general3A {dimension_numbers = #tpu.dot_dimension_numbers<[1], [0], [0], [1], [0, 0, 1, 1], [], []>, transpose_lhs_hint = false} : vector<1000x128xf32>, vector<128x128xf32>, vector<1000x128xf32> -> vector<1000x128xf32>
    %swap3A = arith.constant 0 : index
    %swap3A_6 = arith.constant 0 : index
    %swap3A_7 = vector.load %arg3[%swap3A, %swap3A_6] : memref<1000x128xf32, #tpu.memory_space<vmem>>, vector<1000x128xf32>
    tpu.vector_store %arg3[%swap3A, %swap3A_6], %dot_general3A_5 {strides = array<i32>} : memref<1000x128xf32, #tpu.memory_space<vmem>>, vector<1000x128xf32>,
    return
  }
  func.func @transform_0(%arg0: i32) -> (i32, i32) {
    %c0_i32 = arith.constant 0 : i32
    %c0_i32_0 = arith.constant 0 : i32
    return %arg0, %c0_i32 : i32, i32
  }
  func.func @transform_1(%arg0: i32) -> (i32, i32) {
    %c0_i32 = arith.constant 0 : i32
    %c0_i32_0 = arith.constant 0 : i32
    %c0_i32_1 = arith.constant 0 : i32
    return %c0_i32, %c0_i32_0 : i32, i32
  }
  func.func @transform_2(%arg0: i32) -> (i32, i32) {
    %c0_i32 = arith.constant 0 : i32
    %c0_i32_0 = arith.constant 0 : i32
    return %arg0, %c0_i32 : i32, i32
  }
}

module attributes {stable_mosaic.version = 14 : i64} {
  func.func @_k1b_body(%arg0: i32, %arg1: memref<1024x128xf32, #tpu.memory_space<vmem>>, %arg2: memref<2x1024xf32, #tpu.memory_space<vmem>>, %arg3: memref<1024x128xf32, #tpu.memory_space<vmem>>, %arg4: memref<1024x1xf32, #tpu.memory_space<vmem>>) attributes {dimension_semantics = [#tpu.dimension_semantics<arbitrary>], iteration_bounds = array<i64: 10>, scalar_prefetch = 0 : i64, scratch_operands = 0 : i64, tpu.core_type = #tpu.core_type<tc>, window_params = [{transform_indices = @transform_0, window_bounds = array<i64: 1024, 128>}, {transform_indices = @transform_1, window_bounds = array<i64: 2, 1024>}, {transform_indices = @transform_2, window_bounds = array<i64: 1024, 128>}, {transform_indices = @transform_3, window_bounds = array<i64: 1024, 1>}]} {
    %get3A = arith.constant 0 : index
    %get3A_0 = arith.constant 0 : index
    %get3A_1 = vector.load %arg2[%get3A, %get3A_0] : memref<2x1024xf32, #tpu.memory_space<vmem>>, vector<1x1024xf32>
    %get3A_2 = vector.shape_cast %get3A_1 : vector<1x1024xf32> to vector<1024xf32>
    %get3A_3 = arith.constant 1 : index
    %get3A_4 = arith.constant 0 : index
    %get3A_5 = vector.load %arg2[%get3A_3, %get3A_4] : memref<2x1024xf32, #tpu.memory_space<vmem>>, vector<1x1024xf32>
    %get3A_6 = vector.shape_cast %get3A_5 : vector<1x1024xf32> to vector<1024xf32>
    %add3A = arith.addf %get3A_2, %get3A_6 : vector<1024xf32>
    %add3A_7 = arith.constant 1.000000e+00 : f32
    %add3A_8 = vector.broadcast %add3A_7 : f32 to vector<1024xf32>
    %add3A_9 = arith.addf %add3A, %add3A_8 : vector<1024xf32>
    %rsqrt3A = math.rsqrt %add3A_9 : vector<1024xf32>
    %broadcast_in_dim3A = vector.shape_cast %rsqrt3A : vector<1024xf32> to vector<1024x1xf32>
    %get3A_10 = arith.constant 0 : index
    %get3A_11 = arith.constant 0 : index
    %get3A_12 = vector.load %arg1[%get3A_10, %get3A_11] : memref<1024x128xf32, #tpu.memory_space<vmem>>, vector<1024x128xf32>
    %mul3A = vector.broadcast %broadcast_in_dim3A : vector<1024x1xf32> to vector<1024x128xf32>
    %mul3A_13 = arith.mulf %get3A_12, %mul3A : vector<1024x128xf32>
    %swap3A = arith.constant 0 : index
    %swap3A_14 = arith.constant 0 : index
    %swap3A_15 = vector.load %arg3[%swap3A, %swap3A_14] : memref<1024x128xf32, #tpu.memory_space<vmem>>, vector<1024x128xf32>
    tpu.vector_store %arg3[%swap3A, %swap3A_14], %mul3A_13 {strides = array<i32>} : memref<1024x128xf32, #tpu.memory_space<vmem>>, vector<1024x128xf32>,
    %swap3A_16 = arith.constant 0 : index
    %swap3A_17 = arith.constant 0 : index
    %swap3A_18 = vector.load %arg4[%swap3A_16, %swap3A_17] : memref<1024x1xf32, #tpu.memory_space<vmem>>, vector<1024x1xf32>
    tpu.vector_store %arg4[%swap3A_16, %swap3A_17], %broadcast_in_dim3A {strides = array<i32>} : memref<1024x1xf32, #tpu.memory_space<vmem>>, vector<1024x1xf32>,
    return
  }
  func.func @transform_0(%arg0: i32) -> (i32, i32) {
    %c0_i32 = arith.constant 0 : i32
    %c0_i32_0 = arith.constant 0 : i32
    return %arg0, %c0_i32 : i32, i32
  }
  func.func @transform_1(%arg0: i32) -> (i32, i32) {
    %c0_i32 = arith.constant 0 : i32
    %c0_i32_0 = arith.constant 0 : i32
    return %c0_i32, %arg0 : i32, i32
  }
  func.func @transform_2(%arg0: i32) -> (i32, i32) {
    %c0_i32 = arith.constant 0 : i32
    %c0_i32_0 = arith.constant 0 : i32
    return %arg0, %c0_i32 : i32, i32
  }
  func.func @transform_3(%arg0: i32) -> (i32, i32) {
    %c0_i32 = arith.constant 0 : i32
    %c0_i32_0 = arith.constant 0 : i32
    return %arg0, %c0_i32 : i32, i32
  }
}

module attributes {stable_mosaic.version = 14 : i64} {
  func.func @_k3_body(%arg0: i32, %arg1: memref<2x1024x128xf32, #tpu.memory_space<vmem>>, %arg2: memref<1024x128xf32, #tpu.memory_space<vmem>>, %arg3: memref<1024x1xf32, #tpu.memory_space<vmem>>, %arg4: memref<1x128xf32, #tpu.memory_space<vmem>>, %arg5: memref<128x64xf32, #tpu.memory_space<vmem>>, %arg6: memref<1024x64xf32, #tpu.memory_space<vmem>>) attributes {dimension_semantics = [#tpu.dimension_semantics<arbitrary>], iteration_bounds = array<i64: 10>, scalar_prefetch = 0 : i64, scratch_operands = 0 : i64, tpu.core_type = #tpu.core_type<tc>, window_params = [{transform_indices = @transform_0, window_bounds = array<i64: 2, 1024, 128>}, {transform_indices = @transform_1, window_bounds = array<i64: 1024, 128>}, {transform_indices = @transform_2, window_bounds = array<i64: 1024, 1>}, {pipeline_mode = #tpu.pipeline_mode<synchronous>, transform_indices = @transform_3, window_bounds = array<i64: 1, 128>}, {pipeline_mode = #tpu.pipeline_mode<synchronous>, transform_indices = @transform_4, window_bounds = array<i64: 128, 64>}, {transform_indices = @transform_5, window_bounds = array<i64: 1024, 64>}]} {
    %get3A = arith.constant 0 : index
    %get3A_0 = arith.constant 0 : index
    %get3A_1 = vector.load %arg3[%get3A, %get3A_0] : memref<1024x1xf32, #tpu.memory_space<vmem>>, vector<1024x1xf32>
    %get3A_2 = arith.constant 0 : index
    %get3A_3 = arith.constant 0 : index
    %get3A_4 = arith.constant 0 : index
    %get3A_5 = vector.load %arg1[%get3A_2, %get3A_3, %get3A_4] : memref<2x1024x128xf32, #tpu.memory_space<vmem>>, vector<1x1024x128xf32>
    %get3A_6 = vector.shape_cast %get3A_5 : vector<1x1024x128xf32> to vector<1024x128xf32>
    %get3A_7 = arith.constant 1 : index
    %get3A_8 = arith.constant 0 : index
    %get3A_9 = arith.constant 0 : index
    %get3A_10 = vector.load %arg1[%get3A_7, %get3A_8, %get3A_9] : memref<2x1024x128xf32, #tpu.memory_space<vmem>>, vector<1x1024x128xf32>
    %get3A_11 = vector.shape_cast %get3A_10 : vector<1x1024x128xf32> to vector<1024x128xf32>
    %add3A = arith.addf %get3A_6, %get3A_11 : vector<1024x128xf32>
    %get3A_12 = arith.constant 0 : index
    %get3A_13 = arith.constant 0 : index
    %get3A_14 = vector.load %arg2[%get3A_12, %get3A_13] : memref<1024x128xf32, #tpu.memory_space<vmem>>, vector<1024x128xf32>
    %sub3A = arith.subf %add3A, %get3A_14 : vector<1024x128xf32>
    %mul3A = vector.broadcast %get3A_1 : vector<1024x1xf32> to vector<1024x128xf32>
    %mul3A_15 = arith.mulf %sub3A, %mul3A : vector<1024x128xf32>
    %get3A_16 = arith.constant 0 : index
    %get3A_17 = arith.constant 0 : index
    %get3A_18 = vector.load %arg4[%get3A_16, %get3A_17] : memref<1x128xf32, #tpu.memory_space<vmem>>, vector<1x128xf32>
    %add3A_19 = vector.broadcast %get3A_18 : vector<1x128xf32> to vector<1024x128xf32>
    %add3A_20 = arith.addf %mul3A_15, %add3A_19 : vector<1024x128xf32>
    %max3A = arith.constant 0.000000e+00 : f32
    %max3A_21 = vector.broadcast %max3A : f32 to vector<1024x128xf32>
    %max3A_22 = arith.maximumf %add3A_20, %max3A_21 : vector<1024x128xf32>
    %get3A_23 = arith.constant 0 : index
    %get3A_24 = arith.constant 0 : index
    %get3A_25 = vector.load %arg5[%get3A_23, %get3A_24] : memref<128x64xf32, #tpu.memory_space<vmem>>, vector<128x64xf32>
    %dot_general3A = arith.constant dense<0.000000e+00> : vector<1024x64xf32>
    %dot_general3A_26 = tpu.matmul %max3A_22, %get3A_25, %dot_general3A {dimension_numbers = #tpu.dot_dimension_numbers<[1], [0], [0], [1], [0, 0, 1, 1], [], []>, transpose_lhs_hint = false} : vector<1024x128xf32>, vector<128x64xf32>, vector<1024x64xf32> -> vector<1024x64xf32>
    %mul3A_27 = vector.broadcast %get3A_1 : vector<1024x1xf32> to vector<1024x64xf32>
    %mul3A_28 = arith.mulf %dot_general3A_26, %mul3A_27 : vector<1024x64xf32>
    %swap3A = arith.constant 0 : index
    %swap3A_29 = arith.constant 0 : index
    %swap3A_30 = vector.load %arg6[%swap3A, %swap3A_29] : memref<1024x64xf32, #tpu.memory_space<vmem>>, vector<1024x64xf32>
    tpu.vector_store %arg6[%swap3A, %swap3A_29], %mul3A_28 {strides = array<i32>} : memref<1024x64xf32, #tpu.memory_space<vmem>>, vector<1024x64xf32>,
    return
  }
  func.func @transform_0(%arg0: i32) -> (i32, i32, i32) {
    %c0_i32 = arith.constant 0 : i32
    %c0_i32_0 = arith.constant 0 : i32
    %c0_i32_1 = arith.constant 0 : i32
    return %c0_i32, %arg0, %c0_i32_0 : i32, i32, i32
  }
  func.func @transform_1(%arg0: i32) -> (i32, i32) {
    %c0_i32 = arith.constant 0 : i32
    %c0_i32_0 = arith.constant 0 : i32
    return %arg0, %c0_i32 : i32, i32
  }
  func.func @transform_2(%arg0: i32) -> (i32, i32) {
    %c0_i32 = arith.constant 0 : i32
    %c0_i32_0 = arith.constant 0 : i32
    return %arg0, %c0_i32 : i32, i32
  }
  func.func @transform_3(%arg0: i32) -> (i32, i32) {
    %c0_i32 = arith.constant 0 : i32
    %c0_i32_0 = arith.constant 0 : i32
    %c0_i32_1 = arith.constant 0 : i32
    return %c0_i32, %c0_i32_0 : i32, i32
  }
  func.func @transform_4(%arg0: i32) -> (i32, i32) {
    %c0_i32 = arith.constant 0 : i32
    %c0_i32_0 = arith.constant 0 : i32
    %c0_i32_1 = arith.constant 0 : i32
    return %c0_i32, %c0_i32_0 : i32, i32
  }
  func.func @transform_5(%arg0: i32) -> (i32, i32) {
    %c0_i32 = arith.constant 0 : i32
    %c0_i32_0 = arith.constant 0 : i32
    return %arg0, %c0_i32 : i32, i32
  }
}

module attributes {stable_mosaic.version = 14 : i64} {
  func.func @_k5_body(%arg0: i32, %arg1: memref<2x1000x64xf32, #tpu.memory_space<vmem>>, %arg2: memref<1000x64xf32, #tpu.memory_space<vmem>>, %arg3: memref<1000x1xf32, #tpu.memory_space<vmem>>, %arg4: memref<1x64xf32, #tpu.memory_space<vmem>>, %arg5: memref<1000x64xf32, #tpu.memory_space<vmem>>) attributes {dimension_semantics = [#tpu.dimension_semantics<arbitrary>], iteration_bounds = array<i64: 10>, scalar_prefetch = 0 : i64, scratch_operands = 0 : i64, tpu.core_type = #tpu.core_type<tc>, window_params = [{transform_indices = @transform_0, window_bounds = array<i64: 2, 1000, 64>}, {transform_indices = @transform_1, window_bounds = array<i64: 1000, 64>}, {transform_indices = @transform_2, window_bounds = array<i64: 1000, 1>}, {pipeline_mode = #tpu.pipeline_mode<synchronous>, transform_indices = @transform_3, window_bounds = array<i64: 1, 64>}, {transform_indices = @transform_4, window_bounds = array<i64: 1000, 64>}]} {
    %get3A = arith.constant 0 : index
    %get3A_0 = arith.constant 0 : index
    %get3A_1 = vector.load %arg3[%get3A, %get3A_0] : memref<1000x1xf32, #tpu.memory_space<vmem>>, vector<1000x1xf32>
    %get3A_2 = arith.constant 0 : index
    %get3A_3 = arith.constant 0 : index
    %get3A_4 = arith.constant 0 : index
    %get3A_5 = vector.load %arg1[%get3A_2, %get3A_3, %get3A_4] : memref<2x1000x64xf32, #tpu.memory_space<vmem>>, vector<1x1000x64xf32>
    %get3A_6 = vector.shape_cast %get3A_5 : vector<1x1000x64xf32> to vector<1000x64xf32>
    %get3A_7 = arith.constant 1 : index
    %get3A_8 = arith.constant 0 : index
    %get3A_9 = arith.constant 0 : index
    %get3A_10 = vector.load %arg1[%get3A_7, %get3A_8, %get3A_9] : memref<2x1000x64xf32, #tpu.memory_space<vmem>>, vector<1x1000x64xf32>
    %get3A_11 = vector.shape_cast %get3A_10 : vector<1x1000x64xf32> to vector<1000x64xf32>
    %add3A = arith.addf %get3A_6, %get3A_11 : vector<1000x64xf32>
    %get3A_12 = arith.constant 0 : index
    %get3A_13 = arith.constant 0 : index
    %get3A_14 = vector.load %arg2[%get3A_12, %get3A_13] : memref<1000x64xf32, #tpu.memory_space<vmem>>, vector<1000x64xf32>
    %sub3A = arith.subf %add3A, %get3A_14 : vector<1000x64xf32>
    %mul3A = vector.broadcast %get3A_1 : vector<1000x1xf32> to vector<1000x64xf32>
    %mul3A_15 = arith.mulf %sub3A, %mul3A : vector<1000x64xf32>
    %get3A_16 = arith.constant 0 : index
    %get3A_17 = arith.constant 0 : index
    %get3A_18 = vector.load %arg4[%get3A_16, %get3A_17] : memref<1x64xf32, #tpu.memory_space<vmem>>, vector<1x64xf32>
    %add3A_19 = vector.broadcast %get3A_18 : vector<1x64xf32> to vector<1000x64xf32>
    %add3A_20 = arith.addf %mul3A_15, %add3A_19 : vector<1000x64xf32>
    %swap3A = arith.constant 0 : index
    %swap3A_21 = arith.constant 0 : index
    %swap3A_22 = vector.load %arg5[%swap3A, %swap3A_21] : memref<1000x64xf32, #tpu.memory_space<vmem>>, vector<1000x64xf32>
    tpu.vector_store %arg5[%swap3A, %swap3A_21], %add3A_20 {strides = array<i32>} : memref<1000x64xf32, #tpu.memory_space<vmem>>, vector<1000x64xf32>,
    return
  }
  func.func @transform_0(%arg0: i32) -> (i32, i32, i32) {
    %c0_i32 = arith.constant 0 : i32
    %c0_i32_0 = arith.constant 0 : i32
    %c0_i32_1 = arith.constant 0 : i32
    return %c0_i32, %arg0, %c0_i32_0 : i32, i32, i32
  }
  func.func @transform_1(%arg0: i32) -> (i32, i32) {
    %c0_i32 = arith.constant 0 : i32
    %c0_i32_0 = arith.constant 0 : i32
    return %arg0, %c0_i32 : i32, i32
  }
  func.func @transform_2(%arg0: i32) -> (i32, i32) {
    %c0_i32 = arith.constant 0 : i32
    %c0_i32_0 = arith.constant 0 : i32
    return %arg0, %c0_i32 : i32, i32
  }
  func.func @transform_3(%arg0: i32) -> (i32, i32) {
    %c0_i32 = arith.constant 0 : i32
    %c0_i32_0 = arith.constant 0 : i32
    %c0_i32_1 = arith.constant 0 : i32
    return %c0_i32, %c0_i32_0 : i32, i32
  }
  func.func @transform_4(%arg0: i32) -> (i32, i32) {
    %c0_i32 = arith.constant 0 : i32
    %c0_i32_0 = arith.constant 0 : i32
    return %arg0, %c0_i32 : i32, i32
  }
}

</mosaic_0001>

<sc_bundles>
// kernel: kernel.12.cloned.1.call-start
scs
__scs_entry_jumppad:
0x0: {  	(pc) =	sbr.rel $0x88, $3  }
0x1: {  	(tag) =	ssettag $0x0;
	lr =	simm.s32 $0x1  }
0x2: {  	[smem:$0x3F9B] =	sst lr;
	_ =	strace $0xD0000000  }
0x3: {  	_ = 	snop  }
0x4: {  	_ = 	snop  }
0x5: {  	_ = 	snop  }
0x6: {  	_ = 	snop  }
0x7: {  	_ = 	snop  }
__scs_overlays_trampoline_lowered:
0x8: {  	[smem:$0x3FAA] =	sst s0  }
0x9: {  	[smem:$0x3FAB] =	sst s1  }
0xa: {  	[smem:$0x3FAC] =	sst s2  }
0xb: {  	[smem:$0x3FAD] =	sst s3  }
0xc: {  	[smem:$0x3FAE] =	sst s4  }
0xd: {  	[smem:$0x3FAF] =	sst s5  }
0xe: {  	[smem:$0x3FB0] =	sst s6  }
0xf: {  	[smem:$0x3FB1] =	sst s7  }
0x10: {  	[smem:$0x3FB2] =	sst s8  }
0x11: {  	[smem:$0x3FB3] =	sst s9;
	s0 =	simm.s32 @!p0 $0x0  }
0x12: {  	s1 =	sld [smem:$0x3F99];
	s0 =	simm.s32 @p0 $0x1  }
0x13: {  	[smem:$0x3FB4] =	sst s0;
	s0 =	simm.s32 @!p1 $0x0  }
0x14: {  	s2 =	sld [smem:$0x3F98];
	s0 =	simm.s32 @p1 $0x1  }
0x15: {  	[smem:$0x3FB5] =	sst s0;
	s0 =	simm.s32 @!p2 $0x0  }
0x16: {  	s3 =	sld [smem:$0x3FDB];
	s0 =	simm.s32 @p2 $0x1  }
0x17: {  	s4 =	simm.s32 $0x1BF5;
	[smem:$0x3FB7] =	sst s0  }
0x18: {  	s0 =	sld [smem:$0x3F9A];
	_ =	swait.ge [sflag:s4], $0x0  }
0x19: {  	s7 =	sld [smem:$0x3F9B]  }
0x1a: {  	s8 =	sadd.s32 $0xFFFFE003, lr  }
0x1b: {  	s9 =	sadd.s32 $0xFFFFFEF7, lr;
	s5 =	simm.s32 $0xFFFFFFFF;
	p2 =	slt.u32 s8, $0xFFFFF086  }
0x1c: {  	p1 =	slt.u32 s9, $0xF7A;
	s5 =	simm.s32 @!p2 $0x0  }
0x1d: {  	s5 =	simm.s32 @p1 $0x1;
	p0 =	seq.s32 s7, s2  }
0x1e: {  	s7 =	smul.u32 @!p0 $0xF7A, s2;
	p2 =	seq.s32 @!p0 s5, $0x0  }
0x1f: {  	s9 =	smul.u32 $0xF7A, s1;
	s8 =	simm.s32 @!p0 $0x1BF5;
	p2 =	por !p2, p0  }
0x20: {  	[sflag:s8] =	ssyncset.s32 @!p0 $0xFFFFF086;
	s6 =	sadd.s32 @!p0 s3, s7;
	s7 =	simm.s32 @!p0 $0x108  }
0x21: {  	s3 =	sadd.s32 s3, s9;
	s6 =	sadd.s32 @!p0 $0x88, s6;
	s7 =	simm.s32 @p2 $0x1082  }
0x22: {  	[simem:s7], [sflag:s8] =	dma.local @!p0 [hbm:s6], $0xF7A  }
0x23: {  	s9 =	sor.u32 $0xD0000000, s2;
	s6 =	simm.s32 $0x108;
	_ =	swait.ge @!p0 [sflag:s8], $0x0  }
0x24: {  	s3 =	sadd.s32 $0x88, s3;
	s6 =	simm.s32 @!p1 $0x1082;
	[sflag:s4] =	ssyncset.s32 $0xFFFFF086  }
0x25: {  	[simem:s6], [sflag:s4] =	dma.local [hbm:s3], $0xF7A  }
0x26: {  	[smem:$0x3F9B] =	sst s1;
	(tag) =	ssettag s2;
	_ =	strace s9  }
0x27: {  	s1 =	sld [smem:$0x3FAB]  }
0x28: {  	s2 =	sld [smem:$0x3FAC]  }
0x29: {  	s4 =	sld [smem:$0x3FAE]  }
0x2a: {  	p0 =	seq.s32 s5, $0x0;
	s5 =	sld [smem:$0x3FAF]  }
0x2b: {  	s6 =	sld [smem:$0x3FB0]  }
0x2c: {  	s7 =	sld [smem:$0x3FB1]  }
0x2d: {  	s3 =	simm.s32 $0x108;
	s8 =	sld [smem:$0x3FB2]  }
0x2e: {  	s3 =	simm.s32 @!p0 $0x1082;
	s9 =	sld [smem:$0x3FB3]  }
0x2f: {  	lr =	sadd.s32 s0, s3;
	s0 =	sld [smem:$0x3FAA]  }
0x30: {  	s3 =	sld [smem:$0x3FAD]  }
0x31: {  	[smem:$0x3FB6] =	sst s10  }
0x32: {  	s10 =	sld [smem:$0x3FB4];
	_ =	sdelay $0x3  }
0x33: {  	p0 =	seq.s32 s10, $0x1;
	s10 =	sld [smem:$0x3FB6];
	_ =	sdelay $0x3  }
0x34: {  	[smem:$0x3FB6] =	sst s10  }
0x35: {  	s10 =	sld [smem:$0x3FB5];
	_ =	sdelay $0x3  }
0x36: {  	p1 =	seq.s32 s10, $0x1;
	s10 =	sld [smem:$0x3FB6];
	_ =	sdelay $0x3  }
0x37: {  	[smem:$0x3FB6] =	sst s10  }
0x38: {  	s10 =	sld [smem:$0x3FB7]  }
0x39: {  	_ = 	snop;
	(pc) =	sbr.ind lr, $3  }
0x3a: {  	_ = 	snop  }
0x3b: {  	_ = 	snop  }
0x3c: {  	p2 =	seq.s32 s10, $0x1;
	s10 =	sld [smem:$0x3FB6]  }
0x3d: {  	_ =	shalt  }
0x3e: {  	_ =	shalt  }
0x3f: {  	_ =	shalt  }
0x40: {  	_ =	shalt  }
0x41: {  	_ =	shalt  }
0x42: {  	_ =	shalt  }
0x43: {  	_ =	shalt  }
0x44: {  	_ =	shalt  }
0x45: {  	_ =	shalt  }
0x46: {  	_ =	shalt  }
0x47: {  	_ =	shalt  }
0x48: {  	_ =	shalt  }
0x49: {  	_ =	shalt  }
0x4a: {  	_ =	shalt  }
0x4b: {  	_ =	shalt  }
0x4c: {  	_ =	shalt  }
0x4d: {  	_ =	shalt  }
0x4e: {  	_ =	shalt  }
0x4f: {  	_ =	shalt  }
0x50: {  	_ =	shalt  }
0x51: {  	_ =	shalt  }
0x52: {  	_ =	shalt  }
0x53: {  	_ =	shalt  }
0x54: {  	_ =	shalt  }
0x55: {  	_ =	shalt  }
0x56: {  	_ =	shalt  }
0x57: {  	_ =	shalt  }
0x58: {  	_ =	shalt  }
0x59: {  	_ =	shalt  }
0x5a: {  	_ =	shalt  }
0x5b: {  	_ =	shalt  }
0x5c: {  	_ =	shalt  }
0x5d: {  	_ =	shalt  }
0x5e: {  	_ =	shalt  }
0x5f: {  	_ =	shalt  }
0x60: {  	_ =	shalt  }
0x61: {  	_ =	shalt  }
0x62: {  	_ =	shalt  }
0x63: {  	_ =	shalt  }
0x64: {  	_ =	shalt  }
0x65: {  	_ =	shalt  }
0x66: {  	_ =	shalt  }
0x67: {  	_ =	shalt  }
0x68: {  	_ =	shalt  }
0x69: {  	_ =	shalt  }
0x6a: {  	_ =	shalt  }
0x6b: {  	_ =	shalt  }
0x6c: {  	_ =	shalt  }
0x6d: {  	_ =	shalt  }
0x6e: {  	_ =	shalt  }
0x6f: {  	_ =	shalt  }
0x70: {  	_ =	shalt  }
0x71: {  	_ =	shalt  }
0x72: {  	_ =	shalt  }
0x73: {  	_ =	shalt  }
0x74: {  	_ =	shalt  }
0x75: {  	_ =	shalt  }
0x76: {  	_ =	shalt  }
0x77: {  	_ =	shalt  }
0x78: {  	_ =	shalt  }
0x79: {  	_ =	shalt  }
0x7a: {  	_ =	shalt  }
0x7b: {  	_ =	shalt  }
0x7c: {  	_ =	shalt  }
0x7d: {  	_ =	shalt  }
0x7e: {  	_ =	shalt  }
0x7f: {  	_ =	shalt  }
0x80: {  	_ =	shalt  }
0x81: {  	_ =	shalt  }
0x82: {  	_ =	shalt  }
0x83: {  	_ =	shalt  }
0x84: {  	_ =	shalt  }
0x85: {  	_ =	shalt  }
0x86: {  	_ =	shalt  }
0x87: {  	_ =	shalt  }
.Lfunc_end0:
.L_simem_size_0:
called_computation.1_lowered:
.L_overlay_start_0:
0x88: {  	s2 =	sld [smem:$0x3FD9]  }
0x89: {  	s3 =	sld [smem:$0x3FFE];
	_ =	sdelay $0x1  }
0x8a: {  	s1 =	srdreg.scid  }
0x8b: {  	s0 =	sand.u32 $0x1, s1  }
0x8c: {  	s16 =	sshll.u32 s0, $0xA;
	s2 =	sadd.s32 s3, s2  }
0x8d: {  	s2 =	sadd.s32 s2, s16  }
0x8e: {  	[smem:$0x3FC2] =	sst s2  }
0x8f: {  	_ = 	snop  }
0x90: {  	(tm) =	ssettm $0x1  }
0x91: {  	s17 =	sld [smem:$0x3FFB];
	_ =	sdelay $0x3  }
0x92: {  	_ =	strace s17  }
0x93: {  	s2 =	sld [smem:$0x3FFC];
	_ =	sdelay $0x3  }
0x94: {  	_ =	strace s2  }
0x95: {  	s2 =	sld [smem:$0x3FFD];
	_ =	sdelay $0x3  }
0x96: {  	_ =	strace s2  }
0x97: {  	_ =	strace $0x8FFFFFFF  }
0x98: {  	s18 =	sld [smem:$0x3FDB];
	_ =	sdelay $0x1  }
0x99: {  	s19 =	simm.s32 $_scs_section_size  }
0x9a: {  	s4 =	simm.s32 $_size__tile_overlayer_lowered;
	s5 =	simm.s32 $_tile_overlayer_lowered  }
0x9b: {  	s22 =	simm.s32 $0x1BFF;
	s21 =	sshll.u32 s5, $0x1;
	s2 =	sadd.s32 s19, s18  }
0x9c: {  	s6 =	simm.s32 $0x0;
	s20 =	sshll.u32 s4, $0x1;
	s4 =	sadd.s32 s21, s2  }
0x9d: {  	[timem:s6], [sflag:s22] =	dma.local [hbm:s4], s20  }
0x9e: {  	_ =	swait.ge [sflag:s22], s20  }
0x9f: {  	s3 =	ssub.s32 $0x0, s20;
	[sflag:s22] =	ssyncset.done $0x0  }
0xa0: {  	[sflag:s22] =	ssyncadd.s32 s3;
	_ =	sdelay $0x1  }
0xa1: {  	s23 =	simm.s32 $0x1B8B  }
0xa2: {  	_ =	swait.ge [sflag:s23], $0x1  }
0xa3: {  	[sflag:s23] =	ssyncset.done $0x0  }
0xa4: {  	s25 =	simm.s32 $0x1B8E;
	s24 =	sld [smem:$0x3FFE];
	[sflag:s23] =	ssyncadd.s32 $0xFFFFFFFF  }
0xa5: {  	s26 =	simm.s32 $execute0_lowered;
	[smem:$0x3FD2] =	sst s25  }
0xa6: {  	s4 =	sshll.u32 s26, $0x1;
	_ =	strace $0x80000049;
	[dreg:$0x1] =	wrdreg $0xFFFFFFFF  }
0xa7: {  	s28 =	simm.s32 $_size_execute0_lowered;
	s2 =	sadd.s32 s2, s4;
	[dreg:$0x0] =	wrdreg $0x0  }
0xa8: {  	s4 =	sshll.u32 s28, $0x1;
	[dreg:$0x2] =	wrdreg s2  }
0xa9: {  	[dreg:$0x3] =	wrdreg s4  }
0xaa: {  	[dreg:$0x4] =	wrdreg $0xC0  }
0xab: {  	_ =	task [dreg:s6], $0x5FFFF  }
0xac: {  	[dreg:$0x1] =	wrdreg $0xFFFFFFFF  }
0xad: {  	[dreg:$0x0] =	wrdreg $0x60  }
0xae: {  	[dreg:$0x2] =	wrdreg s24  }
0xaf: {  	[dreg:$0x3] =	wrdreg $0x0  }
0xb0: {  	[dreg:$0x4] =	wrdreg $0x9  }
0xb1: {  	_ =	task.clear_ibuf [dreg:s6], $0x5FFFF;
	_ =	strace $0x90000049  }
0xb2: {  	s29 =	simm.s32 $0x9;
	_ =	strace $0x8000004B  }
0xb3: {  	_ =	swait.ge [sflag:s29], $0x1  }
0xb4: {  	[sflag:s29] =	ssyncadd.s32 $0xFFFFFFFF  }
0xb5: {  	_ =	strace $0x9000004B  }
0xb6: {  	_ =	sfence  }
0xb7: {  	s30 =	sld [smem:$0x0];
	_ =	sdelay $0x2  }
0xb8: {  	s31 =	sshll.u32 s1, $0xD;
	s1 =	sshrl.u32 s1, $0x2  }
0xb9: {  	s3 =	sand.u32 $0x4000, s31;
	s1 =	sadd.s32 s1, s30  }
0xba: {  	s0 =	sor.u32 s3, s0;
	s1 =	sshll.u32 s1, $0x11  }
0xbb: {  	s0 =	sor.u32 s1, s0  }
0xbc: {  	s0 =	sadd.s32 $0x8F2B, s0  }
0xbd: {  	[sflag:s0] =	ssyncadd.remote.s32 $0x1  }
0xbe: {  	_ =	sfence.sel $0xFFFF  }
0xbf: {  	[dreg:$0x0] =	wrdreg $0xFFFFFFFF;
	(pc) =	sbr.abs _section_cstart, $3  }
0xc0: {  	[dreg:$0x1] =	wrdreg $0xFFFFFFFF  }
0xc1: {  	_ =	task.clear_ibuf [dreg:s6], $0x2FFFF;
	_ =	strace $0x9FFFFFFF  }
0xc2: {  	(tm) =	ssettm $0x7FFFFFFF  }
0xc3: {  	_ =	shalt  }
tec
execute0_lowered:
.L_overlay_start_1:
0x0: {  	(tag) =	ssettag $0x1  }
0x1: {  	s0 =	rddreg [dreg:$0x0]  }
0x2: {  	s2 =	rddreg [dreg:$0x1];
	s1 =	srdreg.scid  }
0x3: {  	s9 =	stileid.u32;
	s10 =	simm.s32 $0x0;
	s13 =	simm.s32 $0x11  }
0x4: {  	s16 =	simm.s32 $0x20;
	s18 =	simm.s32 $0x16800;
	s20 =	simm.s32 $0x17800  }
0x5: {  	s29 =	simm.s32 $0x1B800;
	s30 =	simm.s32 $0x1;
	s31 =	simm.s32 $0x1C800  }
0x6: {  	s12 =	simm.s32 $0x7;
	s17 =	simm.s32 $0xC;
	s19 =	simm.s32 $0xD  }
0x7: {  	s21 =	simm.s32 $0xE;
	s1 =	sand.u32 $0x1, s1;
	s3 =	smul.u32 $0x14000, s9  }
0x8: {  	[smem:$0x7FF] =	sst s10;
	s4 =	sadd.s32 $0x18000, s0;
	s11 =	sadd.s32 $0x3C00, s0  }
0x9: {  	s6 =	sadd.s32 $0x17600, s0;
	s24 =	sshll.u32 s9, $0x6;
	s5 =	smul.u32 $0x140000, s1  }
0xa: {  	_ =	strace $0x8000004A;
	s7 =	ssub.s32 $0x2, s1;
	s1 =	sshll.u32 s1, $0x4  }
0xb: {  	[dreg:$0x4] =	wrdreg s11;
	s22 =	sshrl.u32 s7, $0x1;
	s1 =	sor.u32 s9, s1  }
0xc: {  	s23 =	sshrl.u32 s3, $0x3;
	s9 =	sor.u32 $0x1C11, s24;
	s24 =	simm.s32 $0x10  }
0xd: {  	s5 =	sadd.s32 s3, s5;
	s8 =	smul.u32 $0x500, s1;
	s3 =	sadd.s32 s3, s2  }
0xe: {  	s25 =	smul.u32 $0x140, s1;
	p0 =	seq.s32 s1, $0x1F;
	s5 =	sshrl.u32 s5, $0x3  }
0xf: {  	s1 =	simm.s32 $0x1D800;
	[dreg:$0x6] =	wrdreg s9;
	s0 =	sadd.s32 s5, s0  }
0x10: {  	s5 =	ssub.s32 s7, s22;
	s7 =	sadd.s32 s4, s23;
	[dreg:$0x7] =	wrdreg s25  }
0x11: {  	s26 =	sadd.s32 s8, s11;
	s22 =	simm.s32 $0x18800;
	s11 =	simm.s32 $0x5  }
.Ltmp0:
0x12: {  	[dreg:$0x5] =	wrdreg s7;
	s7 =	sadd.s32 $0x9C40, s26;
	(pc) =	sbr.rel .LBB2_1-.Ltmp0, $4  }
0x13: {  	s8 =	simm.s32 $0x8;
	s0 =	sadd.s32 $0x40000, s0;
	[dreg:$0x8] =	wrdreg s7  }
0x14: {  	s23 =	simm.s32 $0xF;
	s28 =	smax.u32 s5, $0x1;
	[dreg:$0x9] =	wrdreg s0  }
0x15: {  	s5 =	sshrl.u32 s3, $0x3;
	s26 =	simm.s32 $0x1A800;
	[dreg:$0xa] =	wrdreg s28  }
0x16: {  	s0 =	simm.s32 $0x2;
	s7 =	simm.s32 $0x3;
	[dreg:$0xb] =	wrdreg s5  }
.LBB2_6:
0x17: {  	[bflag:$0x0] =	sbarrier.arrive $0xFFFF  }
0x18: {  	s9 =	rddreg [dreg:$0x6]  }
0x19: {  	s3 =	rddreg [dreg:$0x9]  }
0x1a: {  	s5 =	rddreg [dreg:$0xb]  }
0x1b: {  	[hbm:s3], [sflag:s9] =	dma.local [spmem:s5], $0x2800  }
0x1c: {  	_ =	swait.ge [sflag:s13], $0x2800  }
0x1d: {  	s10 =	rddreg [dreg:$0x3]  }
0x1e: {  	s28 =	rddreg [dreg:$0xa];
	s10 =	sadd.s32 $0x1, s10  }
0x1f: {  	p1 =	sne.s32 s10, s28  }
.Ltmp1:
0x20: {  	_ = 	snop;
	(pc) =	sbr.rel @!p1 .LBB2_7-.Ltmp1, $3  }
0x21: {  	_ =	sdelay $0x1  }
0x22: {  	[sflag:s13] =	ssyncset.done $0x0  }
0x23: {  	[sflag:s13] =	ssyncadd.s32 $0xFFFFD800  }
.LBB2_1:
0x24: {  	[dreg:$0x3] =	wrdreg s10  }
0x25: {  	s3 =	rddreg [dreg:$0x5]  }
0x26: {  	[spmem:s5], [sflag:s9] =	dma.local [hbm:s3], $0x2800  }
.Ltmp2:
0x27: {  	_ =	swait.ge [sflag:s13], $0x2800;
	(pc) =	sbr.rel .LBB2_2-.Ltmp2, $4  }
0x28: {  	[sflag:s13] =	ssyncset.done $0x0  }
0x29: {  	[sflag:s13] =	ssyncadd.s32 $0xFFFFD800  }
0x2a: {  	[bflag:$0x0] =	sbarrier.arrive $0xFFFF  }
0x2b: {  	p2 =	por $0x1, $0x1;
	s25 =	simm.s32 $0x0  }
.LBB2_5:
0x2c: {  	_ =	swait.ge [sflag:s8], $0x1000  }
0x2d: {  	[sflag:s8] =	ssyncset.done $0x0  }
0x2e: {  	s3 =	simm.s32 $0x9;
	[sflag:s8] =	ssyncadd.s32 $0xFFFFF000  }
0x2f: {  	[spmem:s2] =	stream.indirect.scatter.add.f32 [tilespmem:s1], [sflag:$0x10], $0x80, s5, s16, $0xb8;
	[tilespmem:$0x1E800] =	vst v63  }
0x30: {  	_ =	swait.ge [sflag:s3], $0x1000  }
0x31: {  	[sflag:s3] =	ssyncset.done $0x0  }
0x32: {  	s25 =	simm.s32 $0xA;
	[sflag:s3] =	ssyncadd.s32 $0xFFFFF000  }
0x33: {  	_ =	swait.ge [sflag:s25], $0x1000  }
0x34: {  	[sflag:s25] =	ssyncset.done $0x0  }
0x35: {  	s28 =	simm.s32 $0xB;
	[sflag:s25] =	ssyncadd.s32 $0xFFFFF000  }
0x36: {  	_ =	swait.ge [sflag:s28], $0x1000  }
0x37: {  	[sflag:s28] =	ssyncset.done $0x0  }
0x38: {  	[sflag:s28] =	ssyncadd.s32 $0xFFFFF000  }
0x39: {  	_ =	swait.ge [sflag:s17], $0x1000  }
0x3a: {  	[sflag:s17] =	ssyncset.done $0x0  }
0x3b: {  	[sflag:s17] =	ssyncadd.s32 $0xFFFFF000  }
0x3c: {  	_ =	swait.ge [sflag:s19], $0x1000  }
0x3d: {  	[sflag:s19] =	ssyncset.done $0x0  }
0x3e: {  	[sflag:s19] =	ssyncadd.s32 $0xFFFFF000  }
0x3f: {  	_ =	swait.ge [sflag:s21], $0x1000  }
0x40: {  	[sflag:s21] =	ssyncset.done $0x0  }
0x41: {  	[sflag:s21] =	ssyncadd.s32 $0xFFFFF000  }
0x42: {  	_ =	swait.ge [sflag:s23], $0x1000  }
.Ltmp3:
0x43: {  	[sflag:s23] =	ssyncset.done $0x0;
	(pc) =	sbr.rel @!p1 .LBB2_6-.Ltmp3, $4  }
0x44: {  	[sflag:s23] =	ssyncadd.s32 $0xFFFFF000  }
0x45: {  	_ =	swait.ge [sflag:s24], $0x1000  }
0x46: {  	p2 =	por $0x0, $0x0;
	[sflag:s24] =	ssyncset.done $0x0  }
0x47: {  	s13 =	simm.s32 $0x11;
	s25 =	simm.s32 $0x1;
	[sflag:s24] =	ssyncadd.s32 $0xFFFFF000  }
.LBB2_2:
0x48: {  	s5 =	smul.u32 @p0 $0x280, s25;
	_ =	sdelay $0x1  }
0x49: {  	s28 =	simm.s32 @p0 $0x0;
	s9 =	simm.s32 @p0 $0x14000;
	s5 =	sadd.s32 @p0 s6, s5  }
0x4a: {  	[tilespmem:s9], [sflag:$0x11] =	stream.linear.gather @p0 [hbm4b:s5+s28], $0x1400, $0x38;
	[tilespmem:$0x1E800] =	vst v63  }
0x4b: {  	s5 =	simm.s32 @p0 $0x11  }
0x4c: {  	s9 =	smul.u32 @!p0 $0xA0, s25;
	_ =	swait.ge @p0 [sflag:s5], $0x1400  }
0x4d: {  	s3 =	rddreg [dreg:$0x7]  }
0x4e: {  	s10 =	simm.s32 @!p0 $0x14000;
	s28 =	simm.s32 @!p0 $0x0;
	s9 =	sadd.s32 @!p0 s3, s9  }
0x4f: {  	[sflag:s5] =	ssyncset.done @p0 $0x0;
	s3 =	rddreg [dreg:$0x4];
	s9 =	sshll.u32 @!p0 s9, $0x2  }
0x50: {  	[sflag:s5] =	ssyncadd.s32 @p0 $0xFFFFEC00;
	s5 =	smul.u32 @p0 $0x1400, s25;
	s9 =	sadd.s32 @!p0 s3, s9  }
0x51: {  	[tilespmem:s10], [sflag:$0x11] =	stream.linear.gather @!p0 [hbm4b:s9+s28], $0x1400, $0x38;
	[tilespmem:$0x1E800] =	vst v63  }
0x52: {  	s9 =	simm.s32 @!p0 $0x11  }
0x53: {  	s5 =	sshrl.u32 @p0 s5, $0x3;
	s10 =	smul.u32 @!p0 $0x280, s25;
	_ =	swait.ge @!p0 [sflag:s9], $0x1400  }
0x54: {  	s5 =	sadd.s32 @p0 s6, s5;
	s25 =	simm.s32 $0x0;
	s3 =	rddreg [dreg:$0x8]  }
0x55: {  	s5 =	sadd.s32 @p0 $0x500, s5;
	[sflag:s9] =	ssyncset.done @!p0 $0x0;
	s10 =	sadd.s32 @!p0 s3, s10  }
0x56: {  	s28 =	simm.s32 $0x15400;
	[sflag:s9] =	ssyncadd.s32 @!p0 $0xFFFFEC00;
	s10 =	smov.u32 @p0 s5  }
0x57: {  	[tilespmem:s28], [sflag:$0x11] =	stream.linear.gather [hbm4b:s10+s25], $0x1400, $0x38;
	[tilespmem:$0x1E800] =	vst v63  }
0x58: {  	_ =	swait.ge [sflag:s13], $0x1400  }
0x59: {  	[sflag:s13] =	ssyncset.done $0x0  }
0x5a: {  	s5 =	simm.s32 $0x14000;
	[sflag:s13] =	ssyncadd.s32 $0xFFFFEC00  }
0x5b: {  	[tilespmem:s18], [sflag:$0x1] =	stream.indirect.gather [hbm4b:s4+s16], $0x80, s5, s16, $0xb8;
	[tilespmem:$0x1E800] =	vst v63  }
0x5c: {  	s9 =	simm.s32 $0x14020  }
0x5d: {  	[tilespmem:s20], [sflag:$0x2] =	stream.indirect.gather [hbm4b:s4+s16], $0x80, s9, s16, $0xb8;
	[tilespmem:$0x1E800] =	vst v63  }
0x5e: {  	s10 =	simm.s32 $0x14040  }
0x5f: {  	[tilespmem:s22], [sflag:$0x3] =	stream.indirect.gather [hbm4b:s4+s16], $0x80, s10, s16, $0xb8;
	[tilespmem:$0x1E800] =	vst v63  }
0x60: {  	s14 =	simm.s32 $0x19800;
	s13 =	simm.s32 $0x14060  }
0x61: {  	[tilespmem:s14], [sflag:$0x4] =	stream.indirect.gather [hbm4b:s4+s16], $0x80, s13, s16, $0xb8;
	[tilespmem:$0x1E800] =	vst v63  }
0x62: {  	s15 =	simm.s32 $0x14080  }
0x63: {  	[tilespmem:s26], [sflag:$0x5] =	stream.indirect.gather [hbm4b:s4+s16], $0x80, s15, s16, $0xb8;
	[tilespmem:$0x1E800] =	vst v63  }
0x64: {  	p1 =	por p2, p2;
	s28 =	simm.s32 $0x140A0  }
0x65: {  	[tilespmem:s29], [sflag:$0x6] =	stream.indirect.gather [hbm4b:s4+s16], $0x80, s28, s16, $0xb8;
	[tilespmem:$0x1E800] =	vst v63  }
.LBB2_3:
0x66: {  	_ =	swait.ge [sflag:s30], $0x1000  }
0x67: {  	s28 =	sshra.s32 s25, $0x2;
	[sflag:s30] =	ssyncset.done $0x0  }
0x68: {  	p2 =	seq.s32 s25, $0x0;
	s5 =	sadd.s32 $0x15400, s28;
	[sflag:s30] =	ssyncadd.s32 $0xFFFFF000  }
0x69: {  	[spmem:s2] =	stream.indirect.scatter.add.f32 [tilespmem:s18], [sflag:$0x9], $0x80, s5, s16, $0xb8;
	[tilespmem:$0x1E800] =	vst v63  }
0x6a: {  	s5 =	simm.s32 @!p2 $0xF  }
0x6b: {  	_ =	swait.ge @!p2 [sflag:s5], $0x1000  }
0x6c: {  	[sflag:s5] =	ssyncset.done @!p2 $0x0  }
0x6d: {  	s9 =	sadd.s32 $0x140C0, s28;
	[sflag:s5] =	ssyncadd.s32 @!p2 $0xFFFFF000  }
0x6e: {  	[tilespmem:s31], [sflag:$0x7] =	stream.indirect.gather [hbm4b:s4+s16], $0x80, s9, s16, $0xb8;
	[tilespmem:$0x1E800] =	vst v63  }
0x6f: {  	_ =	swait.ge [sflag:s0], $0x1000  }
0x70: {  	[sflag:s0] =	ssyncset.done $0x0  }
0x71: {  	s10 =	sadd.s32 $0x15420, s28;
	s5 =	simm.s32 @!p2 $0x10;
	[sflag:s0] =	ssyncadd.s32 $0xFFFFF000  }
0x72: {  	[spmem:s2] =	stream.indirect.scatter.add.f32 [tilespmem:s20], [sflag:$0xA], $0x80, s10, s16, $0xb8;
	[tilespmem:$0x1E800] =	vst v63  }
0x73: {  	_ =	swait.ge @!p2 [sflag:s5], $0x1000  }
0x74: {  	[sflag:s5] =	ssyncset.done @!p2 $0x0  }
0x75: {  	s13 =	sadd.s32 $0x140E0, s28;
	[sflag:s5] =	ssyncadd.s32 @!p2 $0xFFFFF000  }
0x76: {  	[tilespmem:s1], [sflag:$0x8] =	stream.indirect.gather [hbm4b:s4+s16], $0x80, s13, s16, $0xb8;
	[tilespmem:$0x1E800] =	vst v63  }
0x77: {  	_ =	swait.ge [sflag:s7], $0x1000  }
0x78: {  	p2 =	seq.s32 s25, $0x4C00;
	[sflag:s7] =	ssyncset.done $0x0  }
0x79: {  	s14 =	sadd.s32 $0x15440, s28;
	s5 =	simm.s32 @p2 $0x4;
	[sflag:s7] =	ssyncadd.s32 $0xFFFFF000  }
0x7a: {  	[spmem:s2] =	stream.indirect.scatter.add.f32 [tilespmem:s22], [sflag:$0xB], $0x80, s14, s16, $0xb8;
	[tilespmem:$0x1E800] =	vst v63  }
0x7b: {  	_ =	swait.ge @p2 [sflag:s5], $0x1000  }
0x7c: {  	[sflag:s5] =	ssyncset.done @p2 $0x0  }
0x7d: {  	[sflag:s5] =	ssyncadd.s32 @p2 $0xFFFFF000;
	s5 =	sshra.s32 @p2 s25, $0x2  }
0x7e: {  	s10 =	simm.s32 @p2 $0x20;
	s14 =	simm.s32 @p2 $0x19800;
	s9 =	sadd.s32 @p2 $0x15460, s5  }
0x7f: {  	[spmem:s2] =	stream.indirect.scatter.add.f32 @p2 [tilespmem:s14], [sflag:$0xC], $0x80, s9, s10, $0xb8;
	[tilespmem:$0x1E800] =	vst v63  }
0x80: {  	s9 =	simm.s32 @!p2 $0x9  }
0x81: {  	_ =	swait.ge @!p2 [sflag:s9], $0x1000  }
0x82: {  	[sflag:s9] =	ssyncset.done @!p2 $0x0  }
0x83: {  	[sflag:s9] =	ssyncadd.s32 @!p2 $0xFFFFF000;
	s9 =	sshra.s32 @!p2 s25, $0x2  }
0x84: {  	s13 =	simm.s32 @!p2 $0x20;
	s3 =	simm.s32 @!p2 $0x16800;
	s14 =	sadd.s32 @!p2 $0x14100, s9  }
0x85: {  	[tilespmem:s3], [sflag:$0x1] =	stream.indirect.gather @!p2 [hbm4b:s4+s13], $0x80, s14, s13, $0xb8;
	[tilespmem:$0x1E800] =	vst v63  }
0x86: {  	s3 =	simm.s32 @!p2 $0x4  }
0x87: {  	_ =	swait.ge @!p2 [sflag:s3], $0x1000  }
0x88: {  	[sflag:s3] =	ssyncset.done @!p2 $0x0  }
0x89: {  	s14 =	simm.s32 @!p2 $0x19800;
	[sflag:s3] =	ssyncadd.s32 @!p2 $0xFFFFF000;
	s3 =	sadd.s32 @!p2 $0x15460, s9  }
0x8a: {  	[spmem:s2] =	stream.indirect.scatter.add.f32 @!p2 [tilespmem:s14], [sflag:$0xC], $0x80, s3, s13, $0xb8;
	[tilespmem:$0x1E800] =	vst v63  }
0x8b: {  	s3 =	simm.s32 @!p2 $0xA  }
0x8c: {  	_ =	swait.ge @!p2 [sflag:s3], $0x1000  }
0x8d: {  	[sflag:s3] =	ssyncset.done @!p2 $0x0  }
0x8e: {  	s15 =	simm.s32 @!p2 $0x17800;
	[sflag:s3] =	ssyncadd.s32 @!p2 $0xFFFFF000;
	s3 =	sadd.s32 @!p2 $0x14120, s9  }
0x8f: {  	[tilespmem:s15], [sflag:$0x2] =	stream.indirect.gather @!p2 [hbm4b:s4+s13], $0x80, s3, s13, $0xb8;
	[tilespmem:$0x1E800] =	vst v63  }
0x90: {  	_ =	swait.ge [sflag:s11], $0x1000  }
0x91: {  	[sflag:s11] =	ssyncset.done $0x0  }
0x92: {  	s15 =	sadd.s32 $0x15480, s28;
	s3 =	simm.s32 @p2 $0x6;
	[sflag:s11] =	ssyncadd.s32 $0xFFFFF000  }
0x93: {  	[spmem:s2] =	stream.indirect.scatter.add.f32 [tilespmem:s26], [sflag:$0xD], $0x80, s15, s16, $0xb8;
	[tilespmem:$0x1E800] =	vst v63  }
0x94: {  	_ =	swait.ge @p2 [sflag:s3], $0x1000  }
0x95: {  	[sflag:s3] =	ssyncset.done @p2 $0x0  }
0x96: {  	[sflag:s3] =	ssyncadd.s32 @p2 $0xFFFFF000;
	s3 =	sadd.s32 @p2 $0x154A0, s5;
	s5 =	simm.s32 @p2 $0x1B800  }
0x97: {  	[spmem:s2] =	stream.indirect.scatter.add.f32 @p2 [tilespmem:s5], [sflag:$0xE], $0x80, s3, s10, $0xb8;
	[tilespmem:$0x1E800] =	vst v63  }
0x98: {  	s3 =	simm.s32 @!p2 $0xB  }
0x99: {  	_ =	swait.ge @!p2 [sflag:s3], $0x1000  }
0x9a: {  	[sflag:s3] =	ssyncset.done @!p2 $0x0  }
0x9b: {  	s5 =	simm.s32 @!p2 $0x18800;
	[sflag:s3] =	ssyncadd.s32 @!p2 $0xFFFFF000;
	s3 =	sadd.s32 @!p2 $0x14140, s9  }
0x9c: {  	[tilespmem:s5], [sflag:$0x3] =	stream.indirect.gather @!p2 [hbm4b:s4+s13], $0x80, s3, s13, $0xb8;
	[tilespmem:$0x1E800] =	vst v63  }
0x9d: {  	s3 =	simm.s32 @!p2 $0x6  }
0x9e: {  	_ =	swait.ge @!p2 [sflag:s3], $0x1000  }
0x9f: {  	[sflag:s3] =	ssyncset.done @!p2 $0x0  }
0xa0: {  	s5 =	simm.s32 @!p2 $0x1B800;
	[sflag:s3] =	ssyncadd.s32 @!p2 $0xFFFFF000;
	s3 =	sadd.s32 @!p2 $0x154A0, s9  }
0xa1: {  	[spmem:s2] =	stream.indirect.scatter.add.f32 @!p2 [tilespmem:s5], [sflag:$0xE], $0x80, s3, s13, $0xb8;
	[tilespmem:$0x1E800] =	vst v63  }
0xa2: {  	s3 =	simm.s32 @!p2 $0xC  }
0xa3: {  	_ =	swait.ge @!p2 [sflag:s3], $0x1000  }
0xa4: {  	[sflag:s3] =	ssyncset.done @!p2 $0x0  }
0xa5: {  	[sflag:s3] =	ssyncadd.s32 @!p2 $0xFFFFF000;
	s3 =	sadd.s32 @!p2 $0x14160, s9  }
0xa6: {  	[tilespmem:s14], [sflag:$0x4] =	stream.indirect.gather @!p2 [hbm4b:s4+s13], $0x80, s3, s13, $0xb8;
	[tilespmem:$0x1E800] =	vst v63  }
.Ltmp4:
0xa7: {  	_ = 	snop;
	(pc) =	sbr.rel @p2 .LBB2_5-.Ltmp4, $4  }
0xa8: {  	_ =	swait.ge [sflag:s12], $0x1000  }
0xa9: {  	[sflag:s12] =	ssyncset.done $0x0  }
0xaa: {  	s15 =	sadd.s32 $0x154C0, s28;
	s5 =	sadd.s32 $0x154E0, s28;
	[sflag:s12] =	ssyncadd.s32 $0xFFFFF000  }
0xab: {  	[spmem:s2] =	stream.indirect.scatter.add.f32 [tilespmem:s31], [sflag:$0xF], $0x80, s15, s16, $0xb8;
	[tilespmem:$0x1E800] =	vst v63  }
0xac: {  	_ =	swait.ge [sflag:s19], $0x1000  }
0xad: {  	[sflag:s19] =	ssyncset.done $0x0  }
0xae: {  	s3 =	sadd.s32 $0x14180, s28;
	[sflag:s19] =	ssyncadd.s32 $0xFFFFF000  }
0xaf: {  	[tilespmem:s26], [sflag:$0x5] =	stream.indirect.gather [hbm4b:s4+s16], $0x80, s3, s16, $0xb8;
	[tilespmem:$0x1E800] =	vst v63  }
0xb0: {  	_ =	swait.ge [sflag:s8], $0x1000  }
0xb1: {  	[sflag:s8] =	ssyncset.done $0x0  }
0xb2: {  	[sflag:s8] =	ssyncadd.s32 $0xFFFFF000  }
0xb3: {  	[spmem:s2] =	stream.indirect.scatter.add.f32 [tilespmem:s1], [sflag:$0x10], $0x80, s5, s16, $0xb8;
	[tilespmem:$0x1E800] =	vst v63  }
.Ltmp5:
0xb4: {  	_ = 	snop;
	(pc) =	sbr.rel .LBB2_3-.Ltmp5, $4  }
0xb5: {  	_ =	swait.ge [sflag:s21], $0x1000  }
0xb6: {  	[sflag:s21] =	ssyncset.done $0x0  }
0xb7: {  	s28 =	sadd.s32 $0x141A0, s28;
	s25 =	sadd.s32 $0x400, s25;
	[sflag:s21] =	ssyncadd.s32 $0xFFFFF000  }
0xb8: {  	[tilespmem:s29], [sflag:$0x6] =	stream.indirect.gather [hbm4b:s4+s16], $0x80, s28, s16, $0xb8;
	[tilespmem:$0x1E800] =	vst v63  }
.LBB2_7:
0xb9: {  	_ =	sfence.sel $0x180000  }
0xba: {  	[bflag:$0x0] =	sbarrier.arrive $0xFFFF  }
0xbb: {  	_ =	strace $0x9000004A  }
0xbc: {  	s0 =	stileid.u32;
	[bflag:$0x2] =	sbarrier.arrive $0xFFFF  }
0xbd: {  	p0 =	sne.s32 s0, $0x0;
	s0 =	rddreg [dreg:$0x2]  }
0xbe: {  	s0 =	sadd.s32 @!p0 $0x100000, s0  }
0xbf: {  	[sflag:s0] =	ssyncadd.tile.s32 @!p0 $0x1;
	_ =	shalt  }
.Lfunc_end2:
_tile_overlayer_lowered:
.L_overlay_start_2:
0xc0: {  	(tag) =	ssettag $0x2  }
0xc1: {  	s0 =	rddreg [dreg:$0x0];
	s2 =	stileid.u32  }
0xc2: {  	s1 =	rddreg [dreg:$0x1];
	p0 =	sne.s32 s2, $0x0  }
0xc3: {  	s3 =	rddreg [dreg:$0x2];
	[bflag:$0x3] =	sbarrier.arrive $0xFFFF;
	s2 =	simm.s32 @!p0 $0x1C11  }
0xc4: {  	[timem:s3], [sflag:s2] =	dma.local @!p0 [hbm:s0], s1  }
0xc5: {  	s0 =	simm.s32 @!p0 $0x11  }
0xc6: {  	_ =	swait.ge @!p0 [sflag:s0], s1  }
0xc7: {  	s1 =	ssub.s32 @!p0 $0x0, s1;
	[sflag:s0] =	ssyncset.done @!p0 $0x0  }
0xc8: {  	[sflag:s0] =	ssyncadd.s32 @!p0 s1  }
0xc9: {  	[bflag:$0x3] =	sbarrier.arrive $0xFFFF  }
0xca: {  	_ =	shalt  }

// kernel: kernel.15.cloned.1.call-start
scs
__scs_entry_jumppad:
0x0: {  	(pc) =	sbr.rel $0x88, $3  }
0x1: {  	(tag) =	ssettag $0x0;
	lr =	simm.s32 $0x1  }
0x2: {  	[smem:$0x3F9B] =	sst lr;
	_ =	strace $0xD0000000  }
0x3: {  	_ = 	snop  }
0x4: {  	_ = 	snop  }
0x5: {  	_ = 	snop  }
0x6: {  	_ = 	snop  }
0x7: {  	_ = 	snop  }
__scs_overlays_trampoline_lowered:
0x8: {  	[smem:$0x3FAA] =	sst s0  }
0x9: {  	[smem:$0x3FAB] =	sst s1  }
0xa: {  	[smem:$0x3FAC] =	sst s2  }
0xb: {  	[smem:$0x3FAD] =	sst s3  }
0xc: {  	[smem:$0x3FAE] =	sst s4  }
0xd: {  	[smem:$0x3FAF] =	sst s5  }
0xe: {  	[smem:$0x3FB0] =	sst s6  }
0xf: {  	[smem:$0x3FB1] =	sst s7  }
0x10: {  	[smem:$0x3FB2] =	sst s8  }
0x11: {  	[smem:$0x3FB3] =	sst s9;
	s0 =	simm.s32 @!p0 $0x0  }
0x12: {  	s1 =	sld [smem:$0x3F99];
	s0 =	simm.s32 @p0 $0x1  }
0x13: {  	[smem:$0x3FB4] =	sst s0;
	s0 =	simm.s32 @!p1 $0x0  }
0x14: {  	s2 =	sld [smem:$0x3F98];
	s0 =	simm.s32 @p1 $0x1  }
0x15: {  	[smem:$0x3FB5] =	sst s0;
	s0 =	simm.s32 @!p2 $0x0  }
0x16: {  	s3 =	sld [smem:$0x3FDB];
	s0 =	simm.s32 @p2 $0x1  }
0x17: {  	s4 =	simm.s32 $0x1BF5;
	[smem:$0x3FB7] =	sst s0  }
0x18: {  	s0 =	sld [smem:$0x3F9A];
	_ =	swait.ge [sflag:s4], $0x0  }
0x19: {  	s7 =	sld [smem:$0x3F9B]  }
0x1a: {  	s8 =	sadd.s32 $0xFFFFE003, lr  }
0x1b: {  	s9 =	sadd.s32 $0xFFFFFEF7, lr;
	s5 =	simm.s32 $0xFFFFFFFF;
	p2 =	slt.u32 s8, $0xFFFFF086  }
0x1c: {  	p1 =	slt.u32 s9, $0xF7A;
	s5 =	simm.s32 @!p2 $0x0  }
0x1d: {  	s5 =	simm.s32 @p1 $0x1;
	p0 =	seq.s32 s7, s2  }
0x1e: {  	s7 =	smul.u32 @!p0 $0xF7A, s2;
	p2 =	seq.s32 @!p0 s5, $0x0  }
0x1f: {  	s9 =	smul.u32 $0xF7A, s1;
	s8 =	simm.s32 @!p0 $0x1BF5;
	p2 =	por !p2, p0  }
0x20: {  	[sflag:s8] =	ssyncset.s32 @!p0 $0xFFFFF086;
	s6 =	sadd.s32 @!p0 s3, s7;
	s7 =	simm.s32 @!p0 $0x108  }
0x21: {  	s3 =	sadd.s32 s3, s9;
	s6 =	sadd.s32 @!p0 $0x88, s6;
	s7 =	simm.s32 @p2 $0x1082  }
0x22: {  	[simem:s7], [sflag:s8] =	dma.local @!p0 [hbm:s6], $0xF7A  }
0x23: {  	s9 =	sor.u32 $0xD0000000, s2;
	s6 =	simm.s32 $0x108;
	_ =	swait.ge @!p0 [sflag:s8], $0x0  }
0x24: {  	s3 =	sadd.s32 $0x88, s3;
	s6 =	simm.s32 @!p1 $0x1082;
	[sflag:s4] =	ssyncset.s32 $0xFFFFF086  }
0x25: {  	[simem:s6], [sflag:s4] =	dma.local [hbm:s3], $0xF7A  }
0x26: {  	[smem:$0x3F9B] =	sst s1;
	(tag) =	ssettag s2;
	_ =	strace s9  }
0x27: {  	s1 =	sld [smem:$0x3FAB]  }
0x28: {  	s2 =	sld [smem:$0x3FAC]  }
0x29: {  	s4 =	sld [smem:$0x3FAE]  }
0x2a: {  	p0 =	seq.s32 s5, $0x0;
	s5 =	sld [smem:$0x3FAF]  }
0x2b: {  	s6 =	sld [smem:$0x3FB0]  }
0x2c: {  	s7 =	sld [smem:$0x3FB1]  }
0x2d: {  	s3 =	simm.s32 $0x108;
	s8 =	sld [smem:$0x3FB2]  }
0x2e: {  	s3 =	simm.s32 @!p0 $0x1082;
	s9 =	sld [smem:$0x3FB3]  }
0x2f: {  	lr =	sadd.s32 s0, s3;
	s0 =	sld [smem:$0x3FAA]  }
0x30: {  	s3 =	sld [smem:$0x3FAD]  }
0x31: {  	[smem:$0x3FB6] =	sst s10  }
0x32: {  	s10 =	sld [smem:$0x3FB4];
	_ =	sdelay $0x3  }
0x33: {  	p0 =	seq.s32 s10, $0x1;
	s10 =	sld [smem:$0x3FB6];
	_ =	sdelay $0x3  }
0x34: {  	[smem:$0x3FB6] =	sst s10  }
0x35: {  	s10 =	sld [smem:$0x3FB5];
	_ =	sdelay $0x3  }
0x36: {  	p1 =	seq.s32 s10, $0x1;
	s10 =	sld [smem:$0x3FB6];
	_ =	sdelay $0x3  }
0x37: {  	[smem:$0x3FB6] =	sst s10  }
0x38: {  	s10 =	sld [smem:$0x3FB7]  }
0x39: {  	_ = 	snop;
	(pc) =	sbr.ind lr, $3  }
0x3a: {  	_ = 	snop  }
0x3b: {  	_ = 	snop  }
0x3c: {  	p2 =	seq.s32 s10, $0x1;
	s10 =	sld [smem:$0x3FB6]  }
0x3d: {  	_ =	shalt  }
0x3e: {  	_ =	shalt  }
0x3f: {  	_ =	shalt  }
0x40: {  	_ =	shalt  }
0x41: {  	_ =	shalt  }
0x42: {  	_ =	shalt  }
0x43: {  	_ =	shalt  }
0x44: {  	_ =	shalt  }
0x45: {  	_ =	shalt  }
0x46: {  	_ =	shalt  }
0x47: {  	_ =	shalt  }
0x48: {  	_ =	shalt  }
0x49: {  	_ =	shalt  }
0x4a: {  	_ =	shalt  }
0x4b: {  	_ =	shalt  }
0x4c: {  	_ =	shalt  }
0x4d: {  	_ =	shalt  }
0x4e: {  	_ =	shalt  }
0x4f: {  	_ =	shalt  }
0x50: {  	_ =	shalt  }
0x51: {  	_ =	shalt  }
0x52: {  	_ =	shalt  }
0x53: {  	_ =	shalt  }
0x54: {  	_ =	shalt  }
0x55: {  	_ =	shalt  }
0x56: {  	_ =	shalt  }
0x57: {  	_ =	shalt  }
0x58: {  	_ =	shalt  }
0x59: {  	_ =	shalt  }
0x5a: {  	_ =	shalt  }
0x5b: {  	_ =	shalt  }
0x5c: {  	_ =	shalt  }
0x5d: {  	_ =	shalt  }
0x5e: {  	_ =	shalt  }
0x5f: {  	_ =	shalt  }
0x60: {  	_ =	shalt  }
0x61: {  	_ =	shalt  }
0x62: {  	_ =	shalt  }
0x63: {  	_ =	shalt  }
0x64: {  	_ =	shalt  }
0x65: {  	_ =	shalt  }
0x66: {  	_ =	shalt  }
0x67: {  	_ =	shalt  }
0x68: {  	_ =	shalt  }
0x69: {  	_ =	shalt  }
0x6a: {  	_ =	shalt  }
0x6b: {  	_ =	shalt  }
0x6c: {  	_ =	shalt  }
0x6d: {  	_ =	shalt  }
0x6e: {  	_ =	shalt  }
0x6f: {  	_ =	shalt  }
0x70: {  	_ =	shalt  }
0x71: {  	_ =	shalt  }
0x72: {  	_ =	shalt  }
0x73: {  	_ =	shalt  }
0x74: {  	_ =	shalt  }
0x75: {  	_ =	shalt  }
0x76: {  	_ =	shalt  }
0x77: {  	_ =	shalt  }
0x78: {  	_ =	shalt  }
0x79: {  	_ =	shalt  }
0x7a: {  	_ =	shalt  }
0x7b: {  	_ =	shalt  }
0x7c: {  	_ =	shalt  }
0x7d: {  	_ =	shalt  }
0x7e: {  	_ =	shalt  }
0x7f: {  	_ =	shalt  }
0x80: {  	_ =	shalt  }
0x81: {  	_ =	shalt  }
0x82: {  	_ =	shalt  }
0x83: {  	_ =	shalt  }
0x84: {  	_ =	shalt  }
0x85: {  	_ =	shalt  }
0x86: {  	_ =	shalt  }
0x87: {  	_ =	shalt  }
.Lfunc_end0:
.L_simem_size_0:
called_computation.2_lowered:
.L_overlay_start_0:
0x88: {  	s2 =	sld [smem:$0x3FD9]  }
0x89: {  	s3 =	sld [smem:$0x3FFE];
	_ =	sdelay $0x1  }
0x8a: {  	s1 =	srdreg.scid  }
0x8b: {  	s0 =	sand.u32 $0x1, s1  }
0x8c: {  	s16 =	sshll.u32 s0, $0xA;
	s2 =	sadd.s32 s3, s2  }
0x8d: {  	s2 =	sadd.s32 s2, s16  }
0x8e: {  	[smem:$0x3FC2] =	sst s2  }
0x8f: {  	_ = 	snop  }
0x90: {  	(tm) =	ssettm $0x1  }
0x91: {  	s17 =	sld [smem:$0x3FFB];
	_ =	sdelay $0x3  }
0x92: {  	_ =	strace s17  }
0x93: {  	s2 =	sld [smem:$0x3FFC];
	_ =	sdelay $0x3  }
0x94: {  	_ =	strace s2  }
0x95: {  	s2 =	sld [smem:$0x3FFD];
	_ =	sdelay $0x3  }
0x96: {  	_ =	strace s2  }
0x97: {  	_ =	strace $0x8FFFFFFF  }
0x98: {  	s18 =	sld [smem:$0x3FDB];
	_ =	sdelay $0x1  }
0x99: {  	s19 =	simm.s32 $_scs_section_size  }
0x9a: {  	s4 =	simm.s32 $_size__tile_overlayer_lowered;
	s5 =	simm.s32 $_tile_overlayer_lowered  }
0x9b: {  	s22 =	simm.s32 $0x1BFF;
	s21 =	sshll.u32 s5, $0x1;
	s2 =	sadd.s32 s19, s18  }
0x9c: {  	s6 =	simm.s32 $0x0;
	s20 =	sshll.u32 s4, $0x1;
	s4 =	sadd.s32 s21, s2  }
0x9d: {  	[timem:s6], [sflag:s22] =	dma.local [hbm:s4], s20  }
0x9e: {  	_ =	swait.ge [sflag:s22], s20  }
0x9f: {  	s3 =	ssub.s32 $0x0, s20;
	[sflag:s22] =	ssyncset.done $0x0  }
0xa0: {  	[sflag:s22] =	ssyncadd.s32 s3;
	_ =	sdelay $0x1  }
0xa1: {  	s23 =	simm.s32 $0x1B8B  }
0xa2: {  	_ =	swait.ge [sflag:s23], $0x1  }
0xa3: {  	[sflag:s23] =	ssyncset.done $0x0  }
0xa4: {  	s25 =	simm.s32 $0x1B8E;
	s24 =	sld [smem:$0x3FFE];
	[sflag:s23] =	ssyncadd.s32 $0xFFFFFFFF  }
0xa5: {  	s26 =	simm.s32 $execute0_lowered;
	[smem:$0x3FD2] =	sst s25  }
0xa6: {  	s4 =	sshll.u32 s26, $0x1;
	_ =	strace $0x8000004C;
	[dreg:$0x1] =	wrdreg $0xFFFFFFFF  }
0xa7: {  	s28 =	simm.s32 $_size_execute0_lowered;
	s2 =	sadd.s32 s2, s4;
	[dreg:$0x0] =	wrdreg $0x0  }
0xa8: {  	s4 =	sshll.u32 s28, $0x1;
	[dreg:$0x2] =	wrdreg s2  }
0xa9: {  	[dreg:$0x3] =	wrdreg s4  }
0xaa: {  	[dreg:$0x4] =	wrdreg $0xC0  }
0xab: {  	_ =	task [dreg:s6], $0x5FFFF  }
0xac: {  	[dreg:$0x1] =	wrdreg $0xFFFFFFFF  }
0xad: {  	[dreg:$0x0] =	wrdreg $0x60  }
0xae: {  	[dreg:$0x2] =	wrdreg s24  }
0xaf: {  	[dreg:$0x3] =	wrdreg $0x0  }
0xb0: {  	[dreg:$0x4] =	wrdreg $0x9  }
0xb1: {  	_ =	task.clear_ibuf [dreg:s6], $0x5FFFF;
	_ =	strace $0x9000004C  }
0xb2: {  	s29 =	simm.s32 $0x9;
	_ =	strace $0x8000004E  }
0xb3: {  	_ =	swait.ge [sflag:s29], $0x1  }
0xb4: {  	[sflag:s29] =	ssyncadd.s32 $0xFFFFFFFF  }
0xb5: {  	_ =	strace $0x9000004E  }
0xb6: {  	_ =	sfence  }
0xb7: {  	s30 =	sld [smem:$0x0];
	_ =	sdelay $0x2  }
0xb8: {  	s31 =	sshll.u32 s1, $0xD;
	s1 =	sshrl.u32 s1, $0x2  }
0xb9: {  	s3 =	sand.u32 $0x4000, s31;
	s1 =	sadd.s32 s1, s30  }
0xba: {  	s0 =	sor.u32 s3, s0;
	s1 =	sshll.u32 s1, $0x11  }
0xbb: {  	s0 =	sor.u32 s1, s0  }
0xbc: {  	s0 =	sadd.s32 $0x8F2B, s0  }
0xbd: {  	[sflag:s0] =	ssyncadd.remote.s32 $0x1  }
0xbe: {  	_ =	sfence.sel $0xFFFF  }
0xbf: {  	[dreg:$0x0] =	wrdreg $0xFFFFFFFF;
	(pc) =	sbr.abs _section_cstart, $3  }
0xc0: {  	[dreg:$0x1] =	wrdreg $0xFFFFFFFF  }
0xc1: {  	_ =	task.clear_ibuf [dreg:s6], $0x2FFFF;
	_ =	strace $0x9FFFFFFF  }
0xc2: {  	(tm) =	ssettm $0x7FFFFFFF  }
0xc3: {  	_ =	shalt  }
tec
execute0_lowered:
.L_overlay_start_1:
0x0: {  	(tag) =	ssettag $0x1  }
0x1: {  	s0 =	rddreg [dreg:$0x0]  }
0x2: {  	s2 =	rddreg [dreg:$0x1];
	s3 =	simm.s32 $0x0  }
0x3: {  	s1 =	srdreg.scid;
	s13 =	stileid.u32;
	s15 =	simm.s32 $0x80  }
0x4: {  	s16 =	simm.s32 $0xF000;
	s18 =	simm.s32 $0x11000;
	s20 =	simm.s32 $0x13000  }
0x5: {  	s28 =	simm.s32 $0x1;
	s29 =	simm.s32 $0x1B000;
	s30 =	simm.s32 $0x2  }
0x6: {  	s31 =	simm.s32 $0x1D000;
	s14 =	simm.s32 $0x7;
	s17 =	simm.s32 $0x8  }
0x7: {  	[smem:$0x7FF] =	sst s3;
	s1 =	sand.u32 $0x1, s1;
	s23 =	smul.u32 $0xA000, s13  }
0x8: {  	s4 =	sadd.s32 $0x18000, s0;
	s7 =	sadd.s32 $0x3C00, s0;
	s8 =	sadd.s32 $0x17600, s0  }
0x9: {  	s26 =	sshll.u32 s13, $0x6;
	_ =	strace $0x8000004D;
	s6 =	sshll.u32 s1, $0x4  }
0xa: {  	s5 =	smul.u32 $0xA0000, s1;
	s1 =	ssub.s32 $0x2, s1;
	s9 =	sor.u32 s13, s6  }
0xb: {  	s24 =	sshrl.u32 s1, $0x1;
	s11 =	sadd.s32 s23, s2;
	s3 =	sshrl.u32 s23, $0x3  }
0xc: {  	s6 =	sor.u32 $0x1C11, s26;
	s26 =	simm.s32 $0x19000;
	s10 =	smul.u32 $0x2800, s9  }
0xd: {  	s5 =	sadd.s32 s23, s5;
	s1 =	ssub.s32 s1, s24;
	s12 =	smul.u32 $0x500, s9  }
0xe: {  	s3 =	sadd.s32 s4, s3;
	p0 =	seq.s32 s9, $0x1F;
	s11 =	sshrl.u32 s11, $0x3  }
0xf: {  	s24 =	simm.s32 $0x17000;
	s5 =	sshrl.u32 s5, $0x3;
	[dreg:$0x3] =	wrdreg s3  }
0x10: {  	s1 =	smax.u32 s1, $0x1;
	s5 =	sadd.s32 s5, s0;
	s25 =	sshrl.u32 s10, $0x3  }
0x11: {  	s3 =	sadd.s32 s7, s12;
	s0 =	sadd.s32 $0x17B00, s0;
	[dreg:$0x7] =	wrdreg s1  }
.Ltmp0:
0x12: {  	s12 =	simm.s32 $0x11;
	s1 =	simm.s32 $0x5;
	(pc) =	sbr.rel .LBB2_1-.Ltmp0, $4  }
0x13: {  	s10 =	sadd.s32 s7, s25;
	s5 =	sadd.s32 $0x2C000, s5;
	s3 =	smov.u32 @p0 s8  }
0x14: {  	s25 =	simm.s32 $0xD;
	s7 =	sadd.s32 $0x9C40, s10;
	[dreg:$0x6] =	wrdreg s5  }
0x15: {  	[dreg:$0x4] =	wrdreg s3;
	s3 =	simm.s32 $0xE;
	s7 =	smov.u32 @p0 s0  }
0x16: {  	s10 =	simm.s32 $0x0;
	s0 =	simm.s32 $0x3;
	[dreg:$0x5] =	wrdreg s7  }
.LBB2_4:
0x17: {  	_ =	swait.ge [sflag:s17], $0x2000  }
0x18: {  	[sflag:s17] =	ssyncset.done $0x0  }
0x19: {  	s5 =	simm.s32 $0x9;
	[sflag:s17] =	ssyncadd.s32 $0xFFFFE000  }
0x1a: {  	[spmem:s2] =	stream.indirect.scatter.add.f32 [tilespmem:s31], [sflag:$0x10], $0x40, s8, s15, $0xb8;
	[tilespmem:$0x1F000] =	vst v63  }
0x1b: {  	_ =	swait.ge [sflag:s5], $0x2000  }
0x1c: {  	[sflag:s5] =	ssyncset.done $0x0  }
0x1d: {  	s8 =	simm.s32 $0xA;
	[sflag:s5] =	ssyncadd.s32 $0xFFFFE000  }
0x1e: {  	_ =	swait.ge [sflag:s8], $0x2000  }
0x1f: {  	[sflag:s8] =	ssyncset.done $0x0  }
0x20: {  	s9 =	simm.s32 $0xB;
	[sflag:s8] =	ssyncadd.s32 $0xFFFFE000  }
0x21: {  	_ =	swait.ge [sflag:s9], $0x2000  }
0x22: {  	[sflag:s9] =	ssyncset.done $0x0  }
0x23: {  	s13 =	simm.s32 $0xC;
	[sflag:s9] =	ssyncadd.s32 $0xFFFFE000  }
0x24: {  	_ =	swait.ge [sflag:s13], $0x2000  }
0x25: {  	[sflag:s13] =	ssyncset.done $0x0  }
0x26: {  	[sflag:s13] =	ssyncadd.s32 $0xFFFFE000  }
0x27: {  	_ =	swait.ge [sflag:s25], $0x2000  }
0x28: {  	[sflag:s25] =	ssyncset.done $0x0  }
0x29: {  	[sflag:s25] =	ssyncadd.s32 $0xFFFFE000  }
0x2a: {  	_ =	swait.ge [sflag:s3], $0x2000  }
0x2b: {  	[sflag:s3] =	ssyncset.done $0x0  }
0x2c: {  	s19 =	simm.s32 $0xF;
	[sflag:s3] =	ssyncadd.s32 $0xFFFFE000  }
0x2d: {  	_ =	swait.ge [sflag:s19], $0x2000  }
0x2e: {  	[sflag:s19] =	ssyncset.done $0x0  }
0x2f: {  	s21 =	simm.s32 $0x10;
	[sflag:s19] =	ssyncadd.s32 $0xFFFFE000  }
0x30: {  	_ =	swait.ge [sflag:s21], $0x2000  }
0x31: {  	[sflag:s21] =	ssyncset.done $0x0  }
0x32: {  	[sflag:s21] =	ssyncadd.s32 $0xFFFFE000  }
0x33: {  	[bflag:$0x0] =	sbarrier.arrive $0xFFFF  }
0x34: {  	s22 =	rddreg [dreg:$0x6]  }
0x35: {  	[hbm:s22], [sflag:s6] =	dma.local [spmem:s11], $0x1400  }
0x36: {  	_ =	swait.ge [sflag:s12], $0x1400  }
0x37: {  	s10 =	sadd.s32 $0x1, s10;
	s23 =	rddreg [dreg:$0x7]  }
0x38: {  	p0 =	sne.s32 s10, s23  }
.Ltmp1:
0x39: {  	_ = 	snop;
	(pc) =	sbr.rel @!p0 .LBB2_5-.Ltmp1, $3  }
0x3a: {  	_ =	sdelay $0x1  }
0x3b: {  	[sflag:s12] =	ssyncset.done $0x0  }
0x3c: {  	[sflag:s12] =	ssyncadd.s32 $0xFFFFEC00  }
.LBB2_1:
0x3d: {  	s5 =	rddreg [dreg:$0x3]  }
0x3e: {  	[spmem:s11], [sflag:s6] =	dma.local [hbm:s5], $0x1400  }
0x3f: {  	_ =	swait.ge [sflag:s12], $0x1400  }
0x40: {  	[sflag:s12] =	ssyncset.done $0x0  }
0x41: {  	[sflag:s12] =	ssyncadd.s32 $0xFFFFEC00  }
0x42: {  	[bflag:$0x0] =	sbarrier.arrive $0xFFFF  }
0x43: {  	s22 =	simm.s32 $0x0;
	s8 =	simm.s32 $0xA000;
	s7 =	rddreg [dreg:$0x4]  }
0x44: {  	[tilespmem:s8], [sflag:$0x11] =	stream.linear.gather [hbm4b:s7+s22], $0x2800, $0x38;
	[tilespmem:$0x1F000] =	vst v63  }
0x45: {  	_ =	swait.ge [sflag:s12], $0x2800  }
0x46: {  	[sflag:s12] =	ssyncset.done $0x0  }
0x47: {  	s9 =	simm.s32 $0xC800;
	s23 =	rddreg [dreg:$0x5];
	[sflag:s12] =	ssyncadd.s32 $0xFFFFD800  }
0x48: {  	[tilespmem:s9], [sflag:$0x11] =	stream.linear.gather [hbm4b:s23+s22], $0x2800, $0x38;
	[tilespmem:$0x1F000] =	vst v63  }
0x49: {  	_ =	swait.ge [sflag:s12], $0x2800  }
0x4a: {  	[sflag:s12] =	ssyncset.done $0x0  }
0x4b: {  	[sflag:s12] =	ssyncadd.s32 $0xFFFFD800  }
0x4c: {  	[tilespmem:s16], [sflag:$0x1] =	stream.indirect.gather [hbm4b:s4+s15], $0x40, s8, s15, $0xb8;
	[tilespmem:$0x1F000] =	vst v63  }
0x4d: {  	s9 =	simm.s32 $0xA080  }
0x4e: {  	[tilespmem:s18], [sflag:$0x2] =	stream.indirect.gather [hbm4b:s4+s15], $0x40, s9, s15, $0xb8;
	[tilespmem:$0x1F000] =	vst v63  }
0x4f: {  	s13 =	simm.s32 $0xA100  }
0x50: {  	[tilespmem:s20], [sflag:$0x3] =	stream.indirect.gather [hbm4b:s4+s15], $0x40, s13, s15, $0xb8;
	[tilespmem:$0x1F000] =	vst v63  }
0x51: {  	s19 =	simm.s32 $0xA180;
	s21 =	simm.s32 $0x15000  }
0x52: {  	[tilespmem:s21], [sflag:$0x4] =	stream.indirect.gather [hbm4b:s4+s15], $0x40, s19, s15, $0xb8;
	[tilespmem:$0x1F000] =	vst v63  }
0x53: {  	s22 =	simm.s32 $0xA200  }
0x54: {  	[tilespmem:s24], [sflag:$0x5] =	stream.indirect.gather [hbm4b:s4+s15], $0x40, s22, s15, $0xb8;
	[tilespmem:$0x1F000] =	vst v63  }
0x55: {  	s23 =	simm.s32 $0xA280;
	s13 =	simm.s32 $0x0  }
0x56: {  	[tilespmem:s26], [sflag:$0x6] =	stream.indirect.gather [hbm4b:s4+s15], $0x40, s23, s15, $0xb8;
	[tilespmem:$0x1F000] =	vst v63  }
.LBB2_2:
0x57: {  	_ =	swait.ge [sflag:s28], $0x2000  }
0x58: {  	s7 =	sshra.s32 s13, $0x2;
	[sflag:s28] =	ssyncset.done $0x0  }
0x59: {  	p0 =	seq.s32 s13, $0x0;
	s8 =	sadd.s32 $0xC800, s7;
	[sflag:s28] =	ssyncadd.s32 $0xFFFFE000  }
0x5a: {  	[spmem:s2] =	stream.indirect.scatter.add.f32 [tilespmem:s16], [sflag:$0x9], $0x40, s8, s15, $0xb8;
	[tilespmem:$0x1F000] =	vst v63  }
0x5b: {  	s8 =	simm.s32 @!p0 $0xF  }
0x5c: {  	_ =	swait.ge @!p0 [sflag:s8], $0x2000  }
0x5d: {  	[sflag:s8] =	ssyncset.done @!p0 $0x0  }
0x5e: {  	s21 =	sadd.s32 $0xA300, s7;
	[sflag:s8] =	ssyncadd.s32 @!p0 $0xFFFFE000  }
0x5f: {  	[tilespmem:s29], [sflag:$0x7] =	stream.indirect.gather [hbm4b:s4+s15], $0x40, s21, s15, $0xb8;
	[tilespmem:$0x1F000] =	vst v63  }
0x60: {  	_ =	swait.ge [sflag:s30], $0x2000  }
0x61: {  	[sflag:s30] =	ssyncset.done $0x0  }
0x62: {  	s22 =	sadd.s32 $0xC880, s7;
	s8 =	simm.s32 @!p0 $0x10;
	[sflag:s30] =	ssyncadd.s32 $0xFFFFE000  }
0x63: {  	[spmem:s2] =	stream.indirect.scatter.add.f32 [tilespmem:s18], [sflag:$0xA], $0x40, s22, s15, $0xb8;
	[tilespmem:$0x1F000] =	vst v63  }
0x64: {  	_ =	swait.ge @!p0 [sflag:s8], $0x2000  }
0x65: {  	[sflag:s8] =	ssyncset.done @!p0 $0x0  }
0x66: {  	s23 =	sadd.s32 $0xA380, s7;
	[sflag:s8] =	ssyncadd.s32 @!p0 $0xFFFFE000  }
0x67: {  	[tilespmem:s31], [sflag:$0x8] =	stream.indirect.gather [hbm4b:s4+s15], $0x40, s23, s15, $0xb8;
	[tilespmem:$0x1F000] =	vst v63  }
0x68: {  	_ =	swait.ge [sflag:s0], $0x2000  }
0x69: {  	p0 =	seq.s32 s13, $0x9000;
	[sflag:s0] =	ssyncset.done $0x0  }
0x6a: {  	s5 =	sadd.s32 $0xC900, s7;
	s8 =	simm.s32 @p0 $0x4;
	[sflag:s0] =	ssyncadd.s32 $0xFFFFE000  }
0x6b: {  	[spmem:s2] =	stream.indirect.scatter.add.f32 [tilespmem:s20], [sflag:$0xB], $0x40, s5, s15, $0xb8;
	[tilespmem:$0x1F000] =	vst v63  }
0x6c: {  	_ =	swait.ge @p0 [sflag:s8], $0x2000  }
0x6d: {  	[sflag:s8] =	ssyncset.done @p0 $0x0  }
0x6e: {  	[sflag:s8] =	ssyncadd.s32 @p0 $0xFFFFE000;
	s8 =	sshra.s32 @p0 s13, $0x2  }
0x6f: {  	s21 =	simm.s32 @p0 $0x80;
	s22 =	simm.s32 @p0 $0x15000;
	s19 =	sadd.s32 @p0 $0xC980, s8  }
0x70: {  	[spmem:s2] =	stream.indirect.scatter.add.f32 @p0 [tilespmem:s22], [sflag:$0xC], $0x40, s19, s21, $0xb8;
	[tilespmem:$0x1F000] =	vst v63  }
0x71: {  	s19 =	simm.s32 @!p0 $0x9  }
0x72: {  	_ =	swait.ge @!p0 [sflag:s19], $0x2000  }
0x73: {  	[sflag:s19] =	ssyncset.done @!p0 $0x0  }
0x74: {  	[sflag:s19] =	ssyncadd.s32 @!p0 $0xFFFFE000;
	s19 =	sshra.s32 @!p0 s13, $0x2  }
0x75: {  	s23 =	simm.s32 @!p0 $0x80;
	s5 =	simm.s32 @!p0 $0xF000;
	s22 =	sadd.s32 @!p0 $0xA400, s19  }
0x76: {  	[tilespmem:s5], [sflag:$0x1] =	stream.indirect.gather @!p0 [hbm4b:s4+s23], $0x40, s22, s23, $0xb8;
	[tilespmem:$0x1F000] =	vst v63  }
0x77: {  	s5 =	simm.s32 @!p0 $0x4  }
0x78: {  	_ =	swait.ge @!p0 [sflag:s5], $0x2000  }
0x79: {  	[sflag:s5] =	ssyncset.done @!p0 $0x0  }
0x7a: {  	s22 =	simm.s32 @!p0 $0x15000;
	[sflag:s5] =	ssyncadd.s32 @!p0 $0xFFFFE000;
	s5 =	sadd.s32 @!p0 $0xC980, s19  }
0x7b: {  	[spmem:s2] =	stream.indirect.scatter.add.f32 @!p0 [tilespmem:s22], [sflag:$0xC], $0x40, s5, s23, $0xb8;
	[tilespmem:$0x1F000] =	vst v63  }
0x7c: {  	s5 =	simm.s32 @!p0 $0xA  }
0x7d: {  	_ =	swait.ge @!p0 [sflag:s5], $0x2000  }
0x7e: {  	[sflag:s5] =	ssyncset.done @!p0 $0x0  }
0x7f: {  	s9 =	simm.s32 @!p0 $0x11000;
	[sflag:s5] =	ssyncadd.s32 @!p0 $0xFFFFE000;
	s5 =	sadd.s32 @!p0 $0xA480, s19  }
0x80: {  	[tilespmem:s9], [sflag:$0x2] =	stream.indirect.gather @!p0 [hbm4b:s4+s23], $0x40, s5, s23, $0xb8;
	[tilespmem:$0x1F000] =	vst v63  }
0x81: {  	_ =	swait.ge [sflag:s1], $0x2000  }
0x82: {  	[sflag:s1] =	ssyncset.done $0x0  }
0x83: {  	s9 =	sadd.s32 $0xCA00, s7;
	s5 =	simm.s32 @p0 $0x6;
	[sflag:s1] =	ssyncadd.s32 $0xFFFFE000  }
0x84: {  	[spmem:s2] =	stream.indirect.scatter.add.f32 [tilespmem:s24], [sflag:$0xD], $0x40, s9, s15, $0xb8;
	[tilespmem:$0x1F000] =	vst v63  }
0x85: {  	_ =	swait.ge @p0 [sflag:s5], $0x2000  }
0x86: {  	[sflag:s5] =	ssyncset.done @p0 $0x0  }
0x87: {  	[sflag:s5] =	ssyncadd.s32 @p0 $0xFFFFE000;
	s5 =	sadd.s32 @p0 $0xCA80, s8;
	s8 =	simm.s32 @p0 $0x19000  }
0x88: {  	[spmem:s2] =	stream.indirect.scatter.add.f32 @p0 [tilespmem:s8], [sflag:$0xE], $0x40, s5, s21, $0xb8;
	[tilespmem:$0x1F000] =	vst v63  }
0x89: {  	s5 =	simm.s32 @!p0 $0xB  }
0x8a: {  	_ =	swait.ge @!p0 [sflag:s5], $0x2000  }
0x8b: {  	[sflag:s5] =	ssyncset.done @!p0 $0x0  }
0x8c: {  	s8 =	simm.s32 @!p0 $0x13000;
	[sflag:s5] =	ssyncadd.s32 @!p0 $0xFFFFE000;
	s5 =	sadd.s32 @!p0 $0xA500, s19  }
0x8d: {  	[tilespmem:s8], [sflag:$0x3] =	stream.indirect.gather @!p0 [hbm4b:s4+s23], $0x40, s5, s23, $0xb8;
	[tilespmem:$0x1F000] =	vst v63  }
0x8e: {  	s5 =	simm.s32 @!p0 $0x6  }
0x8f: {  	_ =	swait.ge @!p0 [sflag:s5], $0x2000  }
0x90: {  	[sflag:s5] =	ssyncset.done @!p0 $0x0  }
0x91: {  	s8 =	simm.s32 @!p0 $0x19000;
	[sflag:s5] =	ssyncadd.s32 @!p0 $0xFFFFE000;
	s5 =	sadd.s32 @!p0 $0xCA80, s19  }
0x92: {  	[spmem:s2] =	stream.indirect.scatter.add.f32 @!p0 [tilespmem:s8], [sflag:$0xE], $0x40, s5, s23, $0xb8;
	[tilespmem:$0x1F000] =	vst v63  }
0x93: {  	s5 =	simm.s32 @!p0 $0xC  }
0x94: {  	_ =	swait.ge @!p0 [sflag:s5], $0x2000  }
0x95: {  	[sflag:s5] =	ssyncset.done @!p0 $0x0  }
0x96: {  	[sflag:s5] =	ssyncadd.s32 @!p0 $0xFFFFE000;
	s5 =	sadd.s32 @!p0 $0xA580, s19  }
0x97: {  	[tilespmem:s22], [sflag:$0x4] =	stream.indirect.gather @!p0 [hbm4b:s4+s23], $0x40, s5, s23, $0xb8;
	[tilespmem:$0x1F000] =	vst v63  }
.Ltmp2:
0x98: {  	_ = 	snop;
	(pc) =	sbr.rel @p0 .LBB2_4-.Ltmp2, $4  }
0x99: {  	_ =	swait.ge [sflag:s14], $0x2000  }
0x9a: {  	[sflag:s14] =	ssyncset.done $0x0  }
0x9b: {  	s8 =	sadd.s32 $0xCB80, s7;
	s23 =	sadd.s32 $0xCB00, s7;
	[sflag:s14] =	ssyncadd.s32 $0xFFFFE000  }
0x9c: {  	[spmem:s2] =	stream.indirect.scatter.add.f32 [tilespmem:s29], [sflag:$0xF], $0x40, s23, s15, $0xb8;
	[tilespmem:$0x1F000] =	vst v63  }
0x9d: {  	_ =	swait.ge [sflag:s25], $0x2000  }
0x9e: {  	[sflag:s25] =	ssyncset.done $0x0  }
0x9f: {  	s5 =	sadd.s32 $0xA600, s7;
	[sflag:s25] =	ssyncadd.s32 $0xFFFFE000  }
0xa0: {  	[tilespmem:s24], [sflag:$0x5] =	stream.indirect.gather [hbm4b:s4+s15], $0x40, s5, s15, $0xb8;
	[tilespmem:$0x1F000] =	vst v63  }
0xa1: {  	_ =	swait.ge [sflag:s17], $0x2000  }
0xa2: {  	[sflag:s17] =	ssyncset.done $0x0  }
0xa3: {  	[sflag:s17] =	ssyncadd.s32 $0xFFFFE000  }
0xa4: {  	[spmem:s2] =	stream.indirect.scatter.add.f32 [tilespmem:s31], [sflag:$0x10], $0x40, s8, s15, $0xb8;
	[tilespmem:$0x1F000] =	vst v63  }
.Ltmp3:
0xa5: {  	_ = 	snop;
	(pc) =	sbr.rel .LBB2_2-.Ltmp3, $4  }
0xa6: {  	_ =	swait.ge [sflag:s3], $0x2000  }
0xa7: {  	[sflag:s3] =	ssyncset.done $0x0  }
0xa8: {  	s23 =	sadd.s32 $0xA680, s7;
	s13 =	sadd.s32 $0x1000, s13;
	[sflag:s3] =	ssyncadd.s32 $0xFFFFE000  }
0xa9: {  	[tilespmem:s26], [sflag:$0x6] =	stream.indirect.gather [hbm4b:s4+s15], $0x40, s23, s15, $0xb8;
	[tilespmem:$0x1F000] =	vst v63  }
.LBB2_5:
0xaa: {  	_ =	sfence.sel $0x180000  }
0xab: {  	[bflag:$0x0] =	sbarrier.arrive $0xFFFF  }
0xac: {  	_ =	strace $0x9000004D  }
0xad: {  	s0 =	stileid.u32;
	[bflag:$0x2] =	sbarrier.arrive $0xFFFF  }
0xae: {  	p0 =	sne.s32 s0, $0x0;
	s0 =	rddreg [dreg:$0x2]  }
0xaf: {  	s0 =	sadd.s32 @!p0 $0x100000, s0  }
0xb0: {  	[sflag:s0] =	ssyncadd.tile.s32 @!p0 $0x1;
	_ =	shalt  }
.Lfunc_end2:
_tile_overlayer_lowered:
.L_overlay_start_2:
0xb1: {  	(tag) =	ssettag $0x2  }
0xb2: {  	s0 =	rddreg [dreg:$0x0];
	s2 =	stileid.u32  }
0xb3: {  	s1 =	rddreg [dreg:$0x1];
	p0 =	sne.s32 s2, $0x0  }
0xb4: {  	s3 =	rddreg [dreg:$0x2];
	[bflag:$0x3] =	sbarrier.arrive $0xFFFF;
	s2 =	simm.s32 @!p0 $0x1C11  }
0xb5: {  	[timem:s3], [sflag:s2] =	dma.local @!p0 [hbm:s0], s1  }
0xb6: {  	s0 =	simm.s32 @!p0 $0x11  }
0xb7: {  	_ =	swait.ge @!p0 [sflag:s0], s1  }
0xb8: {  	s1 =	ssub.s32 @!p0 $0x0, s1;
	[sflag:s0] =	ssyncset.done @!p0 $0x0  }
0xb9: {  	[sflag:s0] =	ssyncadd.s32 @!p0 s1  }
0xba: {  	[bflag:$0x3] =	sbarrier.arrive $0xFFFF  }
0xbb: {  	_ =	shalt  }

// kernel: kernel.9.cloned.1.call-start
scs
__scs_entry_jumppad:
0x0: {  	(pc) =	sbr.rel $0x88, $3  }
0x1: {  	(tag) =	ssettag $0x0;
	lr =	simm.s32 $0x1  }
0x2: {  	[smem:$0x3F9B] =	sst lr;
	_ =	strace $0xD0000000  }
0x3: {  	_ = 	snop  }
0x4: {  	_ = 	snop  }
0x5: {  	_ = 	snop  }
0x6: {  	_ = 	snop  }
0x7: {  	_ = 	snop  }
__scs_overlays_trampoline_lowered:
0x8: {  	[smem:$0x3FAA] =	sst s0  }
0x9: {  	[smem:$0x3FAB] =	sst s1  }
0xa: {  	[smem:$0x3FAC] =	sst s2  }
0xb: {  	[smem:$0x3FAD] =	sst s3  }
0xc: {  	[smem:$0x3FAE] =	sst s4  }
0xd: {  	[smem:$0x3FAF] =	sst s5  }
0xe: {  	[smem:$0x3FB0] =	sst s6  }
0xf: {  	[smem:$0x3FB1] =	sst s7  }
0x10: {  	[smem:$0x3FB2] =	sst s8  }
0x11: {  	[smem:$0x3FB3] =	sst s9;
	s0 =	simm.s32 @!p0 $0x0  }
0x12: {  	s1 =	sld [smem:$0x3F99];
	s0 =	simm.s32 @p0 $0x1  }
0x13: {  	[smem:$0x3FB4] =	sst s0;
	s0 =	simm.s32 @!p1 $0x0  }
0x14: {  	s2 =	sld [smem:$0x3F98];
	s0 =	simm.s32 @p1 $0x1  }
0x15: {  	[smem:$0x3FB5] =	sst s0;
	s0 =	simm.s32 @!p2 $0x0  }
0x16: {  	s3 =	sld [smem:$0x3FDB];
	s0 =	simm.s32 @p2 $0x1  }
0x17: {  	s4 =	simm.s32 $0x1BF5;
	[smem:$0x3FB7] =	sst s0  }
0x18: {  	s0 =	sld [smem:$0x3F9A];
	_ =	swait.ge [sflag:s4], $0x0  }
0x19: {  	s7 =	sld [smem:$0x3F9B]  }
0x1a: {  	s8 =	sadd.s32 $0xFFFFE003, lr  }
0x1b: {  	s9 =	sadd.s32 $0xFFFFFEF7, lr;
	s5 =	simm.s32 $0xFFFFFFFF;
	p2 =	slt.u32 s8, $0xFFFFF086  }
0x1c: {  	p1 =	slt.u32 s9, $0xF7A;
	s5 =	simm.s32 @!p2 $0x0  }
0x1d: {  	s5 =	simm.s32 @p1 $0x1;
	p0 =	seq.s32 s7, s2  }
0x1e: {  	s7 =	smul.u32 @!p0 $0xF7A, s2;
	p2 =	seq.s32 @!p0 s5, $0x0  }
0x1f: {  	s9 =	smul.u32 $0xF7A, s1;
	s8 =	simm.s32 @!p0 $0x1BF5;
	p2 =	por !p2, p0  }
0x20: {  	[sflag:s8] =	ssyncset.s32 @!p0 $0xFFFFF086;
	s6 =	sadd.s32 @!p0 s3, s7;
	s7 =	simm.s32 @!p0 $0x108  }
0x21: {  	s3 =	sadd.s32 s3, s9;
	s6 =	sadd.s32 @!p0 $0x88, s6;
	s7 =	simm.s32 @p2 $0x1082  }
0x22: {  	[simem:s7], [sflag:s8] =	dma.local @!p0 [hbm:s6], $0xF7A  }
0x23: {  	s9 =	sor.u32 $0xD0000000, s2;
	s6 =	simm.s32 $0x108;
	_ =	swait.ge @!p0 [sflag:s8], $0x0  }
0x24: {  	s3 =	sadd.s32 $0x88, s3;
	s6 =	simm.s32 @!p1 $0x1082;
	[sflag:s4] =	ssyncset.s32 $0xFFFFF086  }
0x25: {  	[simem:s6], [sflag:s4] =	dma.local [hbm:s3], $0xF7A  }
0x26: {  	[smem:$0x3F9B] =	sst s1;
	(tag) =	ssettag s2;
	_ =	strace s9  }
0x27: {  	s1 =	sld [smem:$0x3FAB]  }
0x28: {  	s2 =	sld [smem:$0x3FAC]  }
0x29: {  	s4 =	sld [smem:$0x3FAE]  }
0x2a: {  	p0 =	seq.s32 s5, $0x0;
	s5 =	sld [smem:$0x3FAF]  }
0x2b: {  	s6 =	sld [smem:$0x3FB0]  }
0x2c: {  	s7 =	sld [smem:$0x3FB1]  }
0x2d: {  	s3 =	simm.s32 $0x108;
	s8 =	sld [smem:$0x3FB2]  }
0x2e: {  	s3 =	simm.s32 @!p0 $0x1082;
	s9 =	sld [smem:$0x3FB3]  }
0x2f: {  	lr =	sadd.s32 s0, s3;
	s0 =	sld [smem:$0x3FAA]  }
0x30: {  	s3 =	sld [smem:$0x3FAD]  }
0x31: {  	[smem:$0x3FB6] =	sst s10  }
0x32: {  	s10 =	sld [smem:$0x3FB4];
	_ =	sdelay $0x3  }
0x33: {  	p0 =	seq.s32 s10, $0x1;
	s10 =	sld [smem:$0x3FB6];
	_ =	sdelay $0x3  }
0x34: {  	[smem:$0x3FB6] =	sst s10  }
0x35: {  	s10 =	sld [smem:$0x3FB5];
	_ =	sdelay $0x3  }
0x36: {  	p1 =	seq.s32 s10, $0x1;
	s10 =	sld [smem:$0x3FB6];
	_ =	sdelay $0x3  }
0x37: {  	[smem:$0x3FB6] =	sst s10  }
0x38: {  	s10 =	sld [smem:$0x3FB7]  }
0x39: {  	_ = 	snop;
	(pc) =	sbr.ind lr, $3  }
0x3a: {  	_ = 	snop  }
0x3b: {  	_ = 	snop  }
0x3c: {  	p2 =	seq.s32 s10, $0x1;
	s10 =	sld [smem:$0x3FB6]  }
0x3d: {  	_ =	shalt  }
0x3e: {  	_ =	shalt  }
0x3f: {  	_ =	shalt  }
0x40: {  	_ =	shalt  }
0x41: {  	_ =	shalt  }
0x42: {  	_ =	shalt  }
0x43: {  	_ =	shalt  }
0x44: {  	_ =	shalt  }
0x45: {  	_ =	shalt  }
0x46: {  	_ =	shalt  }
0x47: {  	_ =	shalt  }
0x48: {  	_ =	shalt  }
0x49: {  	_ =	shalt  }
0x4a: {  	_ =	shalt  }
0x4b: {  	_ =	shalt  }
0x4c: {  	_ =	shalt  }
0x4d: {  	_ =	shalt  }
0x4e: {  	_ =	shalt  }
0x4f: {  	_ =	shalt  }
0x50: {  	_ =	shalt  }
0x51: {  	_ =	shalt  }
0x52: {  	_ =	shalt  }
0x53: {  	_ =	shalt  }
0x54: {  	_ =	shalt  }
0x55: {  	_ =	shalt  }
0x56: {  	_ =	shalt  }
0x57: {  	_ =	shalt  }
0x58: {  	_ =	shalt  }
0x59: {  	_ =	shalt  }
0x5a: {  	_ =	shalt  }
0x5b: {  	_ =	shalt  }
0x5c: {  	_ =	shalt  }
0x5d: {  	_ =	shalt  }
0x5e: {  	_ =	shalt  }
0x5f: {  	_ =	shalt  }
0x60: {  	_ =	shalt  }
0x61: {  	_ =	shalt  }
0x62: {  	_ =	shalt  }
0x63: {  	_ =	shalt  }
0x64: {  	_ =	shalt  }
0x65: {  	_ =	shalt  }
0x66: {  	_ =	shalt  }
0x67: {  	_ =	shalt  }
0x68: {  	_ =	shalt  }
0x69: {  	_ =	shalt  }
0x6a: {  	_ =	shalt  }
0x6b: {  	_ =	shalt  }
0x6c: {  	_ =	shalt  }
0x6d: {  	_ =	shalt  }
0x6e: {  	_ =	shalt  }
0x6f: {  	_ =	shalt  }
0x70: {  	_ =	shalt  }
0x71: {  	_ =	shalt  }
0x72: {  	_ =	shalt  }
0x73: {  	_ =	shalt  }
0x74: {  	_ =	shalt  }
0x75: {  	_ =	shalt  }
0x76: {  	_ =	shalt  }
0x77: {  	_ =	shalt  }
0x78: {  	_ =	shalt  }
0x79: {  	_ =	shalt  }
0x7a: {  	_ =	shalt  }
0x7b: {  	_ =	shalt  }
0x7c: {  	_ =	shalt  }
0x7d: {  	_ =	shalt  }
0x7e: {  	_ =	shalt  }
0x7f: {  	_ =	shalt  }
0x80: {  	_ =	shalt  }
0x81: {  	_ =	shalt  }
0x82: {  	_ =	shalt  }
0x83: {  	_ =	shalt  }
0x84: {  	_ =	shalt  }
0x85: {  	_ =	shalt  }
0x86: {  	_ =	shalt  }
0x87: {  	_ =	shalt  }
.Lfunc_end0:
.L_simem_size_0:
called_computation_lowered:
.L_overlay_start_0:
0x88: {  	s2 =	sld [smem:$0x3FD9]  }
0x89: {  	s3 =	sld [smem:$0x3FFE];
	_ =	sdelay $0x1  }
0x8a: {  	s1 =	srdreg.scid  }
0x8b: {  	s0 =	sand.u32 $0x1, s1  }
0x8c: {  	s17 =	sshll.u32 s0, $0xA;
	s2 =	sadd.s32 s3, s2  }
0x8d: {  	s2 =	sadd.s32 s2, s17  }
0x8e: {  	[smem:$0x3FC2] =	sst s2  }
0x8f: {  	_ = 	snop  }
0x90: {  	s2 =	sld [smem:$0x3FD0];
	(tm) =	ssettm $0x1  }
0x91: {  	s18 =	sld [smem:$0x3FFB];
	_ =	sdelay $0x3  }
0x92: {  	_ =	strace s18  }
0x93: {  	s3 =	sld [smem:$0x3FFC];
	_ =	sdelay $0x3  }
0x94: {  	_ =	strace s3  }
0x95: {  	s3 =	sld [smem:$0x3FFD];
	_ =	sdelay $0x3  }
0x96: {  	_ =	strace s3  }
0x97: {  	_ =	strace $0x8FFFFFFF  }
0x98: {  	s19 =	sld [smem:$0x3FDB];
	_ =	sdelay $0x1  }
0x99: {  	s4 =	simm.s32 $_scs_section_size  }
0x9a: {  	s5 =	simm.s32 $_size__tile_overlayer_lowered;
	s6 =	simm.s32 $_tile_overlayer_lowered  }
0x9b: {  	s22 =	simm.s32 $0x1BFF;
	s21 =	sshll.u32 s6, $0x1;
	s3 =	sadd.s32 s4, s19  }
0x9c: {  	s7 =	simm.s32 $0x0;
	s20 =	sshll.u32 s5, $0x1;
	s5 =	sadd.s32 s21, s3  }
0x9d: {  	[timem:s7], [sflag:s22] =	dma.local [hbm:s5], s20  }
0x9e: {  	_ =	swait.ge [sflag:s22], s20  }
0x9f: {  	s4 =	ssub.s32 $0x0, s20;
	[sflag:s22] =	ssyncset.done $0x0  }
0xa0: {  	[sflag:s22] =	ssyncadd.s32 s4;
	_ =	sdelay $0x1  }
0xa1: {  	s23 =	simm.s32 $0x1B8B  }
0xa2: {  	_ =	swait.ge [sflag:s23], $0x1  }
0xa3: {  	[sflag:s23] =	ssyncset.done $0x0  }
0xa4: {  	s25 =	simm.s32 $0x1B8E;
	s24 =	sld [smem:$0x3FFE];
	[sflag:s23] =	ssyncadd.s32 $0xFFFFFFFF  }
0xa5: {  	s26 =	simm.s32 $execute0_lowered;
	[smem:$0x3FD2] =	sst s25  }
0xa6: {  	s5 =	sshll.u32 s26, $0x1;
	_ =	strace $0x80000046;
	[dreg:$0x1] =	wrdreg $0xFFFFFFFF  }
0xa7: {  	s28 =	simm.s32 $_size_execute0_lowered;
	s3 =	sadd.s32 s3, s5;
	[dreg:$0x0] =	wrdreg $0x0  }
0xa8: {  	s5 =	sshll.u32 s28, $0x1;
	[dreg:$0x2] =	wrdreg s3  }
0xa9: {  	[dreg:$0x3] =	wrdreg s5  }
0xaa: {  	[dreg:$0x4] =	wrdreg $0xC0  }
0xab: {  	_ =	task [dreg:s7], $0x5FFFF  }
0xac: {  	[dreg:$0x1] =	wrdreg $0xFFFFFFFF  }
0xad: {  	[dreg:$0x0] =	wrdreg $0x60  }
0xae: {  	[dreg:$0x2] =	wrdreg s2  }
0xaf: {  	[dreg:$0x3] =	wrdreg s24  }
0xb0: {  	[dreg:$0x4] =	wrdreg $0x0  }
0xb1: {  	[dreg:$0x5] =	wrdreg $0x9  }
0xb2: {  	_ =	task.clear_ibuf [dreg:s7], $0x6FFFF;
	_ =	strace $0x90000046  }
0xb3: {  	s29 =	simm.s32 $0x9;
	_ =	strace $0x80000048  }
0xb4: {  	_ =	swait.ge [sflag:s29], $0x1  }
0xb5: {  	[sflag:s29] =	ssyncadd.s32 $0xFFFFFFFF  }
0xb6: {  	_ =	strace $0x90000048  }
0xb7: {  	_ =	sfence  }
0xb8: {  	s30 =	sld [smem:$0x0];
	_ =	sdelay $0x2  }
0xb9: {  	s31 =	sshll.u32 s1, $0xD;
	s1 =	sshrl.u32 s1, $0x2  }
0xba: {  	s3 =	sand.u32 $0x4000, s31;
	s1 =	sadd.s32 s1, s30  }
0xbb: {  	s0 =	sor.u32 s3, s0;
	s1 =	sshll.u32 s1, $0x11  }
0xbc: {  	s0 =	sor.u32 s1, s0  }
0xbd: {  	s0 =	sadd.s32 $0x8F2B, s0  }
0xbe: {  	[sflag:s0] =	ssyncadd.remote.s32 $0x1  }
0xbf: {  	_ =	sfence.sel $0xFFFF  }
0xc0: {  	[dreg:$0x0] =	wrdreg $0xFFFFFFFF;
	(pc) =	sbr.abs _section_cstart, $3  }
0xc1: {  	[dreg:$0x1] =	wrdreg $0xFFFFFFFF  }
0xc2: {  	_ =	task.clear_ibuf [dreg:s7], $0x2FFFF;
	_ =	strace $0x9FFFFFFF  }
0xc3: {  	(tm) =	ssettm $0x7FFFFFFF  }
tec
execute0_lowered:
.L_overlay_start_1:
0x0: {  	(tag) =	ssettag $0x1  }
0x1: {  	s4 =	rddreg [dreg:$0x0]  }
0x2: {  	s6 =	rddreg [dreg:$0x1]  }
0x3: {  	s2 =	rddreg [dreg:$0x2];
	s3 =	srdreg.scid  }
0x4: {  	s0 =	rddreg [dreg:$0x3];
	s1 =	stileid.u32;
	s12 =	simm.s32 $0x2A80  }
0x5: {  	s15 =	simm.s32 $0x20;
	s16 =	simm.s32 $0x10;
	s17 =	simm.s32 $0x0  }
0x6: {  	s5 =	sand.u32 $0x1, s3;
	s3 =	simm.s32 $0x0;
	s7 =	smul.u32 $0x500, s1  }
0x7: {  	s10 =	smul.u32 $0xA00, s1;
	s13 =	sshll.u32 s1, $0x6;
	s8 =	sshll.u32 s5, $0x4  }
0x8: {  	[smem:$0x7FF] =	sst s3;
	s9 =	sshll.u32 s5, $0x7;
	s5 =	ssub.s32 $0x2, s5  }
0x9: {  	s13 =	sor.u32 $0x1C01, s13;
	s8 =	sor.u32 s1, s8;
	_ =	strace $0x80000047  }
0xa: {  	s7 =	sor.u32 s9, s7;
	s11 =	sshrl.u32 s5, $0x1;
	s31 =	sshrl.u32 s10, $0x2  }
0xb: {  	s10 =	simm.s32 $0x280;
	s30 =	smul.u32 $0x2800, s8;
	s7 =	sshrl.u32 s7, $0x3  }
0xc: {  	s11 =	ssub.s32 s5, s11;
	p0 =	seq.s32 s8, $0x1F;
	s7 =	sadd.s32 s7, s6  }
0xd: {  	s8 =	sadd.s32 $0x2D00, s6;
	s9 =	sshrl.u32 s30, $0x3;
	s6 =	sadd.s32 $0x3200, s7  }
0xe: {  	s7 =	smax.u32 s11, $0x1;
	s11 =	simm.s32 $0x80;
	s9 =	sadd.s32 s4, s9  }
0xf: {  	s4 =	sadd.s32 s31, s2;
	s5 =	sadd.s32 $0x9C80, s9;
	s9 =	simm.s32 $0x1  }
0x10: {  	v0 =	vimm.f32 $0.0e+00;
	v1 =	vimm.f32 $1.000000000e+00;
	s14 =	sshrl.u32 s4, $0x3;
	s5 =	smov.u32 @p0 s8;
	s8 =	simm.s32 $0x2B00  }
.LBB2_1:
0x11: {  	[tilespmem:$0x2B00] =	vst v0  }
0x12: {  	[tilespmem:$0x2B10] =	vst v0  }
0x13: {  	[tilespmem:$0x2B20] =	vst v0  }
0x14: {  	[tilespmem:$0x2B30] =	vst v0  }
0x15: {  	[tilespmem:$0x2B40] =	vst v0  }
0x16: {  	[tilespmem:$0x2B50] =	vst v0  }
0x17: {  	[tilespmem:$0x2B60] =	vst v0  }
0x18: {  	[tilespmem:$0x2B70] =	vst v0  }
0x19: {  	[tilespmem:$0x2B80] =	vst v0  }
0x1a: {  	[tilespmem:$0x2B90] =	vst v0  }
0x1b: {  	[tilespmem:$0x2BA0] =	vst v0  }
0x1c: {  	[tilespmem:$0x2BB0] =	vst v0  }
0x1d: {  	[tilespmem:$0x2BC0] =	vst v0  }
0x1e: {  	[tilespmem:$0x2BD0] =	vst v0  }
0x1f: {  	[tilespmem:$0x2BE0] =	vst v0  }
0x20: {  	[tilespmem:$0x2BF0] =	vst v0  }
0x21: {  	[tilespmem:$0x2C00] =	vst v0  }
0x22: {  	[tilespmem:$0x2C10] =	vst v0  }
0x23: {  	[tilespmem:$0x2C20] =	vst v0  }
0x24: {  	[tilespmem:$0x2C30] =	vst v0  }
0x25: {  	[tilespmem:$0x2C40] =	vst v0  }
0x26: {  	[tilespmem:$0x2C50] =	vst v0  }
0x27: {  	[tilespmem:$0x2C60] =	vst v0  }
0x28: {  	[tilespmem:$0x2C70] =	vst v0  }
0x29: {  	[tilespmem:$0x2C80] =	vst v0  }
0x2a: {  	[tilespmem:$0x2C90] =	vst v0  }
0x2b: {  	[tilespmem:$0x2CA0] =	vst v0  }
0x2c: {  	[tilespmem:$0x2CB0] =	vst v0  }
0x2d: {  	[tilespmem:$0x2CC0] =	vst v0  }
0x2e: {  	[tilespmem:$0x2CD0] =	vst v0  }
0x2f: {  	[tilespmem:$0x2CE0] =	vst v0  }
0x30: {  	[tilespmem:$0x2CF0] =	vst v0  }
0x31: {  	[tilespmem:$0x2D00] =	vst v0  }
0x32: {  	[tilespmem:$0x2D10] =	vst v0  }
0x33: {  	[tilespmem:$0x2D20] =	vst v0  }
0x34: {  	[tilespmem:$0x2D30] =	vst v0  }
0x35: {  	[tilespmem:$0x2D40] =	vst v0  }
0x36: {  	[tilespmem:$0x2D50] =	vst v0  }
0x37: {  	[tilespmem:$0x2D60] =	vst v0  }
0x38: {  	[tilespmem:$0x2D70] =	vst v0  }
0x39: {  	[tilespmem:$0x2A80] =	vst v1  }
0x3a: {  	[tilespmem:$0x2A90] =	vst v1  }
0x3b: {  	[tilespmem:$0x2AA0] =	vst v1  }
0x3c: {  	[tilespmem:$0x2AB0] =	vst v1  }
0x3d: {  	[tilespmem:$0x2AC0] =	vst v1  }
0x3e: {  	[tilespmem:$0x2AD0] =	vst v1  }
0x3f: {  	[tilespmem:$0x2AE0] =	vst v1  }
0x40: {  	[tilespmem:$0x2AF0] =	vst v1  }
0x41: {  	[spmem:s4] =	stream.linear.scatter [tilespmem:s8], [sflag:$0x1], $0x280, $0x38;
	[tilespmem:$0x2D80] =	vst v63  }
0x42: {  	_ =	swait.ge [sflag:s9], $0x280  }
0x43: {  	[sflag:s9] =	ssyncset.done $0x0  }
0x44: {  	[sflag:s9] =	ssyncadd.s32 $0xFFFFFD80  }
0x45: {  	[tilespmem:s10], [sflag:$0x1] =	stream.linear.gather [hbm4b:s5+s3], $0x2800, $0x38;
	[tilespmem:$0x2D80] =	vst v63  }
0x46: {  	_ =	swait.ge [sflag:s9], $0x2800  }
0x47: {  	[sflag:s9] =	ssyncset.done $0x0  }
0x48: {  	[sflag:s9] =	ssyncadd.s32 $0xFFFFD800  }
0x49: {  	s18 =	simm.s32 $0x280;
	[bflag:$0x0] =	sbarrier.arrive $0xFFFF  }
0x4a: {  	[spmem:s2] =	stream.indirect.scatter.add.f32 [tilespmem:s12], [sflag:$0x1], $0x1, s18, s11, $0xb8;
	[tilespmem:$0x2D80] =	vst v63  }
0x4b: {  	s18 =	simm.s32 $0x200;
	_ =	swait.ge [sflag:s9], $0x80  }
.LBB2_2:
0x4c: {  	s19 =	sshra.s32 s18, $0x2;
	[sflag:s9] =	ssyncset.done $0x0;
	p0 =	sne.s32 s18, $0x9E00  }
.Ltmp0:
0x4d: {  	s19 =	sadd.s32 $0x280, s19;
	[sflag:s9] =	ssyncadd.s32 $0xFFFFFF80;
	(pc) =	sbr.rel @p0 .LBB2_2-.Ltmp0, $3  }
0x4e: {  	[spmem:s2] =	stream.indirect.scatter.add.f32 [tilespmem:s12], [sflag:$0x1], $0x1, s19, s11, $0xb8;
	[tilespmem:$0x2D80] =	vst v63  }
0x4f: {  	s18 =	sadd.s32 $0x200, s18;
	_ =	sdelay $0x1  }
0x50: {  	_ =	swait.ge [sflag:s9], $0x80  }
0x51: {  	[sflag:s9] =	ssyncset.done $0x0;
	s17 =	sadd.s32 $0x1, s17  }
0x52: {  	[sflag:s9] =	ssyncadd.s32 $0xFFFFFF80;
	p0 =	sne.s32 s17, s7  }
.Ltmp1:
0x53: {  	[bflag:$0x0] =	sbarrier.arrive $0xFFFF;
	(pc) =	sbr.rel @p0 .LBB2_1-.Ltmp1, $4  }
0x54: {  	[hbm:s6@s15], [sflag:s13] =	dma.strided [spmem:s14@s16], $0x50, s9, $0x10   }
0x55: {  	_ =	swait.ge [sflag:s9], $0x50  }
0x56: {  	[sflag:s9] =	ssyncset.done $0x0  }
0x57: {  	[sflag:s9] =	ssyncadd.s32 $0xFFFFFFB0  }
0x58: {  	_ =	sfence.sel $0x180000  }
0x59: {  	[bflag:$0x0] =	sbarrier.arrive $0xFFFF  }
0x5a: {  	p0 =	sne.s32 s1, $0x0;
	_ =	strace $0x90000047  }
0x5b: {  	s0 =	sadd.s32 @!p0 $0x100000, s0;
	[bflag:$0x2] =	sbarrier.arrive $0xFFFF  }
0x5c: {  	[sflag:s0] =	ssyncadd.tile.s32 @!p0 $0x1;
	_ =	shalt  }
.Lfunc_end2:
_tile_overlayer_lowered:
.L_overlay_start_2:
0x5d: {  	(tag) =	ssettag $0x2  }
0x5e: {  	s0 =	rddreg [dreg:$0x0];
	s2 =	stileid.u32  }
0x5f: {  	s1 =	rddreg [dreg:$0x1];
	p0 =	sne.s32 s2, $0x0  }
0x60: {  	s3 =	rddreg [dreg:$0x2];
	[bflag:$0x3] =	sbarrier.arrive $0xFFFF;
	s2 =	simm.s32 @!p0 $0x1C01  }
0x61: {  	[timem:s3], [sflag:s2] =	dma.local @!p0 [hbm:s0], s1  }
0x62: {  	s0 =	simm.s32 @!p0 $0x1  }
0x63: {  	_ =	swait.ge @!p0 [sflag:s0], s1  }
0x64: {  	s1 =	ssub.s32 @!p0 $0x0, s1;
	[sflag:s0] =	ssyncset.done @!p0 $0x0  }
0x65: {  	[sflag:s0] =	ssyncadd.s32 @!p0 s1  }
0x66: {  	[bflag:$0x3] =	sbarrier.arrive $0xFFFF  }
0x67: {  	_ =	shalt  }

</sc_bundles>
